<compile_context>
chip_gen: v7x
topology: tpu7x:2x2x1
jax: 0.10.2.dev20260603
libtpu: 0.0.44.dev20260713+nightly
codegen_flags: <defaults>
</compile_context>

<pallas_src>
import math

import jax
import jax.numpy as jnp
from jax import lax
from jax.experimental import pallas as pl
from jax.experimental.pallas import tpu as pltpu
from jax.experimental.pallas import tpu_sc as plsc

N = 512
E = 8192
HID = 128
F = 128
NRBF = 64
H = 8
HD = F // H
NZ = 4
M = NZ * N
CUT_HI = 5.0

EBLK = 4096
NW = 32
EPW = E // NW
CHUNK = 128
NCH = EPW // CHUNK
RPS = M // 16


def _silu(t):
    return t * jax.nn.sigmoid(t)


def _dott(a, b):
    return lax.dot_general(a, b, (((1,), (1,)), ((), ())),
                           preferred_element_type=jnp.float32)


def _filter_body(ea_ref, ew_ref, src_ref, dst_ref, zf_ref, x_ref, fn1_ref,
                 fn1b_ref, fn2_ref, fn2b_ref, lin1_ref, w_ref, code_ref, h_ref):
    t = _dott(ea_ref[...], fn1_ref[...]) + fn1b_ref[...]
    t = _silu(t)
    w = _dott(t, fn2_ref[...]) + fn2b_ref[...]
    ew = ew_ref[...]
    c = 0.5 * (jnp.cos(ew * (math.pi / CUT_HI)) + 1.0)
    c = c * (ew < CUT_HI).astype(jnp.float32)
    w_ref[...] = w * c[:, None]

    src = src_ref[...]
    oh = (src[:, None] == lax.broadcasted_iota(jnp.int32, (EBLK, N), 1))
    zsrc = jnp.dot(oh.astype(jnp.bfloat16),
                   zf_ref[...][:, None].astype(jnp.bfloat16),
                   preferred_element_type=jnp.float32)

    code = zsrc[:, 0].astype(jnp.int32) * N + dst_ref[...]
    code_ref[...] = code.reshape(EBLK // CHUNK, CHUNK)

    @pl.when(pl.program_id(0) == 0)
    def _():
        h_ref[...] = _dott(x_ref[...], lin1_ref[...])


def _run_filter(edge_attr, edge_weight, src, dst, zf, x, fn1, fn1b, fn2, fn2b,
                lin1):
    grid = E // EBLK
    return pl.pallas_call(
        _filter_body,
        grid=(grid,),
        in_specs=[
            pl.BlockSpec((EBLK, NRBF), lambda e: (e, 0)),
            pl.BlockSpec((EBLK,), lambda e: (e,)),
            pl.BlockSpec((EBLK,), lambda e: (e,)),
            pl.BlockSpec((EBLK,), lambda e: (e,)),
            pl.BlockSpec((N,), lambda e: (0,)),
            pl.BlockSpec((N, HID), lambda e: (0, 0)),
            pl.BlockSpec((F, NRBF), lambda e: (0, 0)),
            pl.BlockSpec((1, F), lambda e: (0, 0)),
            pl.BlockSpec((F, F), lambda e: (0, 0)),
            pl.BlockSpec((1, F), lambda e: (0, 0)),
            pl.BlockSpec((F, HID), lambda e: (0, 0)),
        ],
        out_specs=[
            pl.BlockSpec((EBLK, F), lambda e: (e, 0)),
            pl.BlockSpec((EBLK // CHUNK, CHUNK), lambda e: (e, 0)),
            pl.BlockSpec((N, F), lambda e: (0, 0)),
        ],
        out_shape=[
            jax.ShapeDtypeStruct((E, F), jnp.float32),
            jax.ShapeDtypeStruct((E // CHUNK, CHUNK), jnp.int32),
            jax.ShapeDtypeStruct((N, F), jnp.float32),
        ],
    )(edge_attr, edge_weight, src, dst, zf, x, fn1, fn1b, fn2, fn2b, lin1)


def _sc_body(h_hbm, w_hbm, src_hbm, code_hbm, yp_hbm,
             src_v, code_v, rows_a, rows_b, wrows_a, wrows_b,
             ysh, sem_ix, sem_ha, sem_hb, sem_wa, sem_wb, sem_sc):
    c = lax.axis_index("c")
    s = lax.axis_index("s")
    wid = s * 2 + c
    base = wid * EPW

    w_a = pltpu.async_copy(w_hbm.at[pl.ds(base, CHUNK)], wrows_a, sem_wa)
    w_b = pltpu.async_copy(w_hbm.at[pl.ds(base + CHUNK, CHUNK)], wrows_b, sem_wb)

    cp_sa = pltpu.async_copy(src_hbm.at[pl.ds(base, CHUNK)], src_v.at[0], sem_ix)
    cp_sb = pltpu.async_copy(src_hbm.at[pl.ds(base + CHUNK, CHUNK)], src_v.at[1], sem_ix)
    cp_code = pltpu.async_copy(code_hbm.at[pl.ds(wid * NCH, NCH)], code_v, sem_ix)

    with jax.named_scope("zero"):
        def _zrow(r, carry):
            r4 = r * 4
            for rr in range(4):
                for k in range(F // 16):
                    rows_a[r4 + rr, pl.ds(k * 16, 16)] = jnp.zeros((16,), jnp.float32)
            return carry

        lax.fori_loop(0, RPS // 4, _zrow, 0)
        pltpu.sync_copy(rows_a, ysh.at[pl.ds(s * RPS, RPS)])

    with jax.named_scope("ixwait"):
        cp_sa.wait()
        cp_sb.wait()
        cp_code.wait()

    h_a = pltpu.async_copy(h_hbm.at[src_v.at[0]], rows_a, sem_ha)
    h_b = pltpu.async_copy(h_hbm.at[src_v.at[1]], rows_b, sem_hb)

    with jax.named_scope("barrier1"):
        plsc.subcore_barrier()


    def _mul(rows_v, wrows_v):
        def _mrow(r, carry):
            r4 = r * 4
            for rr in range(4):
                for k in range(F // 16):
                    sl = pl.ds(k * 16, 16)
                    rows_v[r4 + rr, sl] = rows_v[r4 + rr, sl] * wrows_v[r4 + rr, sl]
            return carry

        lax.fori_loop(0, CHUNK // 4, _mrow, 0)

    with jax.named_scope("mulscat"):
        h_a.wait()
        w_a.wait()
        _mul(rows_a, wrows_a)
        sc_a = pltpu.async_copy(rows_a, ysh.at[code_v.at[0]], sem_sc, add=True)
        h_b.wait()
        w_b.wait()
        _mul(rows_b, wrows_b)
        sc_b = pltpu.async_copy(rows_b, ysh.at[code_v.at[1]], sem_sc, add=True)
        sc_a.wait()
        sc_b.wait()

    with jax.named_scope("barrier2"):
        plsc.subcore_barrier()
    with jax.named_scope("writeback"):
        pltpu.sync_copy(ysh.at[pl.ds(s * RPS, RPS)], yp_hbm.at[c, pl.ds(s * RPS, RPS)])


def _run_sc(h, w, src, codes):
    mesh = plsc.VectorSubcoreMesh(core_axis_name="c", subcore_axis_name="s")
    return pl.kernel(
        _sc_body,
        out_type=jax.ShapeDtypeStruct((2, M, F), jnp.float32),
        mesh=mesh,
        scratch_types=[
            pltpu.VMEM((NCH, CHUNK), jnp.int32),
            pltpu.VMEM((NCH, CHUNK), jnp.int32),
            pltpu.VMEM((CHUNK, F), jnp.float32),
            pltpu.VMEM((CHUNK, F), jnp.float32),
            pltpu.VMEM((CHUNK, F), jnp.float32),
            pltpu.VMEM((CHUNK, F), jnp.float32),
            pltpu.VMEM_SHARED((M, F), jnp.float32),
            pltpu.SemaphoreType.DMA,
            pltpu.SemaphoreType.DMA,
            pltpu.SemaphoreType.DMA,
            pltpu.SemaphoreType.DMA,
            pltpu.SemaphoreType.DMA,
            pltpu.SemaphoreType.DMA,
        ],
    )(h, w, src, codes)


def _attn_body(yp_ref, q_w_ref, qb_ref, k_w_ref, kb_ref, v_w_ref, vb_ref,
               o1_ref, o1b_ref, o2_ref, o2b_ref, out_ref):
    y = yp_ref[0] + yp_ref[1]
    q = _dott(y, q_w_ref[...]) + qb_ref[...]
    k = _dott(y, k_w_ref[...]) + kb_ref[...]
    v = _dott(y, v_w_ref[...]) + vb_ref[...]
    ri = lax.broadcasted_iota(jnp.int32, (F, F), 0) // HD
    ci = lax.broadcasted_iota(jnp.int32, (F, F), 1) // HD
    p = (ri == ci).astype(jnp.float32)

    node = jnp.zeros((N, F), jnp.float32)
    for i in range(NZ):
        qi = q[i * N:(i + 1) * N]
        acc = jnp.zeros((N, F), jnp.float32)
        for j in range(NZ):
            kj = k[j * N:(j + 1) * N]
            t = jnp.dot(qi * kj, p, preferred_element_type=jnp.float32)
            acc = acc + _silu(t) * v[j * N:(j + 1) * N]
        node = node + _dott(acc, o1_ref[...]) + o1b_ref[...]

    o = _dott(node, o2_ref[...])
    out_ref[...] = _silu(o + o2b_ref[...])


def _run_attn(yp, q_w, qb, k_w, kb, v_w, vb, o1, o1b, o2, o2b):
    return pl.pallas_call(
        _attn_body,
        out_shape=jax.ShapeDtypeStruct((N, F), jnp.float32),
    )(yp, q_w, qb, k_w, kb, v_w, vb, o1, o1b, o2, o2b)


def kernel(x, z, edge_index, edge_weight, edge_attr, lin1_w, fn1_w, fn1_b,
           fn2_w, fn2_b, q_w, q_b, k_w, k_b, v_w, v_b, o1_w, o1_b, o2_w, o2_b):
    ei = edge_index.astype(jnp.int32)
    zf = z.astype(jnp.float32)

    w, codes, h = _run_filter(edge_attr, edge_weight, ei[0], ei[1], zf, x,
                              fn1_w, fn1_b.reshape(1, F), fn2_w,
                              fn2_b.reshape(1, F), lin1_w)
    yp = _run_sc(h, w, ei[0], codes)
    return _run_attn(yp, q_w, q_b.reshape(1, F), k_w, k_b.reshape(1, F),
                     v_w, v_b.reshape(1, F), o1_w, o1_b.reshape(1, F),
                     o2_w, o2_b.reshape(1, F))

# --- scband reference (transcript-rebuilt; emitter-appended) ---
"""Pipeline reference for scband-interaction-block-24197845746071 (READ-ONLY COPY).

The authoritative reference and input builder live on the scoring server;
editing this copy changes nothing except your own understanding.
"""

import jax, jax.numpy as jnp
import numpy as np

N = 512
E = 8192
HID = 128
F = 128
NRBF = 64
H = 8
CUT_HI = 5.0
NZ = 4

def silu(t):
    return t * jax.nn.sigmoid(t)

def _lin(k, fan_in, fan_out):
    lim = 1.0 / np.sqrt(fan_in)
    return jax.random.uniform(k, (fan_out, fan_in), minval=-lim, maxval=lim, dtype=jnp.float32)

def setup_inputs(seed: int = 0):
    key = jax.random.key(seed)
    ks = jax.random.split(key, 16)
    inp = {}
    inp['x'] = jax.random.normal(ks[0], (N, HID), dtype=jnp.float32)
    inp['z'] = jax.random.randint(ks[1], (N,), 0, NZ)
    inp['edge_index'] = jax.random.randint(ks[2], (2, E), 0, N)
    inp['edge_weight'] = jax.random.uniform(ks[3], (E,), dtype=jnp.float32)
    inp['edge_attr'] = jax.random.normal(ks[4], (E, NRBF), dtype=jnp.float32)
    inp['lin1_w'] = _lin(ks[5], HID, F)
    inp['fn1_w'] = _lin(ks[6], NRBF, F)
    inp['fn1_b'] = jnp.zeros((F,), jnp.float32)
    inp['fn2_w'] = _lin(ks[7], F, F)
    inp['fn2_b'] = jnp.zeros((F,), jnp.float32)
    inp['q_w'] = _lin(ks[8], F, F)
    inp['q_b'] = jnp.zeros((F,), jnp.float32)
    inp['k_w'] = _lin(ks[9], F, F)
    inp['k_b'] = jnp.zeros((F,), jnp.float32)
    inp['v_w'] = _lin(ks[10], F, F)
    inp['v_b'] = jnp.zeros((F,), jnp.float32)
    inp['o1_w'] = _lin(ks[11], F, F)
    inp['o1_b'] = jnp.zeros((F,), jnp.float32)
    inp['o2_w'] = _lin(ks[12], F, F)
    inp['o2_b'] = jnp.zeros((F,), jnp.float32)
    return inp

def reference(x, z, edge_index, edge_weight, edge_attr, lin1_w, fn1_w, fn1_b, fn2_w, fn2_b, q_w, q_b, k_w, k_b, v_w, v_b, o1_w, o1_b, o2_w, o2_b):
    n_nodes = x.shape[0]
    src = edge_index[0]
    dst = edge_index[1]
    # CosineCutoff with cutoff_lower == 0
    C = 0.5 * (jnp.cos(edge_weight * (jnp.pi / CUT_HI)) + 1.0)
    C = C * (edge_weight < CUT_HI).astype(jnp.float32)
    # filter_net
    W = silu(edge_attr @ fn1_w.T + fn1_b) @ fn2_w.T + fn2_b
    W = W * C[:, None]
    h = x @ lin1_w.T
    msg = h[src] * W  # message: x_j * W
    # aggregate: unique (z_src, dst) pairs, scatter-add, sort by dst
    code = z[src] * n_nodes + dst  # lexicographic (z, dst) encoding
    M = NZ * n_nodes
    y = jax.ops.segment_sum(msg, code, num_segments=M)
    cnt = jax.ops.segment_sum(jnp.ones((code.shape[0],), jnp.float32), code, num_segments=M)
    e_d = jnp.arange(M) % n_nodes
    order = jnp.argsort(e_d)
    y = y[order]
    d_sorted = e_d[order]
    valid = (cnt > 0)[order]
    # ElemAttn
    q = (y @ q_w.T + q_b).reshape(M, H, -1).transpose(1, 0, 2)
    k = (y @ k_w.T + k_b).reshape(M, H, -1).transpose(1, 0, 2)
    v = (y @ v_w.T + v_b).reshape(M, H, -1).transpose(1, 0, 2)
    attn = silu(jnp.matmul(q, k.transpose(0, 2, 1)))
    mask = ((d_sorted[:, None] == d_sorted[None, :]) & valid[:, None] & valid[None, :]).astype(attn.dtype)
    attn = attn * mask[None, :, :]
    out = jnp.matmul(attn, v)
    out = out.transpose(1, 0, 2).reshape(M, -1)
    out = out @ o1_w.T + o1_b
    out = out * valid.astype(out.dtype)[:, None]
    out = jax.ops.segment_sum(out, d_sorted, num_segments=n_nodes)
    out = out @ o2_w.T + o2_b
    return silu(out)

if __name__ == "__main__":
    import jax
    _d = setup_inputs()
    print(jax.jit(kernel)(*tuple(_d.values())))

</pallas_src>

<mosaic_0001>
#map = affine_map<(d0, d1) -> (0, 0)>
#map1 = affine_map<(d0, d1) -> (0)>
#map2 = affine_map<(d0, d1) -> (0, 0, 0)>
module attributes {stable_mosaic.version = 14 : i64} {
  func.func @_sc_body(%arg0: i32, %arg1: i32, %arg2: memref<512x128xf32, #tpu.memory_space<hbm>>, %arg3: memref<8192x128xf32, #tpu.memory_space<hbm>>, %arg4: memref<8192xi32, #tpu.memory_space<hbm>>, %arg5: memref<64x128xi32, #tpu.memory_space<hbm>>, %arg6: memref<2x2048x128xf32, #tpu.memory_space<hbm>>, %arg7: memref<2x128xi32, #tpu.memory_space<vmem>>, %arg8: memref<2x128xi32, #tpu.memory_space<vmem>>, %arg9: memref<128x128xf32, #tpu.memory_space<vmem>>, %arg10: memref<128x128xf32, #tpu.memory_space<vmem>>, %arg11: memref<128x128xf32, #tpu.memory_space<vmem>>, %arg12: memref<128x128xf32, #tpu.memory_space<vmem>>, %arg13: memref<2048x128xf32, #tpu.memory_space<vmem_shared>>, %arg14: memref<!tpu.dma_semaphore, #tpu.memory_space<semaphore_mem>>, %arg15: memref<!tpu.dma_semaphore, #tpu.memory_space<semaphore_mem>>, %arg16: memref<!tpu.dma_semaphore, #tpu.memory_space<semaphore_mem>>, %arg17: memref<!tpu.dma_semaphore, #tpu.memory_space<semaphore_mem>>, %arg18: memref<!tpu.dma_semaphore, #tpu.memory_space<semaphore_mem>>, %arg19: memref<!tpu.dma_semaphore, #tpu.memory_space<semaphore_mem>>) attributes {dimension_semantics = [#tpu.dimension_semantics<core_parallel>, #tpu.dimension_semantics<subcore_parallel>], iteration_bounds = array<i64: 2, 16>, scalar_prefetch = 0 : i64, scratch_operands = 13 : i64, tpu.core_type = #tpu.core_type<sc_vector_subcore>, window_params = [{transform_indices = #map}, {transform_indices = #map}, {transform_indices = #map1}, {transform_indices = #map}, {transform_indices = #map2}]} {
    %mul3A = arith.constant 2 : i32
    %mul3A_0 = arith.muli %arg1, %mul3A : i32
    %add3A = arith.addi %mul3A_0, %arg0 : i32
    %mul3A_1 = arith.constant 256 : i32
    %mul3A_2 = arith.muli %add3A, %mul3A_1 : i32
    %dma_start3A = arith.constant 0 : i32
    %dma_start3A_3 = tpu.memref_slice %arg3[%mul3A_2, %dma_start3A] : memref<8192x128xf32, #tpu.memory_space<hbm>> -> memref<128x128xf32, #tpu.memory_space<hbm>>
    %dma_start3A_4 = arith.constant 0 : i32
    %dma_start3A_5 = tpu.memref_slice %arg3[%mul3A_2, %dma_start3A_4] : memref<8192x128xf32, #tpu.memory_space<hbm>> -> memref<128x128xf32, #tpu.memory_space<hbm>>
    tpu.enqueue_dma source(%dma_start3A_5 : memref<128x128xf32, #tpu.memory_space<hbm>>) target(%arg11 : memref<128x128xf32, #tpu.memory_space<vmem>>) target_semaphore(%arg17 : memref<!tpu.dma_semaphore, #tpu.memory_space<semaphore_mem>>)
    %add3A_6 = arith.constant 128 : i32
    %add3A_7 = arith.addi %mul3A_2, %add3A_6 : i32
    %dma_start3A_8 = arith.constant 0 : i32
    %dma_start3A_9 = tpu.memref_slice %arg3[%add3A_7, %dma_start3A_8] : memref<8192x128xf32, #tpu.memory_space<hbm>> -> memref<128x128xf32, #tpu.memory_space<hbm>>
    %dma_start3A_10 = arith.constant 0 : i32
    %dma_start3A_11 = tpu.memref_slice %arg3[%add3A_7, %dma_start3A_10] : memref<8192x128xf32, #tpu.memory_space<hbm>> -> memref<128x128xf32, #tpu.memory_space<hbm>>
    tpu.enqueue_dma source(%dma_start3A_11 : memref<128x128xf32, #tpu.memory_space<hbm>>) target(%arg12 : memref<128x128xf32, #tpu.memory_space<vmem>>) target_semaphore(%arg18 : memref<!tpu.dma_semaphore, #tpu.memory_space<semaphore_mem>>)
    %dma_start3A_12 = arith.constant 0 : i32
    %dma_start3A_13 = arith.constant 0 : i32
    %dma_start3A_14 = tpu.memref_slice %arg7[%dma_start3A_12, %dma_start3A_13] : memref<2x128xi32, #tpu.memory_space<vmem>> -> memref<1x128xi32, #tpu.memory_space<vmem>>
    %dma_start3A_15 = tpu.memref_squeeze %dma_start3A_14 : memref<1x128xi32, #tpu.memory_space<vmem>> -> memref<128xi32, #tpu.memory_space<vmem>>
    %dma_start3A_16 = tpu.memref_slice %arg4[%mul3A_2] : memref<8192xi32, #tpu.memory_space<hbm>> -> memref<128xi32, #tpu.memory_space<hbm>>
    %dma_start3A_17 = arith.constant 0 : i32
    %dma_start3A_18 = tpu.memref_slice %arg7[%dma_start3A_12, %dma_start3A_17] : memref<2x128xi32, #tpu.memory_space<vmem>> -> memref<1x128xi32, #tpu.memory_space<vmem>>
    %dma_start3A_19 = tpu.memref_squeeze %dma_start3A_18 : memref<1x128xi32, #tpu.memory_space<vmem>> -> memref<128xi32, #tpu.memory_space<vmem>>
    %dma_start3A_20 = tpu.memref_slice %arg4[%mul3A_2] : memref<8192xi32, #tpu.memory_space<hbm>> -> memref<128xi32, #tpu.memory_space<hbm>>
    tpu.enqueue_dma source(%dma_start3A_20 : memref<128xi32, #tpu.memory_space<hbm>>) target(%dma_start3A_19 : memref<128xi32, #tpu.memory_space<vmem>>) target_semaphore(%arg14 : memref<!tpu.dma_semaphore, #tpu.memory_space<semaphore_mem>>)
    %add3A_21 = arith.constant 128 : i32
    %add3A_22 = arith.addi %mul3A_2, %add3A_21 : i32
    %dma_start3A_23 = arith.constant 1 : i32
    %dma_start3A_24 = arith.constant 0 : i32
    %dma_start3A_25 = tpu.memref_slice %arg7[%dma_start3A_23, %dma_start3A_24] : memref<2x128xi32, #tpu.memory_space<vmem>> -> memref<1x128xi32, #tpu.memory_space<vmem>>
    %dma_start3A_26 = tpu.memref_squeeze %dma_start3A_25 : memref<1x128xi32, #tpu.memory_space<vmem>> -> memref<128xi32, #tpu.memory_space<vmem>>
    %dma_start3A_27 = tpu.memref_slice %arg4[%add3A_22] : memref<8192xi32, #tpu.memory_space<hbm>> -> memref<128xi32, #tpu.memory_space<hbm>>
    %dma_start3A_28 = arith.constant 0 : i32
    %dma_start3A_29 = tpu.memref_slice %arg7[%dma_start3A_23, %dma_start3A_28] : memref<2x128xi32, #tpu.memory_space<vmem>> -> memref<1x128xi32, #tpu.memory_space<vmem>>
    %dma_start3A_30 = tpu.memref_squeeze %dma_start3A_29 : memref<1x128xi32, #tpu.memory_space<vmem>> -> memref<128xi32, #tpu.memory_space<vmem>>
    %dma_start3A_31 = tpu.memref_slice %arg4[%add3A_22] : memref<8192xi32, #tpu.memory_space<hbm>> -> memref<128xi32, #tpu.memory_space<hbm>>
    tpu.enqueue_dma source(%dma_start3A_31 : memref<128xi32, #tpu.memory_space<hbm>>) target(%dma_start3A_30 : memref<128xi32, #tpu.memory_space<vmem>>) target_semaphore(%arg14 : memref<!tpu.dma_semaphore, #tpu.memory_space<semaphore_mem>>)
    %mul3A_32 = arith.constant 2 : i32
    %mul3A_33 = arith.muli %add3A, %mul3A_32 : i32
    %dma_start3A_34 = arith.constant 0 : i32
    %dma_start3A_35 = tpu.memref_slice %arg5[%mul3A_33, %dma_start3A_34] : memref<64x128xi32, #tpu.memory_space<hbm>> -> memref<2x128xi32, #tpu.memory_space<hbm>>
    %dma_start3A_36 = arith.constant 0 : i32
    %dma_start3A_37 = tpu.memref_slice %arg5[%mul3A_33, %dma_start3A_36] : memref<64x128xi32, #tpu.memory_space<hbm>> -> memref<2x128xi32, #tpu.memory_space<hbm>>
    tpu.enqueue_dma source(%dma_start3A_37 : memref<2x128xi32, #tpu.memory_space<hbm>>) target(%arg8 : memref<2x128xi32, #tpu.memory_space<vmem>>) target_semaphore(%arg14 : memref<!tpu.dma_semaphore, #tpu.memory_space<semaphore_mem>>)
    "tpu.trace_start"() <{level = 10 : i32, message = "zero"}> : () -> ()
    %scan3A = arith.constant 0 : i32
    %scan3A_38 = arith.constant 0 : i32
    %scan3A_39 = arith.constant 32 : i32
    %scan3A_40 = arith.addi %scan3A_38, %scan3A_39 : i32
    %scan3A_41 = arith.constant 1 : i32
    scf.for %scan3A_147 = %scan3A_38 to %scan3A_40 step %scan3A_41  : i32 {
      %mul3A_148 = arith.constant 4 : i32
      %mul3A_149 = arith.muli %scan3A_147, %mul3A_148 : i32
      %broadcast_in_dim3A = arith.constant 0.000000e+00 : f32
      %broadcast_in_dim3A_150 = vector.broadcast %broadcast_in_dim3A : f32 to vector<16xf32>
      %add3A_151 = arith.constant 0 : i32
      %add3A_152 = arith.addi %mul3A_149, %add3A_151 : i32
      %swap3A = arith.index_cast %add3A_152 : i32 to index
      %swap3A_153 = arith.constant 0 : index
      %swap3A_154 = tpu.vector_load %arg9[%swap3A, %swap3A_153] {strides = array<i32>} : memref<128x128xf32, #tpu.memory_space<vmem>>, vector<1x16xf32>,
      %swap3A_155 = vector.shape_cast %swap3A_154 : vector<1x16xf32> to vector<16xf32>
      %swap3A_156 = vector.shape_cast %broadcast_in_dim3A_150 : vector<16xf32> to vector<1x16xf32>
      tpu.vector_store %arg9[%swap3A, %swap3A_153], %swap3A_156 {strides = array<i32>} : memref<128x128xf32, #tpu.memory_space<vmem>>, vector<1x16xf32>,
      %broadcast_in_dim3A_157 = arith.constant 0.000000e+00 : f32
      %broadcast_in_dim3A_158 = vector.broadcast %broadcast_in_dim3A_157 : f32 to vector<16xf32>
      %add3A_159 = arith.constant 0 : i32
      %add3A_160 = arith.addi %mul3A_149, %add3A_159 : i32
      %swap3A_161 = arith.index_cast %add3A_160 : i32 to index
      %swap3A_162 = arith.constant 16 : index
      %swap3A_163 = tpu.vector_load %arg9[%swap3A_161, %swap3A_162] {strides = array<i32>} : memref<128x128xf32, #tpu.memory_space<vmem>>, vector<1x16xf32>,
      %swap3A_164 = vector.shape_cast %swap3A_163 : vector<1x16xf32> to vector<16xf32>
      %swap3A_165 = vector.shape_cast %broadcast_in_dim3A_158 : vector<16xf32> to vector<1x16xf32>
      tpu.vector_store %arg9[%swap3A_161, %swap3A_162], %swap3A_165 {strides = array<i32>} : memref<128x128xf32, #tpu.memory_space<vmem>>, vector<1x16xf32>,
      %broadcast_in_dim3A_166 = arith.constant 0.000000e+00 : f32
      %broadcast_in_dim3A_167 = vector.broadcast %broadcast_in_dim3A_166 : f32 to vector<16xf32>
      %add3A_168 = arith.constant 0 : i32
      %add3A_169 = arith.addi %mul3A_149, %add3A_168 : i32
      %swap3A_170 = arith.index_cast %add3A_169 : i32 to index
      %swap3A_171 = arith.constant 32 : index
      %swap3A_172 = tpu.vector_load %arg9[%swap3A_170, %swap3A_171] {strides = array<i32>} : memref<128x128xf32, #tpu.memory_space<vmem>>, vector<1x16xf32>,
      %swap3A_173 = vector.shape_cast %swap3A_172 : vector<1x16xf32> to vector<16xf32>
      %swap3A_174 = vector.shape_cast %broadcast_in_dim3A_167 : vector<16xf32> to vector<1x16xf32>
      tpu.vector_store %arg9[%swap3A_170, %swap3A_171], %swap3A_174 {strides = array<i32>} : memref<128x128xf32, #tpu.memory_space<vmem>>, vector<1x16xf32>,
      %broadcast_in_dim3A_175 = arith.constant 0.000000e+00 : f32
      %broadcast_in_dim3A_176 = vector.broadcast %broadcast_in_dim3A_175 : f32 to vector<16xf32>
      %add3A_177 = arith.constant 0 : i32
      %add3A_178 = arith.addi %mul3A_149, %add3A_177 : i32
      %swap3A_179 = arith.index_cast %add3A_178 : i32 to index
      %swap3A_180 = arith.constant 48 : index
      %swap3A_181 = tpu.vector_load %arg9[%swap3A_179, %swap3A_180] {strides = array<i32>} : memref<128x128xf32, #tpu.memory_space<vmem>>, vector<1x16xf32>,
      %swap3A_182 = vector.shape_cast %swap3A_181 : vector<1x16xf32> to vector<16xf32>
      %swap3A_183 = vector.shape_cast %broadcast_in_dim3A_176 : vector<16xf32> to vector<1x16xf32>
      tpu.vector_store %arg9[%swap3A_179, %swap3A_180], %swap3A_183 {strides = array<i32>} : memref<128x128xf32, #tpu.memory_space<vmem>>, vector<1x16xf32>,
      %broadcast_in_dim3A_184 = arith.constant 0.000000e+00 : f32
      %broadcast_in_dim3A_185 = vector.broadcast %broadcast_in_dim3A_184 : f32 to vector<16xf32>
      %add3A_186 = arith.constant 0 : i32
      %add3A_187 = arith.addi %mul3A_149, %add3A_186 : i32
      %swap3A_188 = arith.index_cast %add3A_187 : i32 to index
      %swap3A_189 = arith.constant 64 : index
      %swap3A_190 = tpu.vector_load %arg9[%swap3A_188, %swap3A_189] {strides = array<i32>} : memref<128x128xf32, #tpu.memory_space<vmem>>, vector<1x16xf32>,
      %swap3A_191 = vector.shape_cast %swap3A_190 : vector<1x16xf32> to vector<16xf32>
      %swap3A_192 = vector.shape_cast %broadcast_in_dim3A_185 : vector<16xf32> to vector<1x16xf32>
      tpu.vector_store %arg9[%swap3A_188, %swap3A_189], %swap3A_192 {strides = array<i32>} : memref<128x128xf32, #tpu.memory_space<vmem>>, vector<1x16xf32>,
      %broadcast_in_dim3A_193 = arith.constant 0.000000e+00 : f32
      %broadcast_in_dim3A_194 = vector.broadcast %broadcast_in_dim3A_193 : f32 to vector<16xf32>
      %add3A_195 = arith.constant 0 : i32
      %add3A_196 = arith.addi %mul3A_149, %add3A_195 : i32
      %swap3A_197 = arith.index_cast %add3A_196 : i32 to index
      %swap3A_198 = arith.constant 80 : index
      %swap3A_199 = tpu.vector_load %arg9[%swap3A_197, %swap3A_198] {strides = array<i32>} : memref<128x128xf32, #tpu.memory_space<vmem>>, vector<1x16xf32>,
      %swap3A_200 = vector.shape_cast %swap3A_199 : vector<1x16xf32> to vector<16xf32>
      %swap3A_201 = vector.shape_cast %broadcast_in_dim3A_194 : vector<16xf32> to vector<1x16xf32>
      tpu.vector_store %arg9[%swap3A_197, %swap3A_198], %swap3A_201 {strides = array<i32>} : memref<128x128xf32, #tpu.memory_space<vmem>>, vector<1x16xf32>,
      %broadcast_in_dim3A_202 = arith.constant 0.000000e+00 : f32
      %broadcast_in_dim3A_203 = vector.broadcast %broadcast_in_dim3A_202 : f32 to vector<16xf32>
      %add3A_204 = arith.constant 0 : i32
      %add3A_205 = arith.addi %mul3A_149, %add3A_204 : i32
      %swap3A_206 = arith.index_cast %add3A_205 : i32 to index
      %swap3A_207 = arith.constant 96 : index
      %swap3A_208 = tpu.vector_load %arg9[%swap3A_206, %swap3A_207] {strides = array<i32>} : memref<128x128xf32, #tpu.memory_space<vmem>>, vector<1x16xf32>,
      %swap3A_209 = vector.shape_cast %swap3A_208 : vector<1x16xf32> to vector<16xf32>
      %swap3A_210 = vector.shape_cast %broadcast_in_dim3A_203 : vector<16xf32> to vector<1x16xf32>
      tpu.vector_store %arg9[%swap3A_206, %swap3A_207], %swap3A_210 {strides = array<i32>} : memref<128x128xf32, #tpu.memory_space<vmem>>, vector<1x16xf32>,
      %broadcast_in_dim3A_211 = arith.constant 0.000000e+00 : f32
      %broadcast_in_dim3A_212 = vector.broadcast %broadcast_in_dim3A_211 : f32 to vector<16xf32>
      %add3A_213 = arith.constant 0 : i32
      %add3A_214 = arith.addi %mul3A_149, %add3A_213 : i32
      %swap3A_215 = arith.index_cast %add3A_214 : i32 to index
      %swap3A_216 = arith.constant 112 : index
      %swap3A_217 = tpu.vector_load %arg9[%swap3A_215, %swap3A_216] {strides = array<i32>} : memref<128x128xf32, #tpu.memory_space<vmem>>, vector<1x16xf32>,
      %swap3A_218 = vector.shape_cast %swap3A_217 : vector<1x16xf32> to vector<16xf32>
      %swap3A_219 = vector.shape_cast %broadcast_in_dim3A_212 : vector<16xf32> to vector<1x16xf32>
      tpu.vector_store %arg9[%swap3A_215, %swap3A_216], %swap3A_219 {strides = array<i32>} : memref<128x128xf32, #tpu.memory_space<vmem>>, vector<1x16xf32>,
      %broadcast_in_dim3A_220 = arith.constant 0.000000e+00 : f32
      %broadcast_in_dim3A_221 = vector.broadcast %broadcast_in_dim3A_220 : f32 to vector<16xf32>
      %add3A_222 = arith.constant 1 : i32
      %add3A_223 = arith.addi %mul3A_149, %add3A_222 : i32
      %swap3A_224 = arith.index_cast %add3A_223 : i32 to index
      %swap3A_225 = arith.constant 0 : index
      %swap3A_226 = tpu.vector_load %arg9[%swap3A_224, %swap3A_225] {strides = array<i32>} : memref<128x128xf32, #tpu.memory_space<vmem>>, vector<1x16xf32>,
      %swap3A_227 = vector.shape_cast %swap3A_226 : vector<1x16xf32> to vector<16xf32>
      %swap3A_228 = vector.shape_cast %broadcast_in_dim3A_221 : vector<16xf32> to vector<1x16xf32>
      tpu.vector_store %arg9[%swap3A_224, %swap3A_225], %swap3A_228 {strides = array<i32>} : memref<128x128xf32, #tpu.memory_space<vmem>>, vector<1x16xf32>,
      %broadcast_in_dim3A_229 = arith.constant 0.000000e+00 : f32
      %broadcast_in_dim3A_230 = vector.broadcast %broadcast_in_dim3A_229 : f32 to vector<16xf32>
      %add3A_231 = arith.constant 1 : i32
      %add3A_232 = arith.addi %mul3A_149, %add3A_231 : i32
      %swap3A_233 = arith.index_cast %add3A_232 : i32 to index
      %swap3A_234 = arith.constant 16 : index
      %swap3A_235 = tpu.vector_load %arg9[%swap3A_233, %swap3A_234] {strides = array<i32>} : memref<128x128xf32, #tpu.memory_space<vmem>>, vector<1x16xf32>,
      %swap3A_236 = vector.shape_cast %swap3A_235 : vector<1x16xf32> to vector<16xf32>
      %swap3A_237 = vector.shape_cast %broadcast_in_dim3A_230 : vector<16xf32> to vector<1x16xf32>
      tpu.vector_store %arg9[%swap3A_233, %swap3A_234], %swap3A_237 {strides = array<i32>} : memref<128x128xf32, #tpu.memory_space<vmem>>, vector<1x16xf32>,
      %broadcast_in_dim3A_238 = arith.constant 0.000000e+00 : f32
      %broadcast_in_dim3A_239 = vector.broadcast %broadcast_in_dim3A_238 : f32 to vector<16xf32>
      %add3A_240 = arith.constant 1 : i32
      %add3A_241 = arith.addi %mul3A_149, %add3A_240 : i32
      %swap3A_242 = arith.index_cast %add3A_241 : i32 to index
      %swap3A_243 = arith.constant 32 : index
      %swap3A_244 = tpu.vector_load %arg9[%swap3A_242, %swap3A_243] {strides = array<i32>} : memref<128x128xf32, #tpu.memory_space<vmem>>, vector<1x16xf32>,
      %swap3A_245 = vector.shape_cast %swap3A_244 : vector<1x16xf32> to vector<16xf32>
      %swap3A_246 = vector.shape_cast %broadcast_in_dim3A_239 : vector<16xf32> to vector<1x16xf32>
      tpu.vector_store %arg9[%swap3A_242, %swap3A_243], %swap3A_246 {strides = array<i32>} : memref<128x128xf32, #tpu.memory_space<vmem>>, vector<1x16xf32>,
      %broadcast_in_dim3A_247 = arith.constant 0.000000e+00 : f32
      %broadcast_in_dim3A_248 = vector.broadcast %broadcast_in_dim3A_247 : f32 to vector<16xf32>
      %add3A_249 = arith.constant 1 : i32
      %add3A_250 = arith.addi %mul3A_149, %add3A_249 : i32
      %swap3A_251 = arith.index_cast %add3A_250 : i32 to index
      %swap3A_252 = arith.constant 48 : index
      %swap3A_253 = tpu.vector_load %arg9[%swap3A_251, %swap3A_252] {strides = array<i32>} : memref<128x128xf32, #tpu.memory_space<vmem>>, vector<1x16xf32>,
      %swap3A_254 = vector.shape_cast %swap3A_253 : vector<1x16xf32> to vector<16xf32>
      %swap3A_255 = vector.shape_cast %broadcast_in_dim3A_248 : vector<16xf32> to vector<1x16xf32>
      tpu.vector_store %arg9[%swap3A_251, %swap3A_252], %swap3A_255 {strides = array<i32>} : memref<128x128xf32, #tpu.memory_space<vmem>>, vector<1x16xf32>,
      %broadcast_in_dim3A_256 = arith.constant 0.000000e+00 : f32
      %broadcast_in_dim3A_257 = vector.broadcast %broadcast_in_dim3A_256 : f32 to vector<16xf32>
      %add3A_258 = arith.constant 1 : i32
      %add3A_259 = arith.addi %mul3A_149, %add3A_258 : i32
      %swap3A_260 = arith.index_cast %add3A_259 : i32 to index
      %swap3A_261 = arith.constant 64 : index
      %swap3A_262 = tpu.vector_load %arg9[%swap3A_260, %swap3A_261] {strides = array<i32>} : memref<128x128xf32, #tpu.memory_space<vmem>>, vector<1x16xf32>,
      %swap3A_263 = vector.shape_cast %swap3A_262 : vector<1x16xf32> to vector<16xf32>
      %swap3A_264 = vector.shape_cast %broadcast_in_dim3A_257 : vector<16xf32> to vector<1x16xf32>
      tpu.vector_store %arg9[%swap3A_260, %swap3A_261], %swap3A_264 {strides = array<i32>} : memref<128x128xf32, #tpu.memory_space<vmem>>, vector<1x16xf32>,
      %broadcast_in_dim3A_265 = arith.constant 0.000000e+00 : f32
      %broadcast_in_dim3A_266 = vector.broadcast %broadcast_in_dim3A_265 : f32 to vector<16xf32>
      %add3A_267 = arith.constant 1 : i32
      %add3A_268 = arith.addi %mul3A_149, %add3A_267 : i32
      %swap3A_269 = arith.index_cast %add3A_268 : i32 to index
      %swap3A_270 = arith.constant 80 : index
      %swap3A_271 = tpu.vector_load %arg9[%swap3A_269, %swap3A_270] {strides = array<i32>} : memref<128x128xf32, #tpu.memory_space<vmem>>, vector<1x16xf32>,
      %swap3A_272 = vector.shape_cast %swap3A_271 : vector<1x16xf32> to vector<16xf32>
      %swap3A_273 = vector.shape_cast %broadcast_in_dim3A_266 : vector<16xf32> to vector<1x16xf32>
      tpu.vector_store %arg9[%swap3A_269, %swap3A_270], %swap3A_273 {strides = array<i32>} : memref<128x128xf32, #tpu.memory_space<vmem>>, vector<1x16xf32>,
      %broadcast_in_dim3A_274 = arith.constant 0.000000e+00 : f32
      %broadcast_in_dim3A_275 = vector.broadcast %broadcast_in_dim3A_274 : f32 to vector<16xf32>
      %add3A_276 = arith.constant 1 : i32
      %add3A_277 = arith.addi %mul3A_149, %add3A_276 : i32
      %swap3A_278 = arith.index_cast %add3A_277 : i32 to index
      %swap3A_279 = arith.constant 96 : index
      %swap3A_280 = tpu.vector_load %arg9[%swap3A_278, %swap3A_279] {strides = array<i32>} : memref<128x128xf32, #tpu.memory_space<vmem>>, vector<1x16xf32>,
      %swap3A_281 = vector.shape_cast %swap3A_280 : vector<1x16xf32> to vector<16xf32>
      %swap3A_282 = vector.shape_cast %broadcast_in_dim3A_275 : vector<16xf32> to vector<1x16xf32>
      tpu.vector_store %arg9[%swap3A_278, %swap3A_279], %swap3A_282 {strides = array<i32>} : memref<128x128xf32, #tpu.memory_space<vmem>>, vector<1x16xf32>,
      %broadcast_in_dim3A_283 = arith.constant 0.000000e+00 : f32
      %broadcast_in_dim3A_284 = vector.broadcast %broadcast_in_dim3A_283 : f32 to vector<16xf32>
      %add3A_285 = arith.constant 1 : i32
      %add3A_286 = arith.addi %mul3A_149, %add3A_285 : i32
      %swap3A_287 = arith.index_cast %add3A_286 : i32 to index
      %swap3A_288 = arith.constant 112 : index
      %swap3A_289 = tpu.vector_load %arg9[%swap3A_287, %swap3A_288] {strides = array<i32>} : memref<128x128xf32, #tpu.memory_space<vmem>>, vector<1x16xf32>,
      %swap3A_290 = vector.shape_cast %swap3A_289 : vector<1x16xf32> to vector<16xf32>
      %swap3A_291 = vector.shape_cast %broadcast_in_dim3A_284 : vector<16xf32> to vector<1x16xf32>
      tpu.vector_store %arg9[%swap3A_287, %swap3A_288], %swap3A_291 {strides = array<i32>} : memref<128x128xf32, #tpu.memory_space<vmem>>, vector<1x16xf32>,
      %broadcast_in_dim3A_292 = arith.constant 0.000000e+00 : f32
      %broadcast_in_dim3A_293 = vector.broadcast %broadcast_in_dim3A_292 : f32 to vector<16xf32>
      %add3A_294 = arith.constant 2 : i32
      %add3A_295 = arith.addi %mul3A_149, %add3A_294 : i32
      %swap3A_296 = arith.index_cast %add3A_295 : i32 to index
      %swap3A_297 = arith.constant 0 : index
      %swap3A_298 = tpu.vector_load %arg9[%swap3A_296, %swap3A_297] {strides = array<i32>} : memref<128x128xf32, #tpu.memory_space<vmem>>, vector<1x16xf32>,
      %swap3A_299 = vector.shape_cast %swap3A_298 : vector<1x16xf32> to vector<16xf32>
      %swap3A_300 = vector.shape_cast %broadcast_in_dim3A_293 : vector<16xf32> to vector<1x16xf32>
      tpu.vector_store %arg9[%swap3A_296, %swap3A_297], %swap3A_300 {strides = array<i32>} : memref<128x128xf32, #tpu.memory_space<vmem>>, vector<1x16xf32>,
      %broadcast_in_dim3A_301 = arith.constant 0.000000e+00 : f32
      %broadcast_in_dim3A_302 = vector.broadcast %broadcast_in_dim3A_301 : f32 to vector<16xf32>
      %add3A_303 = arith.constant 2 : i32
      %add3A_304 = arith.addi %mul3A_149, %add3A_303 : i32
      %swap3A_305 = arith.index_cast %add3A_304 : i32 to index
      %swap3A_306 = arith.constant 16 : index
      %swap3A_307 = tpu.vector_load %arg9[%swap3A_305, %swap3A_306] {strides = array<i32>} : memref<128x128xf32, #tpu.memory_space<vmem>>, vector<1x16xf32>,
      %swap3A_308 = vector.shape_cast %swap3A_307 : vector<1x16xf32> to vector<16xf32>
      %swap3A_309 = vector.shape_cast %broadcast_in_dim3A_302 : vector<16xf32> to vector<1x16xf32>
      tpu.vector_store %arg9[%swap3A_305, %swap3A_306], %swap3A_309 {strides = array<i32>} : memref<128x128xf32, #tpu.memory_space<vmem>>, vector<1x16xf32>,
      %broadcast_in_dim3A_310 = arith.constant 0.000000e+00 : f32
      %broadcast_in_dim3A_311 = vector.broadcast %broadcast_in_dim3A_310 : f32 to vector<16xf32>
      %add3A_312 = arith.constant 2 : i32
      %add3A_313 = arith.addi %mul3A_149, %add3A_312 : i32
      %swap3A_314 = arith.index_cast %add3A_313 : i32 to index
      %swap3A_315 = arith.constant 32 : index
      %swap3A_316 = tpu.vector_load %arg9[%swap3A_314, %swap3A_315] {strides = array<i32>} : memref<128x128xf32, #tpu.memory_space<vmem>>, vector<1x16xf32>,
      %swap3A_317 = vector.shape_cast %swap3A_316 : vector<1x16xf32> to vector<16xf32>
      %swap3A_318 = vector.shape_cast %broadcast_in_dim3A_311 : vector<16xf32> to vector<1x16xf32>
      tpu.vector_store %arg9[%swap3A_314, %swap3A_315], %swap3A_318 {strides = array<i32>} : memref<128x128xf32, #tpu.memory_space<vmem>>, vector<1x16xf32>,
      %broadcast_in_dim3A_319 = arith.constant 0.000000e+00 : f32
      %broadcast_in_dim3A_320 = vector.broadcast %broadcast_in_dim3A_319 : f32 to vector<16xf32>
      %add3A_321 = arith.constant 2 : i32
      %add3A_322 = arith.addi %mul3A_149, %add3A_321 : i32
      %swap3A_323 = arith.index_cast %add3A_322 : i32 to index
      %swap3A_324 = arith.constant 48 : index
      %swap3A_325 = tpu.vector_load %arg9[%swap3A_323, %swap3A_324] {strides = array<i32>} : memref<128x128xf32, #tpu.memory_space<vmem>>, vector<1x16xf32>,
      %swap3A_326 = vector.shape_cast %swap3A_325 : vector<1x16xf32> to vector<16xf32>
      %swap3A_327 = vector.shape_cast %broadcast_in_dim3A_320 : vector<16xf32> to vector<1x16xf32>
      tpu.vector_store %arg9[%swap3A_323, %swap3A_324], %swap3A_327 {strides = array<i32>} : memref<128x128xf32, #tpu.memory_space<vmem>>, vector<1x16xf32>,
      %broadcast_in_dim3A_328 = arith.constant 0.000000e+00 : f32
      %broadcast_in_dim3A_329 = vector.broadcast %broadcast_in_dim3A_328 : f32 to vector<16xf32>
      %add3A_330 = arith.constant 2 : i32
      %add3A_331 = arith.addi %mul3A_149, %add3A_330 : i32
      %swap3A_332 = arith.index_cast %add3A_331 : i32 to index
      %swap3A_333 = arith.constant 64 : index
      %swap3A_334 = tpu.vector_load %arg9[%swap3A_332, %swap3A_333] {strides = array<i32>} : memref<128x128xf32, #tpu.memory_space<vmem>>, vector<1x16xf32>,
      %swap3A_335 = vector.shape_cast %swap3A_334 : vector<1x16xf32> to vector<16xf32>
      %swap3A_336 = vector.shape_cast %broadcast_in_dim3A_329 : vector<16xf32> to vector<1x16xf32>
      tpu.vector_store %arg9[%swap3A_332, %swap3A_333], %swap3A_336 {strides = array<i32>} : memref<128x128xf32, #tpu.memory_space<vmem>>, vector<1x16xf32>,
      %broadcast_in_dim3A_337 = arith.constant 0.000000e+00 : f32
      %broadcast_in_dim3A_338 = vector.broadcast %broadcast_in_dim3A_337 : f32 to vector<16xf32>
      %add3A_339 = arith.constant 2 : i32
      %add3A_340 = arith.addi %mul3A_149, %add3A_339 : i32
      %swap3A_341 = arith.index_cast %add3A_340 : i32 to index
      %swap3A_342 = arith.constant 80 : index
      %swap3A_343 = tpu.vector_load %arg9[%swap3A_341, %swap3A_342] {strides = array<i32>} : memref<128x128xf32, #tpu.memory_space<vmem>>, vector<1x16xf32>,
      %swap3A_344 = vector.shape_cast %swap3A_343 : vector<1x16xf32> to vector<16xf32>
      %swap3A_345 = vector.shape_cast %broadcast_in_dim3A_338 : vector<16xf32> to vector<1x16xf32>
      tpu.vector_store %arg9[%swap3A_341, %swap3A_342], %swap3A_345 {strides = array<i32>} : memref<128x128xf32, #tpu.memory_space<vmem>>, vector<1x16xf32>,
      %broadcast_in_dim3A_346 = arith.constant 0.000000e+00 : f32
      %broadcast_in_dim3A_347 = vector.broadcast %broadcast_in_dim3A_346 : f32 to vector<16xf32>
      %add3A_348 = arith.constant 2 : i32
      %add3A_349 = arith.addi %mul3A_149, %add3A_348 : i32
      %swap3A_350 = arith.index_cast %add3A_349 : i32 to index
      %swap3A_351 = arith.constant 96 : index
      %swap3A_352 = tpu.vector_load %arg9[%swap3A_350, %swap3A_351] {strides = array<i32>} : memref<128x128xf32, #tpu.memory_space<vmem>>, vector<1x16xf32>,
      %swap3A_353 = vector.shape_cast %swap3A_352 : vector<1x16xf32> to vector<16xf32>
      %swap3A_354 = vector.shape_cast %broadcast_in_dim3A_347 : vector<16xf32> to vector<1x16xf32>
      tpu.vector_store %arg9[%swap3A_350, %swap3A_351], %swap3A_354 {strides = array<i32>} : memref<128x128xf32, #tpu.memory_space<vmem>>, vector<1x16xf32>,
      %broadcast_in_dim3A_355 = arith.constant 0.000000e+00 : f32
      %broadcast_in_dim3A_356 = vector.broadcast %broadcast_in_dim3A_355 : f32 to vector<16xf32>
      %add3A_357 = arith.constant 2 : i32
      %add3A_358 = arith.addi %mul3A_149, %add3A_357 : i32
      %swap3A_359 = arith.index_cast %add3A_358 : i32 to index
      %swap3A_360 = arith.constant 112 : index
      %swap3A_361 = tpu.vector_load %arg9[%swap3A_359, %swap3A_360] {strides = array<i32>} : memref<128x128xf32, #tpu.memory_space<vmem>>, vector<1x16xf32>,
      %swap3A_362 = vector.shape_cast %swap3A_361 : vector<1x16xf32> to vector<16xf32>
      %swap3A_363 = vector.shape_cast %broadcast_in_dim3A_356 : vector<16xf32> to vector<1x16xf32>
      tpu.vector_store %arg9[%swap3A_359, %swap3A_360], %swap3A_363 {strides = array<i32>} : memref<128x128xf32, #tpu.memory_space<vmem>>, vector<1x16xf32>,
      %broadcast_in_dim3A_364 = arith.constant 0.000000e+00 : f32
      %broadcast_in_dim3A_365 = vector.broadcast %broadcast_in_dim3A_364 : f32 to vector<16xf32>
      %add3A_366 = arith.constant 3 : i32
      %add3A_367 = arith.addi %mul3A_149, %add3A_366 : i32
      %swap3A_368 = arith.index_cast %add3A_367 : i32 to index
      %swap3A_369 = arith.constant 0 : index
      %swap3A_370 = tpu.vector_load %arg9[%swap3A_368, %swap3A_369] {strides = array<i32>} : memref<128x128xf32, #tpu.memory_space<vmem>>, vector<1x16xf32>,
      %swap3A_371 = vector.shape_cast %swap3A_370 : vector<1x16xf32> to vector<16xf32>
      %swap3A_372 = vector.shape_cast %broadcast_in_dim3A_365 : vector<16xf32> to vector<1x16xf32>
      tpu.vector_store %arg9[%swap3A_368, %swap3A_369], %swap3A_372 {strides = array<i32>} : memref<128x128xf32, #tpu.memory_space<vmem>>, vector<1x16xf32>,
      %broadcast_in_dim3A_373 = arith.constant 0.000000e+00 : f32
      %broadcast_in_dim3A_374 = vector.broadcast %broadcast_in_dim3A_373 : f32 to vector<16xf32>
      %add3A_375 = arith.constant 3 : i32
      %add3A_376 = arith.addi %mul3A_149, %add3A_375 : i32
      %swap3A_377 = arith.index_cast %add3A_376 : i32 to index
      %swap3A_378 = arith.constant 16 : index
      %swap3A_379 = tpu.vector_load %arg9[%swap3A_377, %swap3A_378] {strides = array<i32>} : memref<128x128xf32, #tpu.memory_space<vmem>>, vector<1x16xf32>,
      %swap3A_380 = vector.shape_cast %swap3A_379 : vector<1x16xf32> to vector<16xf32>
      %swap3A_381 = vector.shape_cast %broadcast_in_dim3A_374 : vector<16xf32> to vector<1x16xf32>
      tpu.vector_store %arg9[%swap3A_377, %swap3A_378], %swap3A_381 {strides = array<i32>} : memref<128x128xf32, #tpu.memory_space<vmem>>, vector<1x16xf32>,
      %broadcast_in_dim3A_382 = arith.constant 0.000000e+00 : f32
      %broadcast_in_dim3A_383 = vector.broadcast %broadcast_in_dim3A_382 : f32 to vector<16xf32>
      %add3A_384 = arith.constant 3 : i32
      %add3A_385 = arith.addi %mul3A_149, %add3A_384 : i32
      %swap3A_386 = arith.index_cast %add3A_385 : i32 to index
      %swap3A_387 = arith.constant 32 : index
      %swap3A_388 = tpu.vector_load %arg9[%swap3A_386, %swap3A_387] {strides = array<i32>} : memref<128x128xf32, #tpu.memory_space<vmem>>, vector<1x16xf32>,
      %swap3A_389 = vector.shape_cast %swap3A_388 : vector<1x16xf32> to vector<16xf32>
      %swap3A_390 = vector.shape_cast %broadcast_in_dim3A_383 : vector<16xf32> to vector<1x16xf32>
      tpu.vector_store %arg9[%swap3A_386, %swap3A_387], %swap3A_390 {strides = array<i32>} : memref<128x128xf32, #tpu.memory_space<vmem>>, vector<1x16xf32>,
      %broadcast_in_dim3A_391 = arith.constant 0.000000e+00 : f32
      %broadcast_in_dim3A_392 = vector.broadcast %broadcast_in_dim3A_391 : f32 to vector<16xf32>
      %add3A_393 = arith.constant 3 : i32
      %add3A_394 = arith.addi %mul3A_149, %add3A_393 : i32
      %swap3A_395 = arith.index_cast %add3A_394 : i32 to index
      %swap3A_396 = arith.constant 48 : index
      %swap3A_397 = tpu.vector_load %arg9[%swap3A_395, %swap3A_396] {strides = array<i32>} : memref<128x128xf32, #tpu.memory_space<vmem>>, vector<1x16xf32>,
      %swap3A_398 = vector.shape_cast %swap3A_397 : vector<1x16xf32> to vector<16xf32>
      %swap3A_399 = vector.shape_cast %broadcast_in_dim3A_392 : vector<16xf32> to vector<1x16xf32>
      tpu.vector_store %arg9[%swap3A_395, %swap3A_396], %swap3A_399 {strides = array<i32>} : memref<128x128xf32, #tpu.memory_space<vmem>>, vector<1x16xf32>,
      %broadcast_in_dim3A_400 = arith.constant 0.000000e+00 : f32
      %broadcast_in_dim3A_401 = vector.broadcast %broadcast_in_dim3A_400 : f32 to vector<16xf32>
      %add3A_402 = arith.constant 3 : i32
      %add3A_403 = arith.addi %mul3A_149, %add3A_402 : i32
      %swap3A_404 = arith.index_cast %add3A_403 : i32 to index
      %swap3A_405 = arith.constant 64 : index
      %swap3A_406 = tpu.vector_load %arg9[%swap3A_404, %swap3A_405] {strides = array<i32>} : memref<128x128xf32, #tpu.memory_space<vmem>>, vector<1x16xf32>,
      %swap3A_407 = vector.shape_cast %swap3A_406 : vector<1x16xf32> to vector<16xf32>
      %swap3A_408 = vector.shape_cast %broadcast_in_dim3A_401 : vector<16xf32> to vector<1x16xf32>
      tpu.vector_store %arg9[%swap3A_404, %swap3A_405], %swap3A_408 {strides = array<i32>} : memref<128x128xf32, #tpu.memory_space<vmem>>, vector<1x16xf32>,
      %broadcast_in_dim3A_409 = arith.constant 0.000000e+00 : f32
      %broadcast_in_dim3A_410 = vector.broadcast %broadcast_in_dim3A_409 : f32 to vector<16xf32>
      %add3A_411 = arith.constant 3 : i32
      %add3A_412 = arith.addi %mul3A_149, %add3A_411 : i32
      %swap3A_413 = arith.index_cast %add3A_412 : i32 to index
      %swap3A_414 = arith.constant 80 : index
      %swap3A_415 = tpu.vector_load %arg9[%swap3A_413, %swap3A_414] {strides = array<i32>} : memref<128x128xf32, #tpu.memory_space<vmem>>, vector<1x16xf32>,
      %swap3A_416 = vector.shape_cast %swap3A_415 : vector<1x16xf32> to vector<16xf32>
      %swap3A_417 = vector.shape_cast %broadcast_in_dim3A_410 : vector<16xf32> to vector<1x16xf32>
      tpu.vector_store %arg9[%swap3A_413, %swap3A_414], %swap3A_417 {strides = array<i32>} : memref<128x128xf32, #tpu.memory_space<vmem>>, vector<1x16xf32>,
      %broadcast_in_dim3A_418 = arith.constant 0.000000e+00 : f32
      %broadcast_in_dim3A_419 = vector.broadcast %broadcast_in_dim3A_418 : f32 to vector<16xf32>
      %add3A_420 = arith.constant 3 : i32
      %add3A_421 = arith.addi %mul3A_149, %add3A_420 : i32
      %swap3A_422 = arith.index_cast %add3A_421 : i32 to index
      %swap3A_423 = arith.constant 96 : index
      %swap3A_424 = tpu.vector_load %arg9[%swap3A_422, %swap3A_423] {strides = array<i32>} : memref<128x128xf32, #tpu.memory_space<vmem>>, vector<1x16xf32>,
      %swap3A_425 = vector.shape_cast %swap3A_424 : vector<1x16xf32> to vector<16xf32>
      %swap3A_426 = vector.shape_cast %broadcast_in_dim3A_419 : vector<16xf32> to vector<1x16xf32>
      tpu.vector_store %arg9[%swap3A_422, %swap3A_423], %swap3A_426 {strides = array<i32>} : memref<128x128xf32, #tpu.memory_space<vmem>>, vector<1x16xf32>,
      %broadcast_in_dim3A_427 = arith.constant 0.000000e+00 : f32
      %broadcast_in_dim3A_428 = vector.broadcast %broadcast_in_dim3A_427 : f32 to vector<16xf32>
      %add3A_429 = arith.constant 3 : i32
      %add3A_430 = arith.addi %mul3A_149, %add3A_429 : i32
      %swap3A_431 = arith.index_cast %add3A_430 : i32 to index
      %swap3A_432 = arith.constant 112 : index
      %swap3A_433 = tpu.vector_load %arg9[%swap3A_431, %swap3A_432] {strides = array<i32>} : memref<128x128xf32, #tpu.memory_space<vmem>>, vector<1x16xf32>,
      %swap3A_434 = vector.shape_cast %swap3A_433 : vector<1x16xf32> to vector<16xf32>
      %swap3A_435 = vector.shape_cast %broadcast_in_dim3A_428 : vector<16xf32> to vector<1x16xf32>
      tpu.vector_store %arg9[%swap3A_431, %swap3A_432], %swap3A_435 {strides = array<i32>} : memref<128x128xf32, #tpu.memory_space<vmem>>, vector<1x16xf32>,
    }
    %scan3A_42 = arith.constant 32 : i32
    %mul3A_43 = arith.constant 128 : i32
    %mul3A_44 = arith.muli %arg1, %mul3A_43 : i32
    "tpu.region"() ({
      %run_scoped3A = tpu.sem_alloc : memref<!tpu.dma_semaphore, #tpu.memory_space<semaphore_mem>>
      %dma_start3A_147 = arith.constant 0 : i32
      %dma_start3A_148 = tpu.memref_slice %arg13[%mul3A_44, %dma_start3A_147] : memref<2048x128xf32, #tpu.memory_space<vmem_shared>> -> memref<128x128xf32, #tpu.memory_space<vmem_shared>>
      %dma_start3A_149 = arith.constant 0 : i32
      %dma_start3A_150 = tpu.memref_slice %arg13[%mul3A_44, %dma_start3A_149] : memref<2048x128xf32, #tpu.memory_space<vmem_shared>> -> memref<128x128xf32, #tpu.memory_space<vmem_shared>>
      tpu.enqueue_dma source(%arg9 : memref<128x128xf32, #tpu.memory_space<vmem>>) target(%dma_start3A_150 : memref<128x128xf32, #tpu.memory_space<vmem_shared>>) target_semaphore(%run_scoped3A : memref<!tpu.dma_semaphore, #tpu.memory_space<semaphore_mem>>)
      %dma_wait3A_151 = arith.constant 0 : i32
      %dma_wait3A_152 = tpu.memref_slice %arg13[%mul3A_44, %dma_wait3A_151] : memref<2048x128xf32, #tpu.memory_space<vmem_shared>> -> memref<128x128xf32, #tpu.memory_space<vmem_shared>>
      %dma_wait3A_153 = arith.constant 0 : i32
      %dma_wait3A_154 = tpu.memref_slice %arg13[%mul3A_44, %dma_wait3A_153] : memref<2048x128xf32, #tpu.memory_space<vmem_shared>> -> memref<128x128xf32, #tpu.memory_space<vmem_shared>>
      tpu.wait_dma2 semaphore(%run_scoped3A : memref<!tpu.dma_semaphore, #tpu.memory_space<semaphore_mem>>) src(%arg9 : memref<128x128xf32, #tpu.memory_space<vmem>>) dst(%dma_wait3A_154 : memref<128x128xf32, #tpu.memory_space<vmem_shared>>)
      tpu.yield
    }) : () -> ()
    %dma_wait3A = arith.constant 0 : i32
    "tpu.trace_stop"() : () -> ()
    "tpu.trace_start"() <{level = 10 : i32, message = "ixwait"}> : () -> ()
    %dma_wait3A_45 = arith.constant 0 : i32
    %dma_wait3A_46 = tpu.memref_slice %arg7[%dma_wait3A, %dma_wait3A_45] : memref<2x128xi32, #tpu.memory_space<vmem>> -> memref<1x128xi32, #tpu.memory_space<vmem>>
    %dma_wait3A_47 = tpu.memref_squeeze %dma_wait3A_46 : memref<1x128xi32, #tpu.memory_space<vmem>> -> memref<128xi32, #tpu.memory_space<vmem>>
    %dma_wait3A_48 = tpu.memref_slice %arg4[%mul3A_2] : memref<8192xi32, #tpu.memory_space<hbm>> -> memref<128xi32, #tpu.memory_space<hbm>>
    %dma_wait3A_49 = arith.constant 0 : i32
    %dma_wait3A_50 = tpu.memref_slice %arg7[%dma_wait3A, %dma_wait3A_49] : memref<2x128xi32, #tpu.memory_space<vmem>> -> memref<1x128xi32, #tpu.memory_space<vmem>>
    %dma_wait3A_51 = tpu.memref_squeeze %dma_wait3A_50 : memref<1x128xi32, #tpu.memory_space<vmem>> -> memref<128xi32, #tpu.memory_space<vmem>>
    %dma_wait3A_52 = tpu.memref_slice %arg4[%mul3A_2] : memref<8192xi32, #tpu.memory_space<hbm>> -> memref<128xi32, #tpu.memory_space<hbm>>
    tpu.wait_dma2 semaphore(%arg14 : memref<!tpu.dma_semaphore, #tpu.memory_space<semaphore_mem>>) src(%dma_wait3A_52 : memref<128xi32, #tpu.memory_space<hbm>>) dst(%dma_wait3A_51 : memref<128xi32, #tpu.memory_space<vmem>>)
    %dma_wait3A_53 = arith.constant 1 : i32
    %dma_wait3A_54 = arith.constant 0 : i32
    %dma_wait3A_55 = tpu.memref_slice %arg7[%dma_wait3A_53, %dma_wait3A_54] : memref<2x128xi32, #tpu.memory_space<vmem>> -> memref<1x128xi32, #tpu.memory_space<vmem>>
    %dma_wait3A_56 = tpu.memref_squeeze %dma_wait3A_55 : memref<1x128xi32, #tpu.memory_space<vmem>> -> memref<128xi32, #tpu.memory_space<vmem>>
    %dma_wait3A_57 = tpu.memref_slice %arg4[%add3A_22] : memref<8192xi32, #tpu.memory_space<hbm>> -> memref<128xi32, #tpu.memory_space<hbm>>
    %dma_wait3A_58 = arith.constant 0 : i32
    %dma_wait3A_59 = tpu.memref_slice %arg7[%dma_wait3A_53, %dma_wait3A_58] : memref<2x128xi32, #tpu.memory_space<vmem>> -> memref<1x128xi32, #tpu.memory_space<vmem>>
    %dma_wait3A_60 = tpu.memref_squeeze %dma_wait3A_59 : memref<1x128xi32, #tpu.memory_space<vmem>> -> memref<128xi32, #tpu.memory_space<vmem>>
    %dma_wait3A_61 = tpu.memref_slice %arg4[%add3A_22] : memref<8192xi32, #tpu.memory_space<hbm>> -> memref<128xi32, #tpu.memory_space<hbm>>
    tpu.wait_dma2 semaphore(%arg14 : memref<!tpu.dma_semaphore, #tpu.memory_space<semaphore_mem>>) src(%dma_wait3A_61 : memref<128xi32, #tpu.memory_space<hbm>>) dst(%dma_wait3A_60 : memref<128xi32, #tpu.memory_space<vmem>>)
    %dma_wait3A_62 = arith.constant 0 : i32
    %dma_wait3A_63 = tpu.memref_slice %arg5[%mul3A_33, %dma_wait3A_62] : memref<64x128xi32, #tpu.memory_space<hbm>> -> memref<2x128xi32, #tpu.memory_space<hbm>>
    %dma_wait3A_64 = arith.constant 0 : i32
    %dma_wait3A_65 = tpu.memref_slice %arg5[%mul3A_33, %dma_wait3A_64] : memref<64x128xi32, #tpu.memory_space<hbm>> -> memref<2x128xi32, #tpu.memory_space<hbm>>
    tpu.wait_dma2 semaphore(%arg14 : memref<!tpu.dma_semaphore, #tpu.memory_space<semaphore_mem>>) src(%dma_wait3A_65 : memref<2x128xi32, #tpu.memory_space<hbm>>) dst(%arg8 : memref<2x128xi32, #tpu.memory_space<vmem>>)
    %dma_start3A_66 = arith.constant 0 : i32
    "tpu.trace_stop"() : () -> ()
    %dma_start3A_67 = arith.constant 0 : i32
    %dma_start3A_68 = tpu.memref_slice %arg7[%dma_start3A_66, %dma_start3A_67] : memref<2x128xi32, #tpu.memory_space<vmem>> -> memref<1x128xi32, #tpu.memory_space<vmem>>
    %dma_start3A_69 = tpu.memref_squeeze %dma_start3A_68 : memref<1x128xi32, #tpu.memory_space<vmem>> -> memref<128xi32, #tpu.memory_space<vmem>>
    %dma_start3A_70 = arith.constant 0 : i32
    %dma_start3A_71 = arith.constant 0 : i32
    %dma_start3A_72 = tpu.memref_slice %arg2[%dma_start3A_70, %dma_start3A_71] : memref<512x128xf32, #tpu.memory_space<hbm>> -> memref<512x128xf32, #tpu.memory_space<hbm>>
    tpu.enqueue_indirect_dma source(%dma_start3A_72 : memref<512x128xf32, #tpu.memory_space<hbm>>) target(%arg9 : memref<128x128xf32, #tpu.memory_space<vmem>>) offsets(%dma_start3A_69 : memref<128xi32, #tpu.memory_space<vmem>>) semaphore(%arg15 : memref<!tpu.dma_semaphore, #tpu.memory_space<semaphore_mem>>)
    %dma_start3A_73 = arith.constant 1 : i32
    %dma_start3A_74 = arith.constant 0 : i32
    %dma_start3A_75 = tpu.memref_slice %arg7[%dma_start3A_73, %dma_start3A_74] : memref<2x128xi32, #tpu.memory_space<vmem>> -> memref<1x128xi32, #tpu.memory_space<vmem>>
    %dma_start3A_76 = tpu.memref_squeeze %dma_start3A_75 : memref<1x128xi32, #tpu.memory_space<vmem>> -> memref<128xi32, #tpu.memory_space<vmem>>
    %dma_start3A_77 = arith.constant 0 : i32
    %dma_start3A_78 = arith.constant 0 : i32
    %dma_start3A_79 = tpu.memref_slice %arg2[%dma_start3A_77, %dma_start3A_78] : memref<512x128xf32, #tpu.memory_space<hbm>> -> memref<512x128xf32, #tpu.memory_space<hbm>>
    tpu.enqueue_indirect_dma source(%dma_start3A_79 : memref<512x128xf32, #tpu.memory_space<hbm>>) target(%arg10 : memref<128x128xf32, #tpu.memory_space<vmem>>) offsets(%dma_start3A_76 : memref<128xi32, #tpu.memory_space<vmem>>) semaphore(%arg16 : memref<!tpu.dma_semaphore, #tpu.memory_space<semaphore_mem>>)
    "tpu.trace_start"() <{level = 10 : i32, message = "barrier1"}> : () -> ()
    %barrier3A = arith.constant 0 : index
    tpu.barrier barrier_id(%barrier3A)
    %dma_wait3A_80 = arith.constant 0 : i32
    "tpu.trace_stop"() : () -> ()
    "tpu.trace_start"() <{level = 10 : i32, message = "mulscat"}> : () -> ()
    %dma_wait3A_81 = arith.constant 0 : i32
    %dma_wait3A_82 = tpu.memref_slice %arg7[%dma_wait3A_80, %dma_wait3A_81] : memref<2x128xi32, #tpu.memory_space<vmem>> -> memref<1x128xi32, #tpu.memory_space<vmem>>
    %dma_wait3A_83 = tpu.memref_squeeze %dma_wait3A_82 : memref<1x128xi32, #tpu.memory_space<vmem>> -> memref<128xi32, #tpu.memory_space<vmem>>
    %dma_wait3A_84 = arith.constant 0 : i32
    %dma_wait3A_85 = arith.constant 0 : i32
    %dma_wait3A_86 = tpu.memref_slice %arg2[%dma_wait3A_84, %dma_wait3A_85] : memref<512x128xf32, #tpu.memory_space<hbm>> -> memref<512x128xf32, #tpu.memory_space<hbm>>
    tpu.wait_indirect_dma semaphore(%arg15 : memref<!tpu.dma_semaphore, #tpu.memory_space<semaphore_mem>>) src(%dma_wait3A_86 : memref<512x128xf32, #tpu.memory_space<hbm>>) dst(%arg9 : memref<128x128xf32, #tpu.memory_space<vmem>>)
    %dma_wait3A_87 = arith.constant 0 : i32
    %dma_wait3A_88 = tpu.memref_slice %arg3[%mul3A_2, %dma_wait3A_87] : memref<8192x128xf32, #tpu.memory_space<hbm>> -> memref<128x128xf32, #tpu.memory_space<hbm>>
    %dma_wait3A_89 = arith.constant 0 : i32
    %dma_wait3A_90 = tpu.memref_slice %arg3[%mul3A_2, %dma_wait3A_89] : memref<8192x128xf32, #tpu.memory_space<hbm>> -> memref<128x128xf32, #tpu.memory_space<hbm>>
    tpu.wait_dma2 semaphore(%arg17 : memref<!tpu.dma_semaphore, #tpu.memory_space<semaphore_mem>>) src(%dma_wait3A_90 : memref<128x128xf32, #tpu.memory_space<hbm>>) dst(%arg11 : memref<128x128xf32, #tpu.memory_space<vmem>>)
    %scan3A_91 = arith.constant 0 : i32
    %scan3A_92 = arith.constant 0 : i32
    %scan3A_93 = arith.constant 32 : i32
    %scan3A_94 = arith.addi %scan3A_92, %scan3A_93 : i32
    %scan3A_95 = arith.constant 1 : i32
    scf.for %scan3A_147 = %scan3A_92 to %scan3A_94 step %scan3A_95  : i32 {
      %mul3A_148 = arith.constant 4 : i32
      %mul3A_149 = arith.muli %scan3A_147, %mul3A_148 : i32
      %add3A_150 = arith.constant 0 : i32
      %add3A_151 = arith.addi %mul3A_149, %add3A_150 : i32
      %get3A = arith.index_cast %add3A_151 : i32 to index
      %get3A_152 = arith.constant 0 : index
      %get3A_153 = tpu.vector_load %arg9[%get3A, %get3A_152] {strides = array<i32>} : memref<128x128xf32, #tpu.memory_space<vmem>>, vector<1x16xf32>,
      %get3A_154 = vector.shape_cast %get3A_153 : vector<1x16xf32> to vector<16xf32>
      %add3A_155 = arith.constant 0 : i32
      %add3A_156 = arith.addi %mul3A_149, %add3A_155 : i32
      %get3A_157 = arith.index_cast %add3A_156 : i32 to index
      %get3A_158 = arith.constant 0 : index
      %get3A_159 = tpu.vector_load %arg11[%get3A_157, %get3A_158] {strides = array<i32>} : memref<128x128xf32, #tpu.memory_space<vmem>>, vector<1x16xf32>,
      %get3A_160 = vector.shape_cast %get3A_159 : vector<1x16xf32> to vector<16xf32>
      %mul3A_161 = arith.mulf %get3A_154, %get3A_160 : vector<16xf32>
      %add3A_162 = arith.constant 0 : i32
      %add3A_163 = arith.addi %mul3A_149, %add3A_162 : i32
      %swap3A = arith.index_cast %add3A_163 : i32 to index
      %swap3A_164 = arith.constant 0 : index
      %swap3A_165 = tpu.vector_load %arg9[%swap3A, %swap3A_164] {strides = array<i32>} : memref<128x128xf32, #tpu.memory_space<vmem>>, vector<1x16xf32>,
      %swap3A_166 = vector.shape_cast %swap3A_165 : vector<1x16xf32> to vector<16xf32>
      %swap3A_167 = vector.shape_cast %mul3A_161 : vector<16xf32> to vector<1x16xf32>
      tpu.vector_store %arg9[%swap3A, %swap3A_164], %swap3A_167 {strides = array<i32>} : memref<128x128xf32, #tpu.memory_space<vmem>>, vector<1x16xf32>,
      %add3A_168 = arith.constant 0 : i32
      %add3A_169 = arith.addi %mul3A_149, %add3A_168 : i32
      %get3A_170 = arith.index_cast %add3A_169 : i32 to index
      %get3A_171 = arith.constant 16 : index
      %get3A_172 = tpu.vector_load %arg9[%get3A_170, %get3A_171] {strides = array<i32>} : memref<128x128xf32, #tpu.memory_space<vmem>>, vector<1x16xf32>,
      %get3A_173 = vector.shape_cast %get3A_172 : vector<1x16xf32> to vector<16xf32>
      %add3A_174 = arith.constant 0 : i32
      %add3A_175 = arith.addi %mul3A_149, %add3A_174 : i32
      %get3A_176 = arith.index_cast %add3A_175 : i32 to index
      %get3A_177 = arith.constant 16 : index
      %get3A_178 = tpu.vector_load %arg11[%get3A_176, %get3A_177] {strides = array<i32>} : memref<128x128xf32, #tpu.memory_space<vmem>>, vector<1x16xf32>,
      %get3A_179 = vector.shape_cast %get3A_178 : vector<1x16xf32> to vector<16xf32>
      %mul3A_180 = arith.mulf %get3A_173, %get3A_179 : vector<16xf32>
      %add3A_181 = arith.constant 0 : i32
      %add3A_182 = arith.addi %mul3A_149, %add3A_181 : i32
      %swap3A_183 = arith.index_cast %add3A_182 : i32 to index
      %swap3A_184 = arith.constant 16 : index
      %swap3A_185 = tpu.vector_load %arg9[%swap3A_183, %swap3A_184] {strides = array<i32>} : memref<128x128xf32, #tpu.memory_space<vmem>>, vector<1x16xf32>,
      %swap3A_186 = vector.shape_cast %swap3A_185 : vector<1x16xf32> to vector<16xf32>
      %swap3A_187 = vector.shape_cast %mul3A_180 : vector<16xf32> to vector<1x16xf32>
      tpu.vector_store %arg9[%swap3A_183, %swap3A_184], %swap3A_187 {strides = array<i32>} : memref<128x128xf32, #tpu.memory_space<vmem>>, vector<1x16xf32>,
      %add3A_188 = arith.constant 0 : i32
      %add3A_189 = arith.addi %mul3A_149, %add3A_188 : i32
      %get3A_190 = arith.index_cast %add3A_189 : i32 to index
      %get3A_191 = arith.constant 32 : index
      %get3A_192 = tpu.vector_load %arg9[%get3A_190, %get3A_191] {strides = array<i32>} : memref<128x128xf32, #tpu.memory_space<vmem>>, vector<1x16xf32>,
      %get3A_193 = vector.shape_cast %get3A_192 : vector<1x16xf32> to vector<16xf32>
      %add3A_194 = arith.constant 0 : i32
      %add3A_195 = arith.addi %mul3A_149, %add3A_194 : i32
      %get3A_196 = arith.index_cast %add3A_195 : i32 to index
      %get3A_197 = arith.constant 32 : index
      %get3A_198 = tpu.vector_load %arg11[%get3A_196, %get3A_197] {strides = array<i32>} : memref<128x128xf32, #tpu.memory_space<vmem>>, vector<1x16xf32>,
      %get3A_199 = vector.shape_cast %get3A_198 : vector<1x16xf32> to vector<16xf32>
      %mul3A_200 = arith.mulf %get3A_193, %get3A_199 : vector<16xf32>
      %add3A_201 = arith.constant 0 : i32
      %add3A_202 = arith.addi %mul3A_149, %add3A_201 : i32
      %swap3A_203 = arith.index_cast %add3A_202 : i32 to index
      %swap3A_204 = arith.constant 32 : index
      %swap3A_205 = tpu.vector_load %arg9[%swap3A_203, %swap3A_204] {strides = array<i32>} : memref<128x128xf32, #tpu.memory_space<vmem>>, vector<1x16xf32>,
      %swap3A_206 = vector.shape_cast %swap3A_205 : vector<1x16xf32> to vector<16xf32>
      %swap3A_207 = vector.shape_cast %mul3A_200 : vector<16xf32> to vector<1x16xf32>
      tpu.vector_store %arg9[%swap3A_203, %swap3A_204], %swap3A_207 {strides = array<i32>} : memref<128x128xf32, #tpu.memory_space<vmem>>, vector<1x16xf32>,
      %add3A_208 = arith.constant 0 : i32
      %add3A_209 = arith.addi %mul3A_149, %add3A_208 : i32
      %get3A_210 = arith.index_cast %add3A_209 : i32 to index
      %get3A_211 = arith.constant 48 : index
      %get3A_212 = tpu.vector_load %arg9[%get3A_210, %get3A_211] {strides = array<i32>} : memref<128x128xf32, #tpu.memory_space<vmem>>, vector<1x16xf32>,
      %get3A_213 = vector.shape_cast %get3A_212 : vector<1x16xf32> to vector<16xf32>
      %add3A_214 = arith.constant 0 : i32
      %add3A_215 = arith.addi %mul3A_149, %add3A_214 : i32
      %get3A_216 = arith.index_cast %add3A_215 : i32 to index
      %get3A_217 = arith.constant 48 : index
      %get3A_218 = tpu.vector_load %arg11[%get3A_216, %get3A_217] {strides = array<i32>} : memref<128x128xf32, #tpu.memory_space<vmem>>, vector<1x16xf32>,
      %get3A_219 = vector.shape_cast %get3A_218 : vector<1x16xf32> to vector<16xf32>
      %mul3A_220 = arith.mulf %get3A_213, %get3A_219 : vector<16xf32>
      %add3A_221 = arith.constant 0 : i32
      %add3A_222 = arith.addi %mul3A_149, %add3A_221 : i32
      %swap3A_223 = arith.index_cast %add3A_222 : i32 to index
      %swap3A_224 = arith.constant 48 : index
      %swap3A_225 = tpu.vector_load %arg9[%swap3A_223, %swap3A_224] {strides = array<i32>} : memref<128x128xf32, #tpu.memory_space<vmem>>, vector<1x16xf32>,
      %swap3A_226 = vector.shape_cast %swap3A_225 : vector<1x16xf32> to vector<16xf32>
      %swap3A_227 = vector.shape_cast %mul3A_220 : vector<16xf32> to vector<1x16xf32>
      tpu.vector_store %arg9[%swap3A_223, %swap3A_224], %swap3A_227 {strides = array<i32>} : memref<128x128xf32, #tpu.memory_space<vmem>>, vector<1x16xf32>,
      %add3A_228 = arith.constant 0 : i32
      %add3A_229 = arith.addi %mul3A_149, %add3A_228 : i32
      %get3A_230 = arith.index_cast %add3A_229 : i32 to index
      %get3A_231 = arith.constant 64 : index
      %get3A_232 = tpu.vector_load %arg9[%get3A_230, %get3A_231] {strides = array<i32>} : memref<128x128xf32, #tpu.memory_space<vmem>>, vector<1x16xf32>,
      %get3A_233 = vector.shape_cast %get3A_232 : vector<1x16xf32> to vector<16xf32>
      %add3A_234 = arith.constant 0 : i32
      %add3A_235 = arith.addi %mul3A_149, %add3A_234 : i32
      %get3A_236 = arith.index_cast %add3A_235 : i32 to index
      %get3A_237 = arith.constant 64 : index
      %get3A_238 = tpu.vector_load %arg11[%get3A_236, %get3A_237] {strides = array<i32>} : memref<128x128xf32, #tpu.memory_space<vmem>>, vector<1x16xf32>,
      %get3A_239 = vector.shape_cast %get3A_238 : vector<1x16xf32> to vector<16xf32>
      %mul3A_240 = arith.mulf %get3A_233, %get3A_239 : vector<16xf32>
      %add3A_241 = arith.constant 0 : i32
      %add3A_242 = arith.addi %mul3A_149, %add3A_241 : i32
      %swap3A_243 = arith.index_cast %add3A_242 : i32 to index
      %swap3A_244 = arith.constant 64 : index
      %swap3A_245 = tpu.vector_load %arg9[%swap3A_243, %swap3A_244] {strides = array<i32>} : memref<128x128xf32, #tpu.memory_space<vmem>>, vector<1x16xf32>,
      %swap3A_246 = vector.shape_cast %swap3A_245 : vector<1x16xf32> to vector<16xf32>
      %swap3A_247 = vector.shape_cast %mul3A_240 : vector<16xf32> to vector<1x16xf32>
      tpu.vector_store %arg9[%swap3A_243, %swap3A_244], %swap3A_247 {strides = array<i32>} : memref<128x128xf32, #tpu.memory_space<vmem>>, vector<1x16xf32>,
      %add3A_248 = arith.constant 0 : i32
      %add3A_249 = arith.addi %mul3A_149, %add3A_248 : i32
      %get3A_250 = arith.index_cast %add3A_249 : i32 to index
      %get3A_251 = arith.constant 80 : index
      %get3A_252 = tpu.vector_load %arg9[%get3A_250, %get3A_251] {strides = array<i32>} : memref<128x128xf32, #tpu.memory_space<vmem>>, vector<1x16xf32>,
      %get3A_253 = vector.shape_cast %get3A_252 : vector<1x16xf32> to vector<16xf32>
      %add3A_254 = arith.constant 0 : i32
      %add3A_255 = arith.addi %mul3A_149, %add3A_254 : i32
      %get3A_256 = arith.index_cast %add3A_255 : i32 to index
      %get3A_257 = arith.constant 80 : index
      %get3A_258 = tpu.vector_load %arg11[%get3A_256, %get3A_257] {strides = array<i32>} : memref<128x128xf32, #tpu.memory_space<vmem>>, vector<1x16xf32>,
      %get3A_259 = vector.shape_cast %get3A_258 : vector<1x16xf32> to vector<16xf32>
      %mul3A_260 = arith.mulf %get3A_253, %get3A_259 : vector<16xf32>
      %add3A_261 = arith.constant 0 : i32
      %add3A_262 = arith.addi %mul3A_149, %add3A_261 : i32
      %swap3A_263 = arith.index_cast %add3A_262 : i32 to index
      %swap3A_264 = arith.constant 80 : index
      %swap3A_265 = tpu.vector_load %arg9[%swap3A_263, %swap3A_264] {strides = array<i32>} : memref<128x128xf32, #tpu.memory_space<vmem>>, vector<1x16xf32>,
      %swap3A_266 = vector.shape_cast %swap3A_265 : vector<1x16xf32> to vector<16xf32>
      %swap3A_267 = vector.shape_cast %mul3A_260 : vector<16xf32> to vector<1x16xf32>
      tpu.vector_store %arg9[%swap3A_263, %swap3A_264], %swap3A_267 {strides = array<i32>} : memref<128x128xf32, #tpu.memory_space<vmem>>, vector<1x16xf32>,
      %add3A_268 = arith.constant 0 : i32
      %add3A_269 = arith.addi %mul3A_149, %add3A_268 : i32
      %get3A_270 = arith.index_cast %add3A_269 : i32 to index
      %get3A_271 = arith.constant 96 : index
      %get3A_272 = tpu.vector_load %arg9[%get3A_270, %get3A_271] {strides = array<i32>} : memref<128x128xf32, #tpu.memory_space<vmem>>, vector<1x16xf32>,
      %get3A_273 = vector.shape_cast %get3A_272 : vector<1x16xf32> to vector<16xf32>
      %add3A_274 = arith.constant 0 : i32
      %add3A_275 = arith.addi %mul3A_149, %add3A_274 : i32
      %get3A_276 = arith.index_cast %add3A_275 : i32 to index
      %get3A_277 = arith.constant 96 : index
      %get3A_278 = tpu.vector_load %arg11[%get3A_276, %get3A_277] {strides = array<i32>} : memref<128x128xf32, #tpu.memory_space<vmem>>, vector<1x16xf32>,
      %get3A_279 = vector.shape_cast %get3A_278 : vector<1x16xf32> to vector<16xf32>
      %mul3A_280 = arith.mulf %get3A_273, %get3A_279 : vector<16xf32>
      %add3A_281 = arith.constant 0 : i32
      %add3A_282 = arith.addi %mul3A_149, %add3A_281 : i32
      %swap3A_283 = arith.index_cast %add3A_282 : i32 to index
      %swap3A_284 = arith.constant 96 : index
      %swap3A_285 = tpu.vector_load %arg9[%swap3A_283, %swap3A_284] {strides = array<i32>} : memref<128x128xf32, #tpu.memory_space<vmem>>, vector<1x16xf32>,
      %swap3A_286 = vector.shape_cast %swap3A_285 : vector<1x16xf32> to vector<16xf32>
      %swap3A_287 = vector.shape_cast %mul3A_280 : vector<16xf32> to vector<1x16xf32>
      tpu.vector_store %arg9[%swap3A_283, %swap3A_284], %swap3A_287 {strides = array<i32>} : memref<128x128xf32, #tpu.memory_space<vmem>>, vector<1x16xf32>,
      %add3A_288 = arith.constant 0 : i32
      %add3A_289 = arith.addi %mul3A_149, %add3A_288 : i32
      %get3A_290 = arith.index_cast %add3A_289 : i32 to index
      %get3A_291 = arith.constant 112 : index
      %get3A_292 = tpu.vector_load %arg9[%get3A_290, %get3A_291] {strides = array<i32>} : memref<128x128xf32, #tpu.memory_space<vmem>>, vector<1x16xf32>,
      %get3A_293 = vector.shape_cast %get3A_292 : vector<1x16xf32> to vector<16xf32>
      %add3A_294 = arith.constant 0 : i32
      %add3A_295 = arith.addi %mul3A_149, %add3A_294 : i32
      %get3A_296 = arith.index_cast %add3A_295 : i32 to index
      %get3A_297 = arith.constant 112 : index
      %get3A_298 = tpu.vector_load %arg11[%get3A_296, %get3A_297] {strides = array<i32>} : memref<128x128xf32, #tpu.memory_space<vmem>>, vector<1x16xf32>,
      %get3A_299 = vector.shape_cast %get3A_298 : vector<1x16xf32> to vector<16xf32>
      %mul3A_300 = arith.mulf %get3A_293, %get3A_299 : vector<16xf32>
      %add3A_301 = arith.constant 0 : i32
      %add3A_302 = arith.addi %mul3A_149, %add3A_301 : i32
      %swap3A_303 = arith.index_cast %add3A_302 : i32 to index
      %swap3A_304 = arith.constant 112 : index
      %swap3A_305 = tpu.vector_load %arg9[%swap3A_303, %swap3A_304] {strides = array<i32>} : memref<128x128xf32, #tpu.memory_space<vmem>>, vector<1x16xf32>,
      %swap3A_306 = vector.shape_cast %swap3A_305 : vector<1x16xf32> to vector<16xf32>
      %swap3A_307 = vector.shape_cast %mul3A_300 : vector<16xf32> to vector<1x16xf32>
      tpu.vector_store %arg9[%swap3A_303, %swap3A_304], %swap3A_307 {strides = array<i32>} : memref<128x128xf32, #tpu.memory_space<vmem>>, vector<1x16xf32>,
      %add3A_308 = arith.constant 1 : i32
      %add3A_309 = arith.addi %mul3A_149, %add3A_308 : i32
      %get3A_310 = arith.index_cast %add3A_309 : i32 to index
      %get3A_311 = arith.constant 0 : index
      %get3A_312 = tpu.vector_load %arg9[%get3A_310, %get3A_311] {strides = array<i32>} : memref<128x128xf32, #tpu.memory_space<vmem>>, vector<1x16xf32>,
      %get3A_313 = vector.shape_cast %get3A_312 : vector<1x16xf32> to vector<16xf32>
      %add3A_314 = arith.constant 1 : i32
      %add3A_315 = arith.addi %mul3A_149, %add3A_314 : i32
      %get3A_316 = arith.index_cast %add3A_315 : i32 to index
      %get3A_317 = arith.constant 0 : index
      %get3A_318 = tpu.vector_load %arg11[%get3A_316, %get3A_317] {strides = array<i32>} : memref<128x128xf32, #tpu.memory_space<vmem>>, vector<1x16xf32>,
      %get3A_319 = vector.shape_cast %get3A_318 : vector<1x16xf32> to vector<16xf32>
      %mul3A_320 = arith.mulf %get3A_313, %get3A_319 : vector<16xf32>
      %add3A_321 = arith.constant 1 : i32
      %add3A_322 = arith.addi %mul3A_149, %add3A_321 : i32
      %swap3A_323 = arith.index_cast %add3A_322 : i32 to index
      %swap3A_324 = arith.constant 0 : index
      %swap3A_325 = tpu.vector_load %arg9[%swap3A_323, %swap3A_324] {strides = array<i32>} : memref<128x128xf32, #tpu.memory_space<vmem>>, vector<1x16xf32>,
      %swap3A_326 = vector.shape_cast %swap3A_325 : vector<1x16xf32> to vector<16xf32>
      %swap3A_327 = vector.shape_cast %mul3A_320 : vector<16xf32> to vector<1x16xf32>
      tpu.vector_store %arg9[%swap3A_323, %swap3A_324], %swap3A_327 {strides = array<i32>} : memref<128x128xf32, #tpu.memory_space<vmem>>, vector<1x16xf32>,
      %add3A_328 = arith.constant 1 : i32
      %add3A_329 = arith.addi %mul3A_149, %add3A_328 : i32
      %get3A_330 = arith.index_cast %add3A_329 : i32 to index
      %get3A_331 = arith.constant 16 : index
      %get3A_332 = tpu.vector_load %arg9[%get3A_330, %get3A_331] {strides = array<i32>} : memref<128x128xf32, #tpu.memory_space<vmem>>, vector<1x16xf32>,
      %get3A_333 = vector.shape_cast %get3A_332 : vector<1x16xf32> to vector<16xf32>
      %add3A_334 = arith.constant 1 : i32
      %add3A_335 = arith.addi %mul3A_149, %add3A_334 : i32
      %get3A_336 = arith.index_cast %add3A_335 : i32 to index
      %get3A_337 = arith.constant 16 : index
      %get3A_338 = tpu.vector_load %arg11[%get3A_336, %get3A_337] {strides = array<i32>} : memref<128x128xf32, #tpu.memory_space<vmem>>, vector<1x16xf32>,
      %get3A_339 = vector.shape_cast %get3A_338 : vector<1x16xf32> to vector<16xf32>
      %mul3A_340 = arith.mulf %get3A_333, %get3A_339 : vector<16xf32>
      %add3A_341 = arith.constant 1 : i32
      %add3A_342 = arith.addi %mul3A_149, %add3A_341 : i32
      %swap3A_343 = arith.index_cast %add3A_342 : i32 to index
      %swap3A_344 = arith.constant 16 : index
      %swap3A_345 = tpu.vector_load %arg9[%swap3A_343, %swap3A_344] {strides = array<i32>} : memref<128x128xf32, #tpu.memory_space<vmem>>, vector<1x16xf32>,
      %swap3A_346 = vector.shape_cast %swap3A_345 : vector<1x16xf32> to vector<16xf32>
      %swap3A_347 = vector.shape_cast %mul3A_340 : vector<16xf32> to vector<1x16xf32>
      tpu.vector_store %arg9[%swap3A_343, %swap3A_344], %swap3A_347 {strides = array<i32>} : memref<128x128xf32, #tpu.memory_space<vmem>>, vector<1x16xf32>,
      %add3A_348 = arith.constant 1 : i32
      %add3A_349 = arith.addi %mul3A_149, %add3A_348 : i32
      %get3A_350 = arith.index_cast %add3A_349 : i32 to index
      %get3A_351 = arith.constant 32 : index
      %get3A_352 = tpu.vector_load %arg9[%get3A_350, %get3A_351] {strides = array<i32>} : memref<128x128xf32, #tpu.memory_space<vmem>>, vector<1x16xf32>,
      %get3A_353 = vector.shape_cast %get3A_352 : vector<1x16xf32> to vector<16xf32>
      %add3A_354 = arith.constant 1 : i32
      %add3A_355 = arith.addi %mul3A_149, %add3A_354 : i32
      %get3A_356 = arith.index_cast %add3A_355 : i32 to index
      %get3A_357 = arith.constant 32 : index
      %get3A_358 = tpu.vector_load %arg11[%get3A_356, %get3A_357] {strides = array<i32>} : memref<128x128xf32, #tpu.memory_space<vmem>>, vector<1x16xf32>,
      %get3A_359 = vector.shape_cast %get3A_358 : vector<1x16xf32> to vector<16xf32>
      %mul3A_360 = arith.mulf %get3A_353, %get3A_359 : vector<16xf32>
      %add3A_361 = arith.constant 1 : i32
      %add3A_362 = arith.addi %mul3A_149, %add3A_361 : i32
      %swap3A_363 = arith.index_cast %add3A_362 : i32 to index
      %swap3A_364 = arith.constant 32 : index
      %swap3A_365 = tpu.vector_load %arg9[%swap3A_363, %swap3A_364] {strides = array<i32>} : memref<128x128xf32, #tpu.memory_space<vmem>>, vector<1x16xf32>,
      %swap3A_366 = vector.shape_cast %swap3A_365 : vector<1x16xf32> to vector<16xf32>
      %swap3A_367 = vector.shape_cast %mul3A_360 : vector<16xf32> to vector<1x16xf32>
      tpu.vector_store %arg9[%swap3A_363, %swap3A_364], %swap3A_367 {strides = array<i32>} : memref<128x128xf32, #tpu.memory_space<vmem>>, vector<1x16xf32>,
      %add3A_368 = arith.constant 1 : i32
      %add3A_369 = arith.addi %mul3A_149, %add3A_368 : i32
      %get3A_370 = arith.index_cast %add3A_369 : i32 to index
      %get3A_371 = arith.constant 48 : index
      %get3A_372 = tpu.vector_load %arg9[%get3A_370, %get3A_371] {strides = array<i32>} : memref<128x128xf32, #tpu.memory_space<vmem>>, vector<1x16xf32>,
      %get3A_373 = vector.shape_cast %get3A_372 : vector<1x16xf32> to vector<16xf32>
      %add3A_374 = arith.constant 1 : i32
      %add3A_375 = arith.addi %mul3A_149, %add3A_374 : i32
      %get3A_376 = arith.index_cast %add3A_375 : i32 to index
      %get3A_377 = arith.constant 48 : index
      %get3A_378 = tpu.vector_load %arg11[%get3A_376, %get3A_377] {strides = array<i32>} : memref<128x128xf32, #tpu.memory_space<vmem>>, vector<1x16xf32>,
      %get3A_379 = vector.shape_cast %get3A_378 : vector<1x16xf32> to vector<16xf32>
      %mul3A_380 = arith.mulf %get3A_373, %get3A_379 : vector<16xf32>
      %add3A_381 = arith.constant 1 : i32
      %add3A_382 = arith.addi %mul3A_149, %add3A_381 : i32
      %swap3A_383 = arith.index_cast %add3A_382 : i32 to index
      %swap3A_384 = arith.constant 48 : index
      %swap3A_385 = tpu.vector_load %arg9[%swap3A_383, %swap3A_384] {strides = array<i32>} : memref<128x128xf32, #tpu.memory_space<vmem>>, vector<1x16xf32>,
      %swap3A_386 = vector.shape_cast %swap3A_385 : vector<1x16xf32> to vector<16xf32>
      %swap3A_387 = vector.shape_cast %mul3A_380 : vector<16xf32> to vector<1x16xf32>
      tpu.vector_store %arg9[%swap3A_383, %swap3A_384], %swap3A_387 {strides = array<i32>} : memref<128x128xf32, #tpu.memory_space<vmem>>, vector<1x16xf32>,
      %add3A_388 = arith.constant 1 : i32
      %add3A_389 = arith.addi %mul3A_149, %add3A_388 : i32
      %get3A_390 = arith.index_cast %add3A_389 : i32 to index
      %get3A_391 = arith.constant 64 : index
      %get3A_392 = tpu.vector_load %arg9[%get3A_390, %get3A_391] {strides = array<i32>} : memref<128x128xf32, #tpu.memory_space<vmem>>, vector<1x16xf32>,
      %get3A_393 = vector.shape_cast %get3A_392 : vector<1x16xf32> to vector<16xf32>
      %add3A_394 = arith.constant 1 : i32
      %add3A_395 = arith.addi %mul3A_149, %add3A_394 : i32
      %get3A_396 = arith.index_cast %add3A_395 : i32 to index
      %get3A_397 = arith.constant 64 : index
      %get3A_398 = tpu.vector_load %arg11[%get3A_396, %get3A_397] {strides = array<i32>} : memref<128x128xf32, #tpu.memory_space<vmem>>, vector<1x16xf32>,
      %get3A_399 = vector.shape_cast %get3A_398 : vector<1x16xf32> to vector<16xf32>
      %mul3A_400 = arith.mulf %get3A_393, %get3A_399 : vector<16xf32>
      %add3A_401 = arith.constant 1 : i32
      %add3A_402 = arith.addi %mul3A_149, %add3A_401 : i32
      %swap3A_403 = arith.index_cast %add3A_402 : i32 to index
      %swap3A_404 = arith.constant 64 : index
      %swap3A_405 = tpu.vector_load %arg9[%swap3A_403, %swap3A_404] {strides = array<i32>} : memref<128x128xf32, #tpu.memory_space<vmem>>, vector<1x16xf32>,
      %swap3A_406 = vector.shape_cast %swap3A_405 : vector<1x16xf32> to vector<16xf32>
      %swap3A_407 = vector.shape_cast %mul3A_400 : vector<16xf32> to vector<1x16xf32>
      tpu.vector_store %arg9[%swap3A_403, %swap3A_404], %swap3A_407 {strides = array<i32>} : memref<128x128xf32, #tpu.memory_space<vmem>>, vector<1x16xf32>,
      %add3A_408 = arith.constant 1 : i32
      %add3A_409 = arith.addi %mul3A_149, %add3A_408 : i32
      %get3A_410 = arith.index_cast %add3A_409 : i32 to index
      %get3A_411 = arith.constant 80 : index
      %get3A_412 = tpu.vector_load %arg9[%get3A_410, %get3A_411] {strides = array<i32>} : memref<128x128xf32, #tpu.memory_space<vmem>>, vector<1x16xf32>,
      %get3A_413 = vector.shape_cast %get3A_412 : vector<1x16xf32> to vector<16xf32>
      %add3A_414 = arith.constant 1 : i32
      %add3A_415 = arith.addi %mul3A_149, %add3A_414 : i32
      %get3A_416 = arith.index_cast %add3A_415 : i32 to index
      %get3A_417 = arith.constant 80 : index
      %get3A_418 = tpu.vector_load %arg11[%get3A_416, %get3A_417] {strides = array<i32>} : memref<128x128xf32, #tpu.memory_space<vmem>>, vector<1x16xf32>,
      %get3A_419 = vector.shape_cast %get3A_418 : vector<1x16xf32> to vector<16xf32>
      %mul3A_420 = arith.mulf %get3A_413, %get3A_419 : vector<16xf32>
      %add3A_421 = arith.constant 1 : i32
      %add3A_422 = arith.addi %mul3A_149, %add3A_421 : i32
      %swap3A_423 = arith.index_cast %add3A_422 : i32 to index
      %swap3A_424 = arith.constant 80 : index
      %swap3A_425 = tpu.vector_load %arg9[%swap3A_423, %swap3A_424] {strides = array<i32>} : memref<128x128xf32, #tpu.memory_space<vmem>>, vector<1x16xf32>,
      %swap3A_426 = vector.shape_cast %swap3A_425 : vector<1x16xf32> to vector<16xf32>
      %swap3A_427 = vector.shape_cast %mul3A_420 : vector<16xf32> to vector<1x16xf32>
      tpu.vector_store %arg9[%swap3A_423, %swap3A_424], %swap3A_427 {strides = array<i32>} : memref<128x128xf32, #tpu.memory_space<vmem>>, vector<1x16xf32>,
      %add3A_428 = arith.constant 1 : i32
      %add3A_429 = arith.addi %mul3A_149, %add3A_428 : i32
      %get3A_430 = arith.index_cast %add3A_429 : i32 to index
      %get3A_431 = arith.constant 96 : index
      %get3A_432 = tpu.vector_load %arg9[%get3A_430, %get3A_431] {strides = array<i32>} : memref<128x128xf32, #tpu.memory_space<vmem>>, vector<1x16xf32>,
      %get3A_433 = vector.shape_cast %get3A_432 : vector<1x16xf32> to vector<16xf32>
      %add3A_434 = arith.constant 1 : i32
      %add3A_435 = arith.addi %mul3A_149, %add3A_434 : i32
      %get3A_436 = arith.index_cast %add3A_435 : i32 to index
      %get3A_437 = arith.constant 96 : index
      %get3A_438 = tpu.vector_load %arg11[%get3A_436, %get3A_437] {strides = array<i32>} : memref<128x128xf32, #tpu.memory_space<vmem>>, vector<1x16xf32>,
      %get3A_439 = vector.shape_cast %get3A_438 : vector<1x16xf32> to vector<16xf32>
      %mul3A_440 = arith.mulf %get3A_433, %get3A_439 : vector<16xf32>
      %add3A_441 = arith.constant 1 : i32
      %add3A_442 = arith.addi %mul3A_149, %add3A_441 : i32
      %swap3A_443 = arith.index_cast %add3A_442 : i32 to index
      %swap3A_444 = arith.constant 96 : index
      %swap3A_445 = tpu.vector_load %arg9[%swap3A_443, %swap3A_444] {strides = array<i32>} : memref<128x128xf32, #tpu.memory_space<vmem>>, vector<1x16xf32>,
      %swap3A_446 = vector.shape_cast %swap3A_445 : vector<1x16xf32> to vector<16xf32>
      %swap3A_447 = vector.shape_cast %mul3A_440 : vector<16xf32> to vector<1x16xf32>
      tpu.vector_store %arg9[%swap3A_443, %swap3A_444], %swap3A_447 {strides = array<i32>} : memref<128x128xf32, #tpu.memory_space<vmem>>, vector<1x16xf32>,
      %add3A_448 = arith.constant 1 : i32
      %add3A_449 = arith.addi %mul3A_149, %add3A_448 : i32
      %get3A_450 = arith.index_cast %add3A_449 : i32 to index
      %get3A_451 = arith.constant 112 : index
      %get3A_452 = tpu.vector_load %arg9[%get3A_450, %get3A_451] {strides = array<i32>} : memref<128x128xf32, #tpu.memory_space<vmem>>, vector<1x16xf32>,
      %get3A_453 = vector.shape_cast %get3A_452 : vector<1x16xf32> to vector<16xf32>
      %add3A_454 = arith.constant 1 : i32
      %add3A_455 = arith.addi %mul3A_149, %add3A_454 : i32
      %get3A_456 = arith.index_cast %add3A_455 : i32 to index
      %get3A_457 = arith.constant 112 : index
      %get3A_458 = tpu.vector_load %arg11[%get3A_456, %get3A_457] {strides = array<i32>} : memref<128x128xf32, #tpu.memory_space<vmem>>, vector<1x16xf32>,
      %get3A_459 = vector.shape_cast %get3A_458 : vector<1x16xf32> to vector<16xf32>
      %mul3A_460 = arith.mulf %get3A_453, %get3A_459 : vector<16xf32>
      %add3A_461 = arith.constant 1 : i32
      %add3A_462 = arith.addi %mul3A_149, %add3A_461 : i32
      %swap3A_463 = arith.index_cast %add3A_462 : i32 to index
      %swap3A_464 = arith.constant 112 : index
      %swap3A_465 = tpu.vector_load %arg9[%swap3A_463, %swap3A_464] {strides = array<i32>} : memref<128x128xf32, #tpu.memory_space<vmem>>, vector<1x16xf32>,
      %swap3A_466 = vector.shape_cast %swap3A_465 : vector<1x16xf32> to vector<16xf32>
      %swap3A_467 = vector.shape_cast %mul3A_460 : vector<16xf32> to vector<1x16xf32>
      tpu.vector_store %arg9[%swap3A_463, %swap3A_464], %swap3A_467 {strides = array<i32>} : memref<128x128xf32, #tpu.memory_space<vmem>>, vector<1x16xf32>,
      %add3A_468 = arith.constant 2 : i32
      %add3A_469 = arith.addi %mul3A_149, %add3A_468 : i32
      %get3A_470 = arith.index_cast %add3A_469 : i32 to index
      %get3A_471 = arith.constant 0 : index
      %get3A_472 = tpu.vector_load %arg9[%get3A_470, %get3A_471] {strides = array<i32>} : memref<128x128xf32, #tpu.memory_space<vmem>>, vector<1x16xf32>,
      %get3A_473 = vector.shape_cast %get3A_472 : vector<1x16xf32> to vector<16xf32>
      %add3A_474 = arith.constant 2 : i32
      %add3A_475 = arith.addi %mul3A_149, %add3A_474 : i32
      %get3A_476 = arith.index_cast %add3A_475 : i32 to index
      %get3A_477 = arith.constant 0 : index
      %get3A_478 = tpu.vector_load %arg11[%get3A_476, %get3A_477] {strides = array<i32>} : memref<128x128xf32, #tpu.memory_space<vmem>>, vector<1x16xf32>,
      %get3A_479 = vector.shape_cast %get3A_478 : vector<1x16xf32> to vector<16xf32>
      %mul3A_480 = arith.mulf %get3A_473, %get3A_479 : vector<16xf32>
      %add3A_481 = arith.constant 2 : i32
      %add3A_482 = arith.addi %mul3A_149, %add3A_481 : i32
      %swap3A_483 = arith.index_cast %add3A_482 : i32 to index
      %swap3A_484 = arith.constant 0 : index
      %swap3A_485 = tpu.vector_load %arg9[%swap3A_483, %swap3A_484] {strides = array<i32>} : memref<128x128xf32, #tpu.memory_space<vmem>>, vector<1x16xf32>,
      %swap3A_486 = vector.shape_cast %swap3A_485 : vector<1x16xf32> to vector<16xf32>
      %swap3A_487 = vector.shape_cast %mul3A_480 : vector<16xf32> to vector<1x16xf32>
      tpu.vector_store %arg9[%swap3A_483, %swap3A_484], %swap3A_487 {strides = array<i32>} : memref<128x128xf32, #tpu.memory_space<vmem>>, vector<1x16xf32>,
      %add3A_488 = arith.constant 2 : i32
      %add3A_489 = arith.addi %mul3A_149, %add3A_488 : i32
      %get3A_490 = arith.index_cast %add3A_489 : i32 to index
      %get3A_491 = arith.constant 16 : index
      %get3A_492 = tpu.vector_load %arg9[%get3A_490, %get3A_491] {strides = array<i32>} : memref<128x128xf32, #tpu.memory_space<vmem>>, vector<1x16xf32>,
      %get3A_493 = vector.shape_cast %get3A_492 : vector<1x16xf32> to vector<16xf32>
      %add3A_494 = arith.constant 2 : i32
      %add3A_495 = arith.addi %mul3A_149, %add3A_494 : i32
      %get3A_496 = arith.index_cast %add3A_495 : i32 to index
      %get3A_497 = arith.constant 16 : index
      %get3A_498 = tpu.vector_load %arg11[%get3A_496, %get3A_497] {strides = array<i32>} : memref<128x128xf32, #tpu.memory_space<vmem>>, vector<1x16xf32>,
      %get3A_499 = vector.shape_cast %get3A_498 : vector<1x16xf32> to vector<16xf32>
      %mul3A_500 = arith.mulf %get3A_493, %get3A_499 : vector<16xf32>
      %add3A_501 = arith.constant 2 : i32
      %add3A_502 = arith.addi %mul3A_149, %add3A_501 : i32
      %swap3A_503 = arith.index_cast %add3A_502 : i32 to index
      %swap3A_504 = arith.constant 16 : index
      %swap3A_505 = tpu.vector_load %arg9[%swap3A_503, %swap3A_504] {strides = array<i32>} : memref<128x128xf32, #tpu.memory_space<vmem>>, vector<1x16xf32>,
      %swap3A_506 = vector.shape_cast %swap3A_505 : vector<1x16xf32> to vector<16xf32>
      %swap3A_507 = vector.shape_cast %mul3A_500 : vector<16xf32> to vector<1x16xf32>
      tpu.vector_store %arg9[%swap3A_503, %swap3A_504], %swap3A_507 {strides = array<i32>} : memref<128x128xf32, #tpu.memory_space<vmem>>, vector<1x16xf32>,
      %add3A_508 = arith.constant 2 : i32
      %add3A_509 = arith.addi %mul3A_149, %add3A_508 : i32
      %get3A_510 = arith.index_cast %add3A_509 : i32 to index
      %get3A_511 = arith.constant 32 : index
      %get3A_512 = tpu.vector_load %arg9[%get3A_510, %get3A_511] {strides = array<i32>} : memref<128x128xf32, #tpu.memory_space<vmem>>, vector<1x16xf32>,
      %get3A_513 = vector.shape_cast %get3A_512 : vector<1x16xf32> to vector<16xf32>
      %add3A_514 = arith.constant 2 : i32
      %add3A_515 = arith.addi %mul3A_149, %add3A_514 : i32
      %get3A_516 = arith.index_cast %add3A_515 : i32 to index
      %get3A_517 = arith.constant 32 : index
      %get3A_518 = tpu.vector_load %arg11[%get3A_516, %get3A_517] {strides = array<i32>} : memref<128x128xf32, #tpu.memory_space<vmem>>, vector<1x16xf32>,
      %get3A_519 = vector.shape_cast %get3A_518 : vector<1x16xf32> to vector<16xf32>
      %mul3A_520 = arith.mulf %get3A_513, %get3A_519 : vector<16xf32>
      %add3A_521 = arith.constant 2 : i32
      %add3A_522 = arith.addi %mul3A_149, %add3A_521 : i32
      %swap3A_523 = arith.index_cast %add3A_522 : i32 to index
      %swap3A_524 = arith.constant 32 : index
      %swap3A_525 = tpu.vector_load %arg9[%swap3A_523, %swap3A_524] {strides = array<i32>} : memref<128x128xf32, #tpu.memory_space<vmem>>, vector<1x16xf32>,
      %swap3A_526 = vector.shape_cast %swap3A_525 : vector<1x16xf32> to vector<16xf32>
      %swap3A_527 = vector.shape_cast %mul3A_520 : vector<16xf32> to vector<1x16xf32>
      tpu.vector_store %arg9[%swap3A_523, %swap3A_524], %swap3A_527 {strides = array<i32>} : memref<128x128xf32, #tpu.memory_space<vmem>>, vector<1x16xf32>,
      %add3A_528 = arith.constant 2 : i32
      %add3A_529 = arith.addi %mul3A_149, %add3A_528 : i32
      %get3A_530 = arith.index_cast %add3A_529 : i32 to index
      %get3A_531 = arith.constant 48 : index
      %get3A_532 = tpu.vector_load %arg9[%get3A_530, %get3A_531] {strides = array<i32>} : memref<128x128xf32, #tpu.memory_space<vmem>>, vector<1x16xf32>,
      %get3A_533 = vector.shape_cast %get3A_532 : vector<1x16xf32> to vector<16xf32>
      %add3A_534 = arith.constant 2 : i32
      %add3A_535 = arith.addi %mul3A_149, %add3A_534 : i32
      %get3A_536 = arith.index_cast %add3A_535 : i32 to index
      %get3A_537 = arith.constant 48 : index
      %get3A_538 = tpu.vector_load %arg11[%get3A_536, %get3A_537] {strides = array<i32>} : memref<128x128xf32, #tpu.memory_space<vmem>>, vector<1x16xf32>,
      %get3A_539 = vector.shape_cast %get3A_538 : vector<1x16xf32> to vector<16xf32>
      %mul3A_540 = arith.mulf %get3A_533, %get3A_539 : vector<16xf32>
      %add3A_541 = arith.constant 2 : i32
      %add3A_542 = arith.addi %mul3A_149, %add3A_541 : i32
      %swap3A_543 = arith.index_cast %add3A_542 : i32 to index
      %swap3A_544 = arith.constant 48 : index
      %swap3A_545 = tpu.vector_load %arg9[%swap3A_543, %swap3A_544] {strides = array<i32>} : memref<128x128xf32, #tpu.memory_space<vmem>>, vector<1x16xf32>,
      %swap3A_546 = vector.shape_cast %swap3A_545 : vector<1x16xf32> to vector<16xf32>
      %swap3A_547 = vector.shape_cast %mul3A_540 : vector<16xf32> to vector<1x16xf32>
      tpu.vector_store %arg9[%swap3A_543, %swap3A_544], %swap3A_547 {strides = array<i32>} : memref<128x128xf32, #tpu.memory_space<vmem>>, vector<1x16xf32>,
      %add3A_548 = arith.constant 2 : i32
      %add3A_549 = arith.addi %mul3A_149, %add3A_548 : i32
      %get3A_550 = arith.index_cast %add3A_549 : i32 to index
      %get3A_551 = arith.constant 64 : index
      %get3A_552 = tpu.vector_load %arg9[%get3A_550, %get3A_551] {strides = array<i32>} : memref<128x128xf32, #tpu.memory_space<vmem>>, vector<1x16xf32>,
      %get3A_553 = vector.shape_cast %get3A_552 : vector<1x16xf32> to vector<16xf32>
      %add3A_554 = arith.constant 2 : i32
      %add3A_555 = arith.addi %mul3A_149, %add3A_554 : i32
      %get3A_556 = arith.index_cast %add3A_555 : i32 to index
      %get3A_557 = arith.constant 64 : index
      %get3A_558 = tpu.vector_load %arg11[%get3A_556, %get3A_557] {strides = array<i32>} : memref<128x128xf32, #tpu.memory_space<vmem>>, vector<1x16xf32>,
      %get3A_559 = vector.shape_cast %get3A_558 : vector<1x16xf32> to vector<16xf32>
      %mul3A_560 = arith.mulf %get3A_553, %get3A_559 : vector<16xf32>
      %add3A_561 = arith.constant 2 : i32
      %add3A_562 = arith.addi %mul3A_149, %add3A_561 : i32
      %swap3A_563 = arith.index_cast %add3A_562 : i32 to index
      %swap3A_564 = arith.constant 64 : index
      %swap3A_565 = tpu.vector_load %arg9[%swap3A_563, %swap3A_564] {strides = array<i32>} : memref<128x128xf32, #tpu.memory_space<vmem>>, vector<1x16xf32>,
      %swap3A_566 = vector.shape_cast %swap3A_565 : vector<1x16xf32> to vector<16xf32>
      %swap3A_567 = vector.shape_cast %mul3A_560 : vector<16xf32> to vector<1x16xf32>
      tpu.vector_store %arg9[%swap3A_563, %swap3A_564], %swap3A_567 {strides = array<i32>} : memref<128x128xf32, #tpu.memory_space<vmem>>, vector<1x16xf32>,
      %add3A_568 = arith.constant 2 : i32
      %add3A_569 = arith.addi %mul3A_149, %add3A_568 : i32
      %get3A_570 = arith.index_cast %add3A_569 : i32 to index
      %get3A_571 = arith.constant 80 : index
      %get3A_572 = tpu.vector_load %arg9[%get3A_570, %get3A_571] {strides = array<i32>} : memref<128x128xf32, #tpu.memory_space<vmem>>, vector<1x16xf32>,
      %get3A_573 = vector.shape_cast %get3A_572 : vector<1x16xf32> to vector<16xf32>
      %add3A_574 = arith.constant 2 : i32
      %add3A_575 = arith.addi %mul3A_149, %add3A_574 : i32
      %get3A_576 = arith.index_cast %add3A_575 : i32 to index
      %get3A_577 = arith.constant 80 : index
      %get3A_578 = tpu.vector_load %arg11[%get3A_576, %get3A_577] {strides = array<i32>} : memref<128x128xf32, #tpu.memory_space<vmem>>, vector<1x16xf32>,
      %get3A_579 = vector.shape_cast %get3A_578 : vector<1x16xf32> to vector<16xf32>
      %mul3A_580 = arith.mulf %get3A_573, %get3A_579 : vector<16xf32>
      %add3A_581 = arith.constant 2 : i32
      %add3A_582 = arith.addi %mul3A_149, %add3A_581 : i32
      %swap3A_583 = arith.index_cast %add3A_582 : i32 to index
      %swap3A_584 = arith.constant 80 : index
      %swap3A_585 = tpu.vector_load %arg9[%swap3A_583, %swap3A_584] {strides = array<i32>} : memref<128x128xf32, #tpu.memory_space<vmem>>, vector<1x16xf32>,
      %swap3A_586 = vector.shape_cast %swap3A_585 : vector<1x16xf32> to vector<16xf32>
      %swap3A_587 = vector.shape_cast %mul3A_580 : vector<16xf32> to vector<1x16xf32>
      tpu.vector_store %arg9[%swap3A_583, %swap3A_584], %swap3A_587 {strides = array<i32>} : memref<128x128xf32, #tpu.memory_space<vmem>>, vector<1x16xf32>,
      %add3A_588 = arith.constant 2 : i32
      %add3A_589 = arith.addi %mul3A_149, %add3A_588 : i32
      %get3A_590 = arith.index_cast %add3A_589 : i32 to index
      %get3A_591 = arith.constant 96 : index
      %get3A_592 = tpu.vector_load %arg9[%get3A_590, %get3A_591] {strides = array<i32>} : memref<128x128xf32, #tpu.memory_space<vmem>>, vector<1x16xf32>,
      %get3A_593 = vector.shape_cast %get3A_592 : vector<1x16xf32> to vector<16xf32>
      %add3A_594 = arith.constant 2 : i32
      %add3A_595 = arith.addi %mul3A_149, %add3A_594 : i32
      %get3A_596 = arith.index_cast %add3A_595 : i32 to index
      %get3A_597 = arith.constant 96 : index
      %get3A_598 = tpu.vector_load %arg11[%get3A_596, %get3A_597] {strides = array<i32>} : memref<128x128xf32, #tpu.memory_space<vmem>>, vector<1x16xf32>,
      %get3A_599 = vector.shape_cast %get3A_598 : vector<1x16xf32> to vector<16xf32>
      %mul3A_600 = arith.mulf %get3A_593, %get3A_599 : vector<16xf32>
      %add3A_601 = arith.constant 2 : i32
      %add3A_602 = arith.addi %mul3A_149, %add3A_601 : i32
      %swap3A_603 = arith.index_cast %add3A_602 : i32 to index
      %swap3A_604 = arith.constant 96 : index
      %swap3A_605 = tpu.vector_load %arg9[%swap3A_603, %swap3A_604] {strides = array<i32>} : memref<128x128xf32, #tpu.memory_space<vmem>>, vector<1x16xf32>,
      %swap3A_606 = vector.shape_cast %swap3A_605 : vector<1x16xf32> to vector<16xf32>
      %swap3A_607 = vector.shape_cast %mul3A_600 : vector<16xf32> to vector<1x16xf32>
      tpu.vector_store %arg9[%swap3A_603, %swap3A_604], %swap3A_607 {strides = array<i32>} : memref<128x128xf32, #tpu.memory_space<vmem>>, vector<1x16xf32>,
      %add3A_608 = arith.constant 2 : i32
      %add3A_609 = arith.addi %mul3A_149, %add3A_608 : i32
      %get3A_610 = arith.index_cast %add3A_609 : i32 to index
      %get3A_611 = arith.constant 112 : index
      %get3A_612 = tpu.vector_load %arg9[%get3A_610, %get3A_611] {strides = array<i32>} : memref<128x128xf32, #tpu.memory_space<vmem>>, vector<1x16xf32>,
      %get3A_613 = vector.shape_cast %get3A_612 : vector<1x16xf32> to vector<16xf32>
      %add3A_614 = arith.constant 2 : i32
      %add3A_615 = arith.addi %mul3A_149, %add3A_614 : i32
      %get3A_616 = arith.index_cast %add3A_615 : i32 to index
      %get3A_617 = arith.constant 112 : index
      %get3A_618 = tpu.vector_load %arg11[%get3A_616, %get3A_617] {strides = array<i32>} : memref<128x128xf32, #tpu.memory_space<vmem>>, vector<1x16xf32>,
      %get3A_619 = vector.shape_cast %get3A_618 : vector<1x16xf32> to vector<16xf32>
      %mul3A_620 = arith.mulf %get3A_613, %get3A_619 : vector<16xf32>
      %add3A_621 = arith.constant 2 : i32
      %add3A_622 = arith.addi %mul3A_149, %add3A_621 : i32
      %swap3A_623 = arith.index_cast %add3A_622 : i32 to index
      %swap3A_624 = arith.constant 112 : index
      %swap3A_625 = tpu.vector_load %arg9[%swap3A_623, %swap3A_624] {strides = array<i32>} : memref<128x128xf32, #tpu.memory_space<vmem>>, vector<1x16xf32>,
      %swap3A_626 = vector.shape_cast %swap3A_625 : vector<1x16xf32> to vector<16xf32>
      %swap3A_627 = vector.shape_cast %mul3A_620 : vector<16xf32> to vector<1x16xf32>
      tpu.vector_store %arg9[%swap3A_623, %swap3A_624], %swap3A_627 {strides = array<i32>} : memref<128x128xf32, #tpu.memory_space<vmem>>, vector<1x16xf32>,
      %add3A_628 = arith.constant 3 : i32
      %add3A_629 = arith.addi %mul3A_149, %add3A_628 : i32
      %get3A_630 = arith.index_cast %add3A_629 : i32 to index
      %get3A_631 = arith.constant 0 : index
      %get3A_632 = tpu.vector_load %arg9[%get3A_630, %get3A_631] {strides = array<i32>} : memref<128x128xf32, #tpu.memory_space<vmem>>, vector<1x16xf32>,
      %get3A_633 = vector.shape_cast %get3A_632 : vector<1x16xf32> to vector<16xf32>
      %add3A_634 = arith.constant 3 : i32
      %add3A_635 = arith.addi %mul3A_149, %add3A_634 : i32
      %get3A_636 = arith.index_cast %add3A_635 : i32 to index
      %get3A_637 = arith.constant 0 : index
      %get3A_638 = tpu.vector_load %arg11[%get3A_636, %get3A_637] {strides = array<i32>} : memref<128x128xf32, #tpu.memory_space<vmem>>, vector<1x16xf32>,
      %get3A_639 = vector.shape_cast %get3A_638 : vector<1x16xf32> to vector<16xf32>
      %mul3A_640 = arith.mulf %get3A_633, %get3A_639 : vector<16xf32>
      %add3A_641 = arith.constant 3 : i32
      %add3A_642 = arith.addi %mul3A_149, %add3A_641 : i32
      %swap3A_643 = arith.index_cast %add3A_642 : i32 to index
      %swap3A_644 = arith.constant 0 : index
      %swap3A_645 = tpu.vector_load %arg9[%swap3A_643, %swap3A_644] {strides = array<i32>} : memref<128x128xf32, #tpu.memory_space<vmem>>, vector<1x16xf32>,
      %swap3A_646 = vector.shape_cast %swap3A_645 : vector<1x16xf32> to vector<16xf32>
      %swap3A_647 = vector.shape_cast %mul3A_640 : vector<16xf32> to vector<1x16xf32>
      tpu.vector_store %arg9[%swap3A_643, %swap3A_644], %swap3A_647 {strides = array<i32>} : memref<128x128xf32, #tpu.memory_space<vmem>>, vector<1x16xf32>,
      %add3A_648 = arith.constant 3 : i32
      %add3A_649 = arith.addi %mul3A_149, %add3A_648 : i32
      %get3A_650 = arith.index_cast %add3A_649 : i32 to index
      %get3A_651 = arith.constant 16 : index
      %get3A_652 = tpu.vector_load %arg9[%get3A_650, %get3A_651] {strides = array<i32>} : memref<128x128xf32, #tpu.memory_space<vmem>>, vector<1x16xf32>,
      %get3A_653 = vector.shape_cast %get3A_652 : vector<1x16xf32> to vector<16xf32>
      %add3A_654 = arith.constant 3 : i32
      %add3A_655 = arith.addi %mul3A_149, %add3A_654 : i32
      %get3A_656 = arith.index_cast %add3A_655 : i32 to index
      %get3A_657 = arith.constant 16 : index
      %get3A_658 = tpu.vector_load %arg11[%get3A_656, %get3A_657] {strides = array<i32>} : memref<128x128xf32, #tpu.memory_space<vmem>>, vector<1x16xf32>,
      %get3A_659 = vector.shape_cast %get3A_658 : vector<1x16xf32> to vector<16xf32>
      %mul3A_660 = arith.mulf %get3A_653, %get3A_659 : vector<16xf32>
      %add3A_661 = arith.constant 3 : i32
      %add3A_662 = arith.addi %mul3A_149, %add3A_661 : i32
      %swap3A_663 = arith.index_cast %add3A_662 : i32 to index
      %swap3A_664 = arith.constant 16 : index
      %swap3A_665 = tpu.vector_load %arg9[%swap3A_663, %swap3A_664] {strides = array<i32>} : memref<128x128xf32, #tpu.memory_space<vmem>>, vector<1x16xf32>,
      %swap3A_666 = vector.shape_cast %swap3A_665 : vector<1x16xf32> to vector<16xf32>
      %swap3A_667 = vector.shape_cast %mul3A_660 : vector<16xf32> to vector<1x16xf32>
      tpu.vector_store %arg9[%swap3A_663, %swap3A_664], %swap3A_667 {strides = array<i32>} : memref<128x128xf32, #tpu.memory_space<vmem>>, vector<1x16xf32>,
      %add3A_668 = arith.constant 3 : i32
      %add3A_669 = arith.addi %mul3A_149, %add3A_668 : i32
      %get3A_670 = arith.index_cast %add3A_669 : i32 to index
      %get3A_671 = arith.constant 32 : index
      %get3A_672 = tpu.vector_load %arg9[%get3A_670, %get3A_671] {strides = array<i32>} : memref<128x128xf32, #tpu.memory_space<vmem>>, vector<1x16xf32>,
      %get3A_673 = vector.shape_cast %get3A_672 : vector<1x16xf32> to vector<16xf32>
      %add3A_674 = arith.constant 3 : i32
      %add3A_675 = arith.addi %mul3A_149, %add3A_674 : i32
      %get3A_676 = arith.index_cast %add3A_675 : i32 to index
      %get3A_677 = arith.constant 32 : index
      %get3A_678 = tpu.vector_load %arg11[%get3A_676, %get3A_677] {strides = array<i32>} : memref<128x128xf32, #tpu.memory_space<vmem>>, vector<1x16xf32>,
      %get3A_679 = vector.shape_cast %get3A_678 : vector<1x16xf32> to vector<16xf32>
      %mul3A_680 = arith.mulf %get3A_673, %get3A_679 : vector<16xf32>
      %add3A_681 = arith.constant 3 : i32
      %add3A_682 = arith.addi %mul3A_149, %add3A_681 : i32
      %swap3A_683 = arith.index_cast %add3A_682 : i32 to index
      %swap3A_684 = arith.constant 32 : index
      %swap3A_685 = tpu.vector_load %arg9[%swap3A_683, %swap3A_684] {strides = array<i32>} : memref<128x128xf32, #tpu.memory_space<vmem>>, vector<1x16xf32>,
      %swap3A_686 = vector.shape_cast %swap3A_685 : vector<1x16xf32> to vector<16xf32>
      %swap3A_687 = vector.shape_cast %mul3A_680 : vector<16xf32> to vector<1x16xf32>
      tpu.vector_store %arg9[%swap3A_683, %swap3A_684], %swap3A_687 {strides = array<i32>} : memref<128x128xf32, #tpu.memory_space<vmem>>, vector<1x16xf32>,
      %add3A_688 = arith.constant 3 : i32
      %add3A_689 = arith.addi %mul3A_149, %add3A_688 : i32
      %get3A_690 = arith.index_cast %add3A_689 : i32 to index
      %get3A_691 = arith.constant 48 : index
      %get3A_692 = tpu.vector_load %arg9[%get3A_690, %get3A_691] {strides = array<i32>} : memref<128x128xf32, #tpu.memory_space<vmem>>, vector<1x16xf32>,
      %get3A_693 = vector.shape_cast %get3A_692 : vector<1x16xf32> to vector<16xf32>
      %add3A_694 = arith.constant 3 : i32
      %add3A_695 = arith.addi %mul3A_149, %add3A_694 : i32
      %get3A_696 = arith.index_cast %add3A_695 : i32 to index
      %get3A_697 = arith.constant 48 : index
      %get3A_698 = tpu.vector_load %arg11[%get3A_696, %get3A_697] {strides = array<i32>} : memref<128x128xf32, #tpu.memory_space<vmem>>, vector<1x16xf32>,
      %get3A_699 = vector.shape_cast %get3A_698 : vector<1x16xf32> to vector<16xf32>
      %mul3A_700 = arith.mulf %get3A_693, %get3A_699 : vector<16xf32>
      %add3A_701 = arith.constant 3 : i32
      %add3A_702 = arith.addi %mul3A_149, %add3A_701 : i32
      %swap3A_703 = arith.index_cast %add3A_702 : i32 to index
      %swap3A_704 = arith.constant 48 : index
      %swap3A_705 = tpu.vector_load %arg9[%swap3A_703, %swap3A_704] {strides = array<i32>} : memref<128x128xf32, #tpu.memory_space<vmem>>, vector<1x16xf32>,
      %swap3A_706 = vector.shape_cast %swap3A_705 : vector<1x16xf32> to vector<16xf32>
      %swap3A_707 = vector.shape_cast %mul3A_700 : vector<16xf32> to vector<1x16xf32>
      tpu.vector_store %arg9[%swap3A_703, %swap3A_704], %swap3A_707 {strides = array<i32>} : memref<128x128xf32, #tpu.memory_space<vmem>>, vector<1x16xf32>,
      %add3A_708 = arith.constant 3 : i32
      %add3A_709 = arith.addi %mul3A_149, %add3A_708 : i32
      %get3A_710 = arith.index_cast %add3A_709 : i32 to index
      %get3A_711 = arith.constant 64 : index
      %get3A_712 = tpu.vector_load %arg9[%get3A_710, %get3A_711] {strides = array<i32>} : memref<128x128xf32, #tpu.memory_space<vmem>>, vector<1x16xf32>,
      %get3A_713 = vector.shape_cast %get3A_712 : vector<1x16xf32> to vector<16xf32>
      %add3A_714 = arith.constant 3 : i32
      %add3A_715 = arith.addi %mul3A_149, %add3A_714 : i32
      %get3A_716 = arith.index_cast %add3A_715 : i32 to index
      %get3A_717 = arith.constant 64 : index
      %get3A_718 = tpu.vector_load %arg11[%get3A_716, %get3A_717] {strides = array<i32>} : memref<128x128xf32, #tpu.memory_space<vmem>>, vector<1x16xf32>,
      %get3A_719 = vector.shape_cast %get3A_718 : vector<1x16xf32> to vector<16xf32>
      %mul3A_720 = arith.mulf %get3A_713, %get3A_719 : vector<16xf32>
      %add3A_721 = arith.constant 3 : i32
      %add3A_722 = arith.addi %mul3A_149, %add3A_721 : i32
      %swap3A_723 = arith.index_cast %add3A_722 : i32 to index
      %swap3A_724 = arith.constant 64 : index
      %swap3A_725 = tpu.vector_load %arg9[%swap3A_723, %swap3A_724] {strides = array<i32>} : memref<128x128xf32, #tpu.memory_space<vmem>>, vector<1x16xf32>,
      %swap3A_726 = vector.shape_cast %swap3A_725 : vector<1x16xf32> to vector<16xf32>
      %swap3A_727 = vector.shape_cast %mul3A_720 : vector<16xf32> to vector<1x16xf32>
      tpu.vector_store %arg9[%swap3A_723, %swap3A_724], %swap3A_727 {strides = array<i32>} : memref<128x128xf32, #tpu.memory_space<vmem>>, vector<1x16xf32>,
      %add3A_728 = arith.constant 3 : i32
      %add3A_729 = arith.addi %mul3A_149, %add3A_728 : i32
      %get3A_730 = arith.index_cast %add3A_729 : i32 to index
      %get3A_731 = arith.constant 80 : index
      %get3A_732 = tpu.vector_load %arg9[%get3A_730, %get3A_731] {strides = array<i32>} : memref<128x128xf32, #tpu.memory_space<vmem>>, vector<1x16xf32>,
      %get3A_733 = vector.shape_cast %get3A_732 : vector<1x16xf32> to vector<16xf32>
      %add3A_734 = arith.constant 3 : i32
      %add3A_735 = arith.addi %mul3A_149, %add3A_734 : i32
      %get3A_736 = arith.index_cast %add3A_735 : i32 to index
      %get3A_737 = arith.constant 80 : index
      %get3A_738 = tpu.vector_load %arg11[%get3A_736, %get3A_737] {strides = array<i32>} : memref<128x128xf32, #tpu.memory_space<vmem>>, vector<1x16xf32>,
      %get3A_739 = vector.shape_cast %get3A_738 : vector<1x16xf32> to vector<16xf32>
      %mul3A_740 = arith.mulf %get3A_733, %get3A_739 : vector<16xf32>
      %add3A_741 = arith.constant 3 : i32
      %add3A_742 = arith.addi %mul3A_149, %add3A_741 : i32
      %swap3A_743 = arith.index_cast %add3A_742 : i32 to index
      %swap3A_744 = arith.constant 80 : index
      %swap3A_745 = tpu.vector_load %arg9[%swap3A_743, %swap3A_744] {strides = array<i32>} : memref<128x128xf32, #tpu.memory_space<vmem>>, vector<1x16xf32>,
      %swap3A_746 = vector.shape_cast %swap3A_745 : vector<1x16xf32> to vector<16xf32>
      %swap3A_747 = vector.shape_cast %mul3A_740 : vector<16xf32> to vector<1x16xf32>
      tpu.vector_store %arg9[%swap3A_743, %swap3A_744], %swap3A_747 {strides = array<i32>} : memref<128x128xf32, #tpu.memory_space<vmem>>, vector<1x16xf32>,
      %add3A_748 = arith.constant 3 : i32
      %add3A_749 = arith.addi %mul3A_149, %add3A_748 : i32
      %get3A_750 = arith.index_cast %add3A_749 : i32 to index
      %get3A_751 = arith.constant 96 : index
      %get3A_752 = tpu.vector_load %arg9[%get3A_750, %get3A_751] {strides = array<i32>} : memref<128x128xf32, #tpu.memory_space<vmem>>, vector<1x16xf32>,
      %get3A_753 = vector.shape_cast %get3A_752 : vector<1x16xf32> to vector<16xf32>
      %add3A_754 = arith.constant 3 : i32
      %add3A_755 = arith.addi %mul3A_149, %add3A_754 : i32
      %get3A_756 = arith.index_cast %add3A_755 : i32 to index
      %get3A_757 = arith.constant 96 : index
      %get3A_758 = tpu.vector_load %arg11[%get3A_756, %get3A_757] {strides = array<i32>} : memref<128x128xf32, #tpu.memory_space<vmem>>, vector<1x16xf32>,
      %get3A_759 = vector.shape_cast %get3A_758 : vector<1x16xf32> to vector<16xf32>
      %mul3A_760 = arith.mulf %get3A_753, %get3A_759 : vector<16xf32>
      %add3A_761 = arith.constant 3 : i32
      %add3A_762 = arith.addi %mul3A_149, %add3A_761 : i32
      %swap3A_763 = arith.index_cast %add3A_762 : i32 to index
      %swap3A_764 = arith.constant 96 : index
      %swap3A_765 = tpu.vector_load %arg9[%swap3A_763, %swap3A_764] {strides = array<i32>} : memref<128x128xf32, #tpu.memory_space<vmem>>, vector<1x16xf32>,
      %swap3A_766 = vector.shape_cast %swap3A_765 : vector<1x16xf32> to vector<16xf32>
      %swap3A_767 = vector.shape_cast %mul3A_760 : vector<16xf32> to vector<1x16xf32>
      tpu.vector_store %arg9[%swap3A_763, %swap3A_764], %swap3A_767 {strides = array<i32>} : memref<128x128xf32, #tpu.memory_space<vmem>>, vector<1x16xf32>,
      %add3A_768 = arith.constant 3 : i32
      %add3A_769 = arith.addi %mul3A_149, %add3A_768 : i32
      %get3A_770 = arith.index_cast %add3A_769 : i32 to index
      %get3A_771 = arith.constant 112 : index
      %get3A_772 = tpu.vector_load %arg9[%get3A_770, %get3A_771] {strides = array<i32>} : memref<128x128xf32, #tpu.memory_space<vmem>>, vector<1x16xf32>,
      %get3A_773 = vector.shape_cast %get3A_772 : vector<1x16xf32> to vector<16xf32>
      %add3A_774 = arith.constant 3 : i32
      %add3A_775 = arith.addi %mul3A_149, %add3A_774 : i32
      %get3A_776 = arith.index_cast %add3A_775 : i32 to index
      %get3A_777 = arith.constant 112 : index
      %get3A_778 = tpu.vector_load %arg11[%get3A_776, %get3A_777] {strides = array<i32>} : memref<128x128xf32, #tpu.memory_space<vmem>>, vector<1x16xf32>,
      %get3A_779 = vector.shape_cast %get3A_778 : vector<1x16xf32> to vector<16xf32>
      %mul3A_780 = arith.mulf %get3A_773, %get3A_779 : vector<16xf32>
      %add3A_781 = arith.constant 3 : i32
      %add3A_782 = arith.addi %mul3A_149, %add3A_781 : i32
      %swap3A_783 = arith.index_cast %add3A_782 : i32 to index
      %swap3A_784 = arith.constant 112 : index
      %swap3A_785 = tpu.vector_load %arg9[%swap3A_783, %swap3A_784] {strides = array<i32>} : memref<128x128xf32, #tpu.memory_space<vmem>>, vector<1x16xf32>,
      %swap3A_786 = vector.shape_cast %swap3A_785 : vector<1x16xf32> to vector<16xf32>
      %swap3A_787 = vector.shape_cast %mul3A_780 : vector<16xf32> to vector<1x16xf32>
      tpu.vector_store %arg9[%swap3A_783, %swap3A_784], %swap3A_787 {strides = array<i32>} : memref<128x128xf32, #tpu.memory_space<vmem>>, vector<1x16xf32>,
    }
    %scan3A_96 = arith.constant 32 : i32
    %dma_start3A_97 = arith.constant 0 : i32
    %dma_start3A_98 = arith.constant 0 : i32
    %dma_start3A_99 = tpu.memref_slice %arg8[%dma_start3A_97, %dma_start3A_98] : memref<2x128xi32, #tpu.memory_space<vmem>> -> memref<1x128xi32, #tpu.memory_space<vmem>>
    %dma_start3A_100 = tpu.memref_squeeze %dma_start3A_99 : memref<1x128xi32, #tpu.memory_space<vmem>> -> memref<128xi32, #tpu.memory_space<vmem>>
    %dma_start3A_101 = arith.constant 0 : i32
    %dma_start3A_102 = arith.constant 0 : i32
    %dma_start3A_103 = tpu.memref_slice %arg13[%dma_start3A_101, %dma_start3A_102] : memref<2048x128xf32, #tpu.memory_space<vmem_shared>> -> memref<2048x128xf32, #tpu.memory_space<vmem_shared>>
    tpu.enqueue_indirect_dma source(%arg9 : memref<128x128xf32, #tpu.memory_space<vmem>>) target(%dma_start3A_103 : memref<2048x128xf32, #tpu.memory_space<vmem_shared>>) offsets(%dma_start3A_100 : memref<128xi32, #tpu.memory_space<vmem>>) semaphore(%arg19 : memref<!tpu.dma_semaphore, #tpu.memory_space<semaphore_mem>>) {add = true}
    %dma_wait3A_104 = arith.constant 1 : i32
    %dma_wait3A_105 = arith.constant 0 : i32
    %dma_wait3A_106 = tpu.memref_slice %arg7[%dma_wait3A_104, %dma_wait3A_105] : memref<2x128xi32, #tpu.memory_space<vmem>> -> memref<1x128xi32, #tpu.memory_space<vmem>>
    %dma_wait3A_107 = tpu.memref_squeeze %dma_wait3A_106 : memref<1x128xi32, #tpu.memory_space<vmem>> -> memref<128xi32, #tpu.memory_space<vmem>>
    %dma_wait3A_108 = arith.constant 0 : i32
    %dma_wait3A_109 = arith.constant 0 : i32
    %dma_wait3A_110 = tpu.memref_slice %arg2[%dma_wait3A_108, %dma_wait3A_109] : memref<512x128xf32, #tpu.memory_space<hbm>> -> memref<512x128xf32, #tpu.memory_space<hbm>>
    tpu.wait_indirect_dma semaphore(%arg16 : memref<!tpu.dma_semaphore, #tpu.memory_space<semaphore_mem>>) src(%dma_wait3A_110 : memref<512x128xf32, #tpu.memory_space<hbm>>) dst(%arg10 : memref<128x128xf32, #tpu.memory_space<vmem>>)
    %dma_wait3A_111 = arith.constant 0 : i32
    %dma_wait3A_112 = tpu.memref_slice %arg3[%add3A_7, %dma_wait3A_111] : memref<8192x128xf32, #tpu.memory_space<hbm>> -> memref<128x128xf32, #tpu.memory_space<hbm>>
    %dma_wait3A_113 = arith.constant 0 : i32
    %dma_wait3A_114 = tpu.memref_slice %arg3[%add3A_7, %dma_wait3A_113] : memref<8192x128xf32, #tpu.memory_space<hbm>> -> memref<128x128xf32, #tpu.memory_space<hbm>>
    tpu.wait_dma2 semaphore(%arg18 : memref<!tpu.dma_semaphore, #tpu.memory_space<semaphore_mem>>) src(%dma_wait3A_114 : memref<128x128xf32, #tpu.memory_space<hbm>>) dst(%arg12 : memref<128x128xf32, #tpu.memory_space<vmem>>)
    %scan3A_115 = arith.constant 0 : i32
    %scan3A_116 = arith.constant 0 : i32
    %scan3A_117 = arith.constant 32 : i32
    %scan3A_118 = arith.addi %scan3A_116, %scan3A_117 : i32
    %scan3A_119 = arith.constant 1 : i32
    scf.for %scan3A_147 = %scan3A_116 to %scan3A_118 step %scan3A_119  : i32 {
      %mul3A_148 = arith.constant 4 : i32
      %mul3A_149 = arith.muli %scan3A_147, %mul3A_148 : i32
      %add3A_150 = arith.constant 0 : i32
      %add3A_151 = arith.addi %mul3A_149, %add3A_150 : i32
      %get3A = arith.index_cast %add3A_151 : i32 to index
      %get3A_152 = arith.constant 0 : index
      %get3A_153 = tpu.vector_load %arg10[%get3A, %get3A_152] {strides = array<i32>} : memref<128x128xf32, #tpu.memory_space<vmem>>, vector<1x16xf32>,
      %get3A_154 = vector.shape_cast %get3A_153 : vector<1x16xf32> to vector<16xf32>
      %add3A_155 = arith.constant 0 : i32
      %add3A_156 = arith.addi %mul3A_149, %add3A_155 : i32
      %get3A_157 = arith.index_cast %add3A_156 : i32 to index
      %get3A_158 = arith.constant 0 : index
      %get3A_159 = tpu.vector_load %arg12[%get3A_157, %get3A_158] {strides = array<i32>} : memref<128x128xf32, #tpu.memory_space<vmem>>, vector<1x16xf32>,
      %get3A_160 = vector.shape_cast %get3A_159 : vector<1x16xf32> to vector<16xf32>
      %mul3A_161 = arith.mulf %get3A_154, %get3A_160 : vector<16xf32>
      %add3A_162 = arith.constant 0 : i32
      %add3A_163 = arith.addi %mul3A_149, %add3A_162 : i32
      %swap3A = arith.index_cast %add3A_163 : i32 to index
      %swap3A_164 = arith.constant 0 : index
      %swap3A_165 = tpu.vector_load %arg10[%swap3A, %swap3A_164] {strides = array<i32>} : memref<128x128xf32, #tpu.memory_space<vmem>>, vector<1x16xf32>,
      %swap3A_166 = vector.shape_cast %swap3A_165 : vector<1x16xf32> to vector<16xf32>
      %swap3A_167 = vector.shape_cast %mul3A_161 : vector<16xf32> to vector<1x16xf32>
      tpu.vector_store %arg10[%swap3A, %swap3A_164], %swap3A_167 {strides = array<i32>} : memref<128x128xf32, #tpu.memory_space<vmem>>, vector<1x16xf32>,
      %add3A_168 = arith.constant 0 : i32
      %add3A_169 = arith.addi %mul3A_149, %add3A_168 : i32
      %get3A_170 = arith.index_cast %add3A_169 : i32 to index
      %get3A_171 = arith.constant 16 : index
      %get3A_172 = tpu.vector_load %arg10[%get3A_170, %get3A_171] {strides = array<i32>} : memref<128x128xf32, #tpu.memory_space<vmem>>, vector<1x16xf32>,
      %get3A_173 = vector.shape_cast %get3A_172 : vector<1x16xf32> to vector<16xf32>
      %add3A_174 = arith.constant 0 : i32
      %add3A_175 = arith.addi %mul3A_149, %add3A_174 : i32
      %get3A_176 = arith.index_cast %add3A_175 : i32 to index
      %get3A_177 = arith.constant 16 : index
      %get3A_178 = tpu.vector_load %arg12[%get3A_176, %get3A_177] {strides = array<i32>} : memref<128x128xf32, #tpu.memory_space<vmem>>, vector<1x16xf32>,
      %get3A_179 = vector.shape_cast %get3A_178 : vector<1x16xf32> to vector<16xf32>
      %mul3A_180 = arith.mulf %get3A_173, %get3A_179 : vector<16xf32>
      %add3A_181 = arith.constant 0 : i32
      %add3A_182 = arith.addi %mul3A_149, %add3A_181 : i32
      %swap3A_183 = arith.index_cast %add3A_182 : i32 to index
      %swap3A_184 = arith.constant 16 : index
      %swap3A_185 = tpu.vector_load %arg10[%swap3A_183, %swap3A_184] {strides = array<i32>} : memref<128x128xf32, #tpu.memory_space<vmem>>, vector<1x16xf32>,
      %swap3A_186 = vector.shape_cast %swap3A_185 : vector<1x16xf32> to vector<16xf32>
      %swap3A_187 = vector.shape_cast %mul3A_180 : vector<16xf32> to vector<1x16xf32>
      tpu.vector_store %arg10[%swap3A_183, %swap3A_184], %swap3A_187 {strides = array<i32>} : memref<128x128xf32, #tpu.memory_space<vmem>>, vector<1x16xf32>,
      %add3A_188 = arith.constant 0 : i32
      %add3A_189 = arith.addi %mul3A_149, %add3A_188 : i32
      %get3A_190 = arith.index_cast %add3A_189 : i32 to index
      %get3A_191 = arith.constant 32 : index
      %get3A_192 = tpu.vector_load %arg10[%get3A_190, %get3A_191] {strides = array<i32>} : memref<128x128xf32, #tpu.memory_space<vmem>>, vector<1x16xf32>,
      %get3A_193 = vector.shape_cast %get3A_192 : vector<1x16xf32> to vector<16xf32>
      %add3A_194 = arith.constant 0 : i32
      %add3A_195 = arith.addi %mul3A_149, %add3A_194 : i32
      %get3A_196 = arith.index_cast %add3A_195 : i32 to index
      %get3A_197 = arith.constant 32 : index
      %get3A_198 = tpu.vector_load %arg12[%get3A_196, %get3A_197] {strides = array<i32>} : memref<128x128xf32, #tpu.memory_space<vmem>>, vector<1x16xf32>,
      %get3A_199 = vector.shape_cast %get3A_198 : vector<1x16xf32> to vector<16xf32>
      %mul3A_200 = arith.mulf %get3A_193, %get3A_199 : vector<16xf32>
      %add3A_201 = arith.constant 0 : i32
      %add3A_202 = arith.addi %mul3A_149, %add3A_201 : i32
      %swap3A_203 = arith.index_cast %add3A_202 : i32 to index
      %swap3A_204 = arith.constant 32 : index
      %swap3A_205 = tpu.vector_load %arg10[%swap3A_203, %swap3A_204] {strides = array<i32>} : memref<128x128xf32, #tpu.memory_space<vmem>>, vector<1x16xf32>,
      %swap3A_206 = vector.shape_cast %swap3A_205 : vector<1x16xf32> to vector<16xf32>
      %swap3A_207 = vector.shape_cast %mul3A_200 : vector<16xf32> to vector<1x16xf32>
      tpu.vector_store %arg10[%swap3A_203, %swap3A_204], %swap3A_207 {strides = array<i32>} : memref<128x128xf32, #tpu.memory_space<vmem>>, vector<1x16xf32>,
      %add3A_208 = arith.constant 0 : i32
      %add3A_209 = arith.addi %mul3A_149, %add3A_208 : i32
      %get3A_210 = arith.index_cast %add3A_209 : i32 to index
      %get3A_211 = arith.constant 48 : index
      %get3A_212 = tpu.vector_load %arg10[%get3A_210, %get3A_211] {strides = array<i32>} : memref<128x128xf32, #tpu.memory_space<vmem>>, vector<1x16xf32>,
      %get3A_213 = vector.shape_cast %get3A_212 : vector<1x16xf32> to vector<16xf32>
      %add3A_214 = arith.constant 0 : i32
      %add3A_215 = arith.addi %mul3A_149, %add3A_214 : i32
      %get3A_216 = arith.index_cast %add3A_215 : i32 to index
      %get3A_217 = arith.constant 48 : index
      %get3A_218 = tpu.vector_load %arg12[%get3A_216, %get3A_217] {strides = array<i32>} : memref<128x128xf32, #tpu.memory_space<vmem>>, vector<1x16xf32>,
      %get3A_219 = vector.shape_cast %get3A_218 : vector<1x16xf32> to vector<16xf32>
      %mul3A_220 = arith.mulf %get3A_213, %get3A_219 : vector<16xf32>
      %add3A_221 = arith.constant 0 : i32
      %add3A_222 = arith.addi %mul3A_149, %add3A_221 : i32
      %swap3A_223 = arith.index_cast %add3A_222 : i32 to index
      %swap3A_224 = arith.constant 48 : index
      %swap3A_225 = tpu.vector_load %arg10[%swap3A_223, %swap3A_224] {strides = array<i32>} : memref<128x128xf32, #tpu.memory_space<vmem>>, vector<1x16xf32>,
      %swap3A_226 = vector.shape_cast %swap3A_225 : vector<1x16xf32> to vector<16xf32>
      %swap3A_227 = vector.shape_cast %mul3A_220 : vector<16xf32> to vector<1x16xf32>
      tpu.vector_store %arg10[%swap3A_223, %swap3A_224], %swap3A_227 {strides = array<i32>} : memref<128x128xf32, #tpu.memory_space<vmem>>, vector<1x16xf32>,
      %add3A_228 = arith.constant 0 : i32
      %add3A_229 = arith.addi %mul3A_149, %add3A_228 : i32
      %get3A_230 = arith.index_cast %add3A_229 : i32 to index
      %get3A_231 = arith.constant 64 : index
      %get3A_232 = tpu.vector_load %arg10[%get3A_230, %get3A_231] {strides = array<i32>} : memref<128x128xf32, #tpu.memory_space<vmem>>, vector<1x16xf32>,
      %get3A_233 = vector.shape_cast %get3A_232 : vector<1x16xf32> to vector<16xf32>
      %add3A_234 = arith.constant 0 : i32
      %add3A_235 = arith.addi %mul3A_149, %add3A_234 : i32
      %get3A_236 = arith.index_cast %add3A_235 : i32 to index
      %get3A_237 = arith.constant 64 : index
      %get3A_238 = tpu.vector_load %arg12[%get3A_236, %get3A_237] {strides = array<i32>} : memref<128x128xf32, #tpu.memory_space<vmem>>, vector<1x16xf32>,
      %get3A_239 = vector.shape_cast %get3A_238 : vector<1x16xf32> to vector<16xf32>
      %mul3A_240 = arith.mulf %get3A_233, %get3A_239 : vector<16xf32>
      %add3A_241 = arith.constant 0 : i32
      %add3A_242 = arith.addi %mul3A_149, %add3A_241 : i32
      %swap3A_243 = arith.index_cast %add3A_242 : i32 to index
      %swap3A_244 = arith.constant 64 : index
      %swap3A_245 = tpu.vector_load %arg10[%swap3A_243, %swap3A_244] {strides = array<i32>} : memref<128x128xf32, #tpu.memory_space<vmem>>, vector<1x16xf32>,
      %swap3A_246 = vector.shape_cast %swap3A_245 : vector<1x16xf32> to vector<16xf32>
      %swap3A_247 = vector.shape_cast %mul3A_240 : vector<16xf32> to vector<1x16xf32>
      tpu.vector_store %arg10[%swap3A_243, %swap3A_244], %swap3A_247 {strides = array<i32>} : memref<128x128xf32, #tpu.memory_space<vmem>>, vector<1x16xf32>,
      %add3A_248 = arith.constant 0 : i32
      %add3A_249 = arith.addi %mul3A_149, %add3A_248 : i32
      %get3A_250 = arith.index_cast %add3A_249 : i32 to index
      %get3A_251 = arith.constant 80 : index
      %get3A_252 = tpu.vector_load %arg10[%get3A_250, %get3A_251] {strides = array<i32>} : memref<128x128xf32, #tpu.memory_space<vmem>>, vector<1x16xf32>,
      %get3A_253 = vector.shape_cast %get3A_252 : vector<1x16xf32> to vector<16xf32>
      %add3A_254 = arith.constant 0 : i32
      %add3A_255 = arith.addi %mul3A_149, %add3A_254 : i32
      %get3A_256 = arith.index_cast %add3A_255 : i32 to index
      %get3A_257 = arith.constant 80 : index
      %get3A_258 = tpu.vector_load %arg12[%get3A_256, %get3A_257] {strides = array<i32>} : memref<128x128xf32, #tpu.memory_space<vmem>>, vector<1x16xf32>,
      %get3A_259 = vector.shape_cast %get3A_258 : vector<1x16xf32> to vector<16xf32>
      %mul3A_260 = arith.mulf %get3A_253, %get3A_259 : vector<16xf32>
      %add3A_261 = arith.constant 0 : i32
      %add3A_262 = arith.addi %mul3A_149, %add3A_261 : i32
      %swap3A_263 = arith.index_cast %add3A_262 : i32 to index
      %swap3A_264 = arith.constant 80 : index
      %swap3A_265 = tpu.vector_load %arg10[%swap3A_263, %swap3A_264] {strides = array<i32>} : memref<128x128xf32, #tpu.memory_space<vmem>>, vector<1x16xf32>,
      %swap3A_266 = vector.shape_cast %swap3A_265 : vector<1x16xf32> to vector<16xf32>
      %swap3A_267 = vector.shape_cast %mul3A_260 : vector<16xf32> to vector<1x16xf32>
      tpu.vector_store %arg10[%swap3A_263, %swap3A_264], %swap3A_267 {strides = array<i32>} : memref<128x128xf32, #tpu.memory_space<vmem>>, vector<1x16xf32>,
      %add3A_268 = arith.constant 0 : i32
      %add3A_269 = arith.addi %mul3A_149, %add3A_268 : i32
      %get3A_270 = arith.index_cast %add3A_269 : i32 to index
      %get3A_271 = arith.constant 96 : index
      %get3A_272 = tpu.vector_load %arg10[%get3A_270, %get3A_271] {strides = array<i32>} : memref<128x128xf32, #tpu.memory_space<vmem>>, vector<1x16xf32>,
      %get3A_273 = vector.shape_cast %get3A_272 : vector<1x16xf32> to vector<16xf32>
      %add3A_274 = arith.constant 0 : i32
      %add3A_275 = arith.addi %mul3A_149, %add3A_274 : i32
      %get3A_276 = arith.index_cast %add3A_275 : i32 to index
      %get3A_277 = arith.constant 96 : index
      %get3A_278 = tpu.vector_load %arg12[%get3A_276, %get3A_277] {strides = array<i32>} : memref<128x128xf32, #tpu.memory_space<vmem>>, vector<1x16xf32>,
      %get3A_279 = vector.shape_cast %get3A_278 : vector<1x16xf32> to vector<16xf32>
      %mul3A_280 = arith.mulf %get3A_273, %get3A_279 : vector<16xf32>
      %add3A_281 = arith.constant 0 : i32
      %add3A_282 = arith.addi %mul3A_149, %add3A_281 : i32
      %swap3A_283 = arith.index_cast %add3A_282 : i32 to index
      %swap3A_284 = arith.constant 96 : index
      %swap3A_285 = tpu.vector_load %arg10[%swap3A_283, %swap3A_284] {strides = array<i32>} : memref<128x128xf32, #tpu.memory_space<vmem>>, vector<1x16xf32>,
      %swap3A_286 = vector.shape_cast %swap3A_285 : vector<1x16xf32> to vector<16xf32>
      %swap3A_287 = vector.shape_cast %mul3A_280 : vector<16xf32> to vector<1x16xf32>
      tpu.vector_store %arg10[%swap3A_283, %swap3A_284], %swap3A_287 {strides = array<i32>} : memref<128x128xf32, #tpu.memory_space<vmem>>, vector<1x16xf32>,
      %add3A_288 = arith.constant 0 : i32
      %add3A_289 = arith.addi %mul3A_149, %add3A_288 : i32
      %get3A_290 = arith.index_cast %add3A_289 : i32 to index
      %get3A_291 = arith.constant 112 : index
      %get3A_292 = tpu.vector_load %arg10[%get3A_290, %get3A_291] {strides = array<i32>} : memref<128x128xf32, #tpu.memory_space<vmem>>, vector<1x16xf32>,
      %get3A_293 = vector.shape_cast %get3A_292 : vector<1x16xf32> to vector<16xf32>
      %add3A_294 = arith.constant 0 : i32
      %add3A_295 = arith.addi %mul3A_149, %add3A_294 : i32
      %get3A_296 = arith.index_cast %add3A_295 : i32 to index
      %get3A_297 = arith.constant 112 : index
      %get3A_298 = tpu.vector_load %arg12[%get3A_296, %get3A_297] {strides = array<i32>} : memref<128x128xf32, #tpu.memory_space<vmem>>, vector<1x16xf32>,
      %get3A_299 = vector.shape_cast %get3A_298 : vector<1x16xf32> to vector<16xf32>
      %mul3A_300 = arith.mulf %get3A_293, %get3A_299 : vector<16xf32>
      %add3A_301 = arith.constant 0 : i32
      %add3A_302 = arith.addi %mul3A_149, %add3A_301 : i32
      %swap3A_303 = arith.index_cast %add3A_302 : i32 to index
      %swap3A_304 = arith.constant 112 : index
      %swap3A_305 = tpu.vector_load %arg10[%swap3A_303, %swap3A_304] {strides = array<i32>} : memref<128x128xf32, #tpu.memory_space<vmem>>, vector<1x16xf32>,
      %swap3A_306 = vector.shape_cast %swap3A_305 : vector<1x16xf32> to vector<16xf32>
      %swap3A_307 = vector.shape_cast %mul3A_300 : vector<16xf32> to vector<1x16xf32>
      tpu.vector_store %arg10[%swap3A_303, %swap3A_304], %swap3A_307 {strides = array<i32>} : memref<128x128xf32, #tpu.memory_space<vmem>>, vector<1x16xf32>,
      %add3A_308 = arith.constant 1 : i32
      %add3A_309 = arith.addi %mul3A_149, %add3A_308 : i32
      %get3A_310 = arith.index_cast %add3A_309 : i32 to index
      %get3A_311 = arith.constant 0 : index
      %get3A_312 = tpu.vector_load %arg10[%get3A_310, %get3A_311] {strides = array<i32>} : memref<128x128xf32, #tpu.memory_space<vmem>>, vector<1x16xf32>,
      %get3A_313 = vector.shape_cast %get3A_312 : vector<1x16xf32> to vector<16xf32>
      %add3A_314 = arith.constant 1 : i32
      %add3A_315 = arith.addi %mul3A_149, %add3A_314 : i32
      %get3A_316 = arith.index_cast %add3A_315 : i32 to index
      %get3A_317 = arith.constant 0 : index
      %get3A_318 = tpu.vector_load %arg12[%get3A_316, %get3A_317] {strides = array<i32>} : memref<128x128xf32, #tpu.memory_space<vmem>>, vector<1x16xf32>,
      %get3A_319 = vector.shape_cast %get3A_318 : vector<1x16xf32> to vector<16xf32>
      %mul3A_320 = arith.mulf %get3A_313, %get3A_319 : vector<16xf32>
      %add3A_321 = arith.constant 1 : i32
      %add3A_322 = arith.addi %mul3A_149, %add3A_321 : i32
      %swap3A_323 = arith.index_cast %add3A_322 : i32 to index
      %swap3A_324 = arith.constant 0 : index
      %swap3A_325 = tpu.vector_load %arg10[%swap3A_323, %swap3A_324] {strides = array<i32>} : memref<128x128xf32, #tpu.memory_space<vmem>>, vector<1x16xf32>,
      %swap3A_326 = vector.shape_cast %swap3A_325 : vector<1x16xf32> to vector<16xf32>
      %swap3A_327 = vector.shape_cast %mul3A_320 : vector<16xf32> to vector<1x16xf32>
      tpu.vector_store %arg10[%swap3A_323, %swap3A_324], %swap3A_327 {strides = array<i32>} : memref<128x128xf32, #tpu.memory_space<vmem>>, vector<1x16xf32>,
      %add3A_328 = arith.constant 1 : i32
      %add3A_329 = arith.addi %mul3A_149, %add3A_328 : i32
      %get3A_330 = arith.index_cast %add3A_329 : i32 to index
      %get3A_331 = arith.constant 16 : index
      %get3A_332 = tpu.vector_load %arg10[%get3A_330, %get3A_331] {strides = array<i32>} : memref<128x128xf32, #tpu.memory_space<vmem>>, vector<1x16xf32>,
      %get3A_333 = vector.shape_cast %get3A_332 : vector<1x16xf32> to vector<16xf32>
      %add3A_334 = arith.constant 1 : i32
      %add3A_335 = arith.addi %mul3A_149, %add3A_334 : i32
      %get3A_336 = arith.index_cast %add3A_335 : i32 to index
      %get3A_337 = arith.constant 16 : index
      %get3A_338 = tpu.vector_load %arg12[%get3A_336, %get3A_337] {strides = array<i32>} : memref<128x128xf32, #tpu.memory_space<vmem>>, vector<1x16xf32>,
      %get3A_339 = vector.shape_cast %get3A_338 : vector<1x16xf32> to vector<16xf32>
      %mul3A_340 = arith.mulf %get3A_333, %get3A_339 : vector<16xf32>
      %add3A_341 = arith.constant 1 : i32
      %add3A_342 = arith.addi %mul3A_149, %add3A_341 : i32
      %swap3A_343 = arith.index_cast %add3A_342 : i32 to index
      %swap3A_344 = arith.constant 16 : index
      %swap3A_345 = tpu.vector_load %arg10[%swap3A_343, %swap3A_344] {strides = array<i32>} : memref<128x128xf32, #tpu.memory_space<vmem>>, vector<1x16xf32>,
      %swap3A_346 = vector.shape_cast %swap3A_345 : vector<1x16xf32> to vector<16xf32>
      %swap3A_347 = vector.shape_cast %mul3A_340 : vector<16xf32> to vector<1x16xf32>
      tpu.vector_store %arg10[%swap3A_343, %swap3A_344], %swap3A_347 {strides = array<i32>} : memref<128x128xf32, #tpu.memory_space<vmem>>, vector<1x16xf32>,
      %add3A_348 = arith.constant 1 : i32
      %add3A_349 = arith.addi %mul3A_149, %add3A_348 : i32
      %get3A_350 = arith.index_cast %add3A_349 : i32 to index
      %get3A_351 = arith.constant 32 : index
      %get3A_352 = tpu.vector_load %arg10[%get3A_350, %get3A_351] {strides = array<i32>} : memref<128x128xf32, #tpu.memory_space<vmem>>, vector<1x16xf32>,
      %get3A_353 = vector.shape_cast %get3A_352 : vector<1x16xf32> to vector<16xf32>
      %add3A_354 = arith.constant 1 : i32
      %add3A_355 = arith.addi %mul3A_149, %add3A_354 : i32
      %get3A_356 = arith.index_cast %add3A_355 : i32 to index
      %get3A_357 = arith.constant 32 : index
      %get3A_358 = tpu.vector_load %arg12[%get3A_356, %get3A_357] {strides = array<i32>} : memref<128x128xf32, #tpu.memory_space<vmem>>, vector<1x16xf32>,
      %get3A_359 = vector.shape_cast %get3A_358 : vector<1x16xf32> to vector<16xf32>
      %mul3A_360 = arith.mulf %get3A_353, %get3A_359 : vector<16xf32>
      %add3A_361 = arith.constant 1 : i32
      %add3A_362 = arith.addi %mul3A_149, %add3A_361 : i32
      %swap3A_363 = arith.index_cast %add3A_362 : i32 to index
      %swap3A_364 = arith.constant 32 : index
      %swap3A_365 = tpu.vector_load %arg10[%swap3A_363, %swap3A_364] {strides = array<i32>} : memref<128x128xf32, #tpu.memory_space<vmem>>, vector<1x16xf32>,
      %swap3A_366 = vector.shape_cast %swap3A_365 : vector<1x16xf32> to vector<16xf32>
      %swap3A_367 = vector.shape_cast %mul3A_360 : vector<16xf32> to vector<1x16xf32>
      tpu.vector_store %arg10[%swap3A_363, %swap3A_364], %swap3A_367 {strides = array<i32>} : memref<128x128xf32, #tpu.memory_space<vmem>>, vector<1x16xf32>,
      %add3A_368 = arith.constant 1 : i32
      %add3A_369 = arith.addi %mul3A_149, %add3A_368 : i32
      %get3A_370 = arith.index_cast %add3A_369 : i32 to index
      %get3A_371 = arith.constant 48 : index
      %get3A_372 = tpu.vector_load %arg10[%get3A_370, %get3A_371] {strides = array<i32>} : memref<128x128xf32, #tpu.memory_space<vmem>>, vector<1x16xf32>,
      %get3A_373 = vector.shape_cast %get3A_372 : vector<1x16xf32> to vector<16xf32>
      %add3A_374 = arith.constant 1 : i32
      %add3A_375 = arith.addi %mul3A_149, %add3A_374 : i32
      %get3A_376 = arith.index_cast %add3A_375 : i32 to index
      %get3A_377 = arith.constant 48 : index
      %get3A_378 = tpu.vector_load %arg12[%get3A_376, %get3A_377] {strides = array<i32>} : memref<128x128xf32, #tpu.memory_space<vmem>>, vector<1x16xf32>,
      %get3A_379 = vector.shape_cast %get3A_378 : vector<1x16xf32> to vector<16xf32>
      %mul3A_380 = arith.mulf %get3A_373, %get3A_379 : vector<16xf32>
      %add3A_381 = arith.constant 1 : i32
      %add3A_382 = arith.addi %mul3A_149, %add3A_381 : i32
      %swap3A_383 = arith.index_cast %add3A_382 : i32 to index
      %swap3A_384 = arith.constant 48 : index
      %swap3A_385 = tpu.vector_load %arg10[%swap3A_383, %swap3A_384] {strides = array<i32>} : memref<128x128xf32, #tpu.memory_space<vmem>>, vector<1x16xf32>,
      %swap3A_386 = vector.shape_cast %swap3A_385 : vector<1x16xf32> to vector<16xf32>
      %swap3A_387 = vector.shape_cast %mul3A_380 : vector<16xf32> to vector<1x16xf32>
      tpu.vector_store %arg10[%swap3A_383, %swap3A_384], %swap3A_387 {strides = array<i32>} : memref<128x128xf32, #tpu.memory_space<vmem>>, vector<1x16xf32>,
      %add3A_388 = arith.constant 1 : i32
      %add3A_389 = arith.addi %mul3A_149, %add3A_388 : i32
      %get3A_390 = arith.index_cast %add3A_389 : i32 to index
      %get3A_391 = arith.constant 64 : index
      %get3A_392 = tpu.vector_load %arg10[%get3A_390, %get3A_391] {strides = array<i32>} : memref<128x128xf32, #tpu.memory_space<vmem>>, vector<1x16xf32>,
      %get3A_393 = vector.shape_cast %get3A_392 : vector<1x16xf32> to vector<16xf32>
      %add3A_394 = arith.constant 1 : i32
      %add3A_395 = arith.addi %mul3A_149, %add3A_394 : i32
      %get3A_396 = arith.index_cast %add3A_395 : i32 to index
      %get3A_397 = arith.constant 64 : index
      %get3A_398 = tpu.vector_load %arg12[%get3A_396, %get3A_397] {strides = array<i32>} : memref<128x128xf32, #tpu.memory_space<vmem>>, vector<1x16xf32>,
      %get3A_399 = vector.shape_cast %get3A_398 : vector<1x16xf32> to vector<16xf32>
      %mul3A_400 = arith.mulf %get3A_393, %get3A_399 : vector<16xf32>
      %add3A_401 = arith.constant 1 : i32
      %add3A_402 = arith.addi %mul3A_149, %add3A_401 : i32
      %swap3A_403 = arith.index_cast %add3A_402 : i32 to index
      %swap3A_404 = arith.constant 64 : index
      %swap3A_405 = tpu.vector_load %arg10[%swap3A_403, %swap3A_404] {strides = array<i32>} : memref<128x128xf32, #tpu.memory_space<vmem>>, vector<1x16xf32>,
      %swap3A_406 = vector.shape_cast %swap3A_405 : vector<1x16xf32> to vector<16xf32>
      %swap3A_407 = vector.shape_cast %mul3A_400 : vector<16xf32> to vector<1x16xf32>
      tpu.vector_store %arg10[%swap3A_403, %swap3A_404], %swap3A_407 {strides = array<i32>} : memref<128x128xf32, #tpu.memory_space<vmem>>, vector<1x16xf32>,
      %add3A_408 = arith.constant 1 : i32
      %add3A_409 = arith.addi %mul3A_149, %add3A_408 : i32
      %get3A_410 = arith.index_cast %add3A_409 : i32 to index
      %get3A_411 = arith.constant 80 : index
      %get3A_412 = tpu.vector_load %arg10[%get3A_410, %get3A_411] {strides = array<i32>} : memref<128x128xf32, #tpu.memory_space<vmem>>, vector<1x16xf32>,
      %get3A_413 = vector.shape_cast %get3A_412 : vector<1x16xf32> to vector<16xf32>
      %add3A_414 = arith.constant 1 : i32
      %add3A_415 = arith.addi %mul3A_149, %add3A_414 : i32
      %get3A_416 = arith.index_cast %add3A_415 : i32 to index
      %get3A_417 = arith.constant 80 : index
      %get3A_418 = tpu.vector_load %arg12[%get3A_416, %get3A_417] {strides = array<i32>} : memref<128x128xf32, #tpu.memory_space<vmem>>, vector<1x16xf32>,
      %get3A_419 = vector.shape_cast %get3A_418 : vector<1x16xf32> to vector<16xf32>
      %mul3A_420 = arith.mulf %get3A_413, %get3A_419 : vector<16xf32>
      %add3A_421 = arith.constant 1 : i32
      %add3A_422 = arith.addi %mul3A_149, %add3A_421 : i32
      %swap3A_423 = arith.index_cast %add3A_422 : i32 to index
      %swap3A_424 = arith.constant 80 : index
      %swap3A_425 = tpu.vector_load %arg10[%swap3A_423, %swap3A_424] {strides = array<i32>} : memref<128x128xf32, #tpu.memory_space<vmem>>, vector<1x16xf32>,
      %swap3A_426 = vector.shape_cast %swap3A_425 : vector<1x16xf32> to vector<16xf32>
      %swap3A_427 = vector.shape_cast %mul3A_420 : vector<16xf32> to vector<1x16xf32>
      tpu.vector_store %arg10[%swap3A_423, %swap3A_424], %swap3A_427 {strides = array<i32>} : memref<128x128xf32, #tpu.memory_space<vmem>>, vector<1x16xf32>,
      %add3A_428 = arith.constant 1 : i32
      %add3A_429 = arith.addi %mul3A_149, %add3A_428 : i32
      %get3A_430 = arith.index_cast %add3A_429 : i32 to index
      %get3A_431 = arith.constant 96 : index
      %get3A_432 = tpu.vector_load %arg10[%get3A_430, %get3A_431] {strides = array<i32>} : memref<128x128xf32, #tpu.memory_space<vmem>>, vector<1x16xf32>,
      %get3A_433 = vector.shape_cast %get3A_432 : vector<1x16xf32> to vector<16xf32>
      %add3A_434 = arith.constant 1 : i32
      %add3A_435 = arith.addi %mul3A_149, %add3A_434 : i32
      %get3A_436 = arith.index_cast %add3A_435 : i32 to index
      %get3A_437 = arith.constant 96 : index
      %get3A_438 = tpu.vector_load %arg12[%get3A_436, %get3A_437] {strides = array<i32>} : memref<128x128xf32, #tpu.memory_space<vmem>>, vector<1x16xf32>,
      %get3A_439 = vector.shape_cast %get3A_438 : vector<1x16xf32> to vector<16xf32>
      %mul3A_440 = arith.mulf %get3A_433, %get3A_439 : vector<16xf32>
      %add3A_441 = arith.constant 1 : i32
      %add3A_442 = arith.addi %mul3A_149, %add3A_441 : i32
      %swap3A_443 = arith.index_cast %add3A_442 : i32 to index
      %swap3A_444 = arith.constant 96 : index
      %swap3A_445 = tpu.vector_load %arg10[%swap3A_443, %swap3A_444] {strides = array<i32>} : memref<128x128xf32, #tpu.memory_space<vmem>>, vector<1x16xf32>,
      %swap3A_446 = vector.shape_cast %swap3A_445 : vector<1x16xf32> to vector<16xf32>
      %swap3A_447 = vector.shape_cast %mul3A_440 : vector<16xf32> to vector<1x16xf32>
      tpu.vector_store %arg10[%swap3A_443, %swap3A_444], %swap3A_447 {strides = array<i32>} : memref<128x128xf32, #tpu.memory_space<vmem>>, vector<1x16xf32>,
      %add3A_448 = arith.constant 1 : i32
      %add3A_449 = arith.addi %mul3A_149, %add3A_448 : i32
      %get3A_450 = arith.index_cast %add3A_449 : i32 to index
      %get3A_451 = arith.constant 112 : index
      %get3A_452 = tpu.vector_load %arg10[%get3A_450, %get3A_451] {strides = array<i32>} : memref<128x128xf32, #tpu.memory_space<vmem>>, vector<1x16xf32>,
      %get3A_453 = vector.shape_cast %get3A_452 : vector<1x16xf32> to vector<16xf32>
      %add3A_454 = arith.constant 1 : i32
      %add3A_455 = arith.addi %mul3A_149, %add3A_454 : i32
      %get3A_456 = arith.index_cast %add3A_455 : i32 to index
      %get3A_457 = arith.constant 112 : index
      %get3A_458 = tpu.vector_load %arg12[%get3A_456, %get3A_457] {strides = array<i32>} : memref<128x128xf32, #tpu.memory_space<vmem>>, vector<1x16xf32>,
      %get3A_459 = vector.shape_cast %get3A_458 : vector<1x16xf32> to vector<16xf32>
      %mul3A_460 = arith.mulf %get3A_453, %get3A_459 : vector<16xf32>
      %add3A_461 = arith.constant 1 : i32
      %add3A_462 = arith.addi %mul3A_149, %add3A_461 : i32
      %swap3A_463 = arith.index_cast %add3A_462 : i32 to index
      %swap3A_464 = arith.constant 112 : index
      %swap3A_465 = tpu.vector_load %arg10[%swap3A_463, %swap3A_464] {strides = array<i32>} : memref<128x128xf32, #tpu.memory_space<vmem>>, vector<1x16xf32>,
      %swap3A_466 = vector.shape_cast %swap3A_465 : vector<1x16xf32> to vector<16xf32>
      %swap3A_467 = vector.shape_cast %mul3A_460 : vector<16xf32> to vector<1x16xf32>
      tpu.vector_store %arg10[%swap3A_463, %swap3A_464], %swap3A_467 {strides = array<i32>} : memref<128x128xf32, #tpu.memory_space<vmem>>, vector<1x16xf32>,
      %add3A_468 = arith.constant 2 : i32
      %add3A_469 = arith.addi %mul3A_149, %add3A_468 : i32
      %get3A_470 = arith.index_cast %add3A_469 : i32 to index
      %get3A_471 = arith.constant 0 : index
      %get3A_472 = tpu.vector_load %arg10[%get3A_470, %get3A_471] {strides = array<i32>} : memref<128x128xf32, #tpu.memory_space<vmem>>, vector<1x16xf32>,
      %get3A_473 = vector.shape_cast %get3A_472 : vector<1x16xf32> to vector<16xf32>
      %add3A_474 = arith.constant 2 : i32
      %add3A_475 = arith.addi %mul3A_149, %add3A_474 : i32
      %get3A_476 = arith.index_cast %add3A_475 : i32 to index
      %get3A_477 = arith.constant 0 : index
      %get3A_478 = tpu.vector_load %arg12[%get3A_476, %get3A_477] {strides = array<i32>} : memref<128x128xf32, #tpu.memory_space<vmem>>, vector<1x16xf32>,
      %get3A_479 = vector.shape_cast %get3A_478 : vector<1x16xf32> to vector<16xf32>
      %mul3A_480 = arith.mulf %get3A_473, %get3A_479 : vector<16xf32>
      %add3A_481 = arith.constant 2 : i32
      %add3A_482 = arith.addi %mul3A_149, %add3A_481 : i32
      %swap3A_483 = arith.index_cast %add3A_482 : i32 to index
      %swap3A_484 = arith.constant 0 : index
      %swap3A_485 = tpu.vector_load %arg10[%swap3A_483, %swap3A_484] {strides = array<i32>} : memref<128x128xf32, #tpu.memory_space<vmem>>, vector<1x16xf32>,
      %swap3A_486 = vector.shape_cast %swap3A_485 : vector<1x16xf32> to vector<16xf32>
      %swap3A_487 = vector.shape_cast %mul3A_480 : vector<16xf32> to vector<1x16xf32>
      tpu.vector_store %arg10[%swap3A_483, %swap3A_484], %swap3A_487 {strides = array<i32>} : memref<128x128xf32, #tpu.memory_space<vmem>>, vector<1x16xf32>,
      %add3A_488 = arith.constant 2 : i32
      %add3A_489 = arith.addi %mul3A_149, %add3A_488 : i32
      %get3A_490 = arith.index_cast %add3A_489 : i32 to index
      %get3A_491 = arith.constant 16 : index
      %get3A_492 = tpu.vector_load %arg10[%get3A_490, %get3A_491] {strides = array<i32>} : memref<128x128xf32, #tpu.memory_space<vmem>>, vector<1x16xf32>,
      %get3A_493 = vector.shape_cast %get3A_492 : vector<1x16xf32> to vector<16xf32>
      %add3A_494 = arith.constant 2 : i32
      %add3A_495 = arith.addi %mul3A_149, %add3A_494 : i32
      %get3A_496 = arith.index_cast %add3A_495 : i32 to index
      %get3A_497 = arith.constant 16 : index
      %get3A_498 = tpu.vector_load %arg12[%get3A_496, %get3A_497] {strides = array<i32>} : memref<128x128xf32, #tpu.memory_space<vmem>>, vector<1x16xf32>,
      %get3A_499 = vector.shape_cast %get3A_498 : vector<1x16xf32> to vector<16xf32>
      %mul3A_500 = arith.mulf %get3A_493, %get3A_499 : vector<16xf32>
      %add3A_501 = arith.constant 2 : i32
      %add3A_502 = arith.addi %mul3A_149, %add3A_501 : i32
      %swap3A_503 = arith.index_cast %add3A_502 : i32 to index
      %swap3A_504 = arith.constant 16 : index
      %swap3A_505 = tpu.vector_load %arg10[%swap3A_503, %swap3A_504] {strides = array<i32>} : memref<128x128xf32, #tpu.memory_space<vmem>>, vector<1x16xf32>,
      %swap3A_506 = vector.shape_cast %swap3A_505 : vector<1x16xf32> to vector<16xf32>
      %swap3A_507 = vector.shape_cast %mul3A_500 : vector<16xf32> to vector<1x16xf32>
      tpu.vector_store %arg10[%swap3A_503, %swap3A_504], %swap3A_507 {strides = array<i32>} : memref<128x128xf32, #tpu.memory_space<vmem>>, vector<1x16xf32>,
      %add3A_508 = arith.constant 2 : i32
      %add3A_509 = arith.addi %mul3A_149, %add3A_508 : i32
      %get3A_510 = arith.index_cast %add3A_509 : i32 to index
      %get3A_511 = arith.constant 32 : index
      %get3A_512 = tpu.vector_load %arg10[%get3A_510, %get3A_511] {strides = array<i32>} : memref<128x128xf32, #tpu.memory_space<vmem>>, vector<1x16xf32>,
      %get3A_513 = vector.shape_cast %get3A_512 : vector<1x16xf32> to vector<16xf32>
      %add3A_514 = arith.constant 2 : i32
      %add3A_515 = arith.addi %mul3A_149, %add3A_514 : i32
      %get3A_516 = arith.index_cast %add3A_515 : i32 to index
      %get3A_517 = arith.constant 32 : index
      %get3A_518 = tpu.vector_load %arg12[%get3A_516, %get3A_517] {strides = array<i32>} : memref<128x128xf32, #tpu.memory_space<vmem>>, vector<1x16xf32>,
      %get3A_519 = vector.shape_cast %get3A_518 : vector<1x16xf32> to vector<16xf32>
      %mul3A_520 = arith.mulf %get3A_513, %get3A_519 : vector<16xf32>
      %add3A_521 = arith.constant 2 : i32
      %add3A_522 = arith.addi %mul3A_149, %add3A_521 : i32
      %swap3A_523 = arith.index_cast %add3A_522 : i32 to index
      %swap3A_524 = arith.constant 32 : index
      %swap3A_525 = tpu.vector_load %arg10[%swap3A_523, %swap3A_524] {strides = array<i32>} : memref<128x128xf32, #tpu.memory_space<vmem>>, vector<1x16xf32>,
      %swap3A_526 = vector.shape_cast %swap3A_525 : vector<1x16xf32> to vector<16xf32>
      %swap3A_527 = vector.shape_cast %mul3A_520 : vector<16xf32> to vector<1x16xf32>
      tpu.vector_store %arg10[%swap3A_523, %swap3A_524], %swap3A_527 {strides = array<i32>} : memref<128x128xf32, #tpu.memory_space<vmem>>, vector<1x16xf32>,
      %add3A_528 = arith.constant 2 : i32
      %add3A_529 = arith.addi %mul3A_149, %add3A_528 : i32
      %get3A_530 = arith.index_cast %add3A_529 : i32 to index
      %get3A_531 = arith.constant 48 : index
      %get3A_532 = tpu.vector_load %arg10[%get3A_530, %get3A_531] {strides = array<i32>} : memref<128x128xf32, #tpu.memory_space<vmem>>, vector<1x16xf32>,
      %get3A_533 = vector.shape_cast %get3A_532 : vector<1x16xf32> to vector<16xf32>
      %add3A_534 = arith.constant 2 : i32
      %add3A_535 = arith.addi %mul3A_149, %add3A_534 : i32
      %get3A_536 = arith.index_cast %add3A_535 : i32 to index
      %get3A_537 = arith.constant 48 : index
      %get3A_538 = tpu.vector_load %arg12[%get3A_536, %get3A_537] {strides = array<i32>} : memref<128x128xf32, #tpu.memory_space<vmem>>, vector<1x16xf32>,
      %get3A_539 = vector.shape_cast %get3A_538 : vector<1x16xf32> to vector<16xf32>
      %mul3A_540 = arith.mulf %get3A_533, %get3A_539 : vector<16xf32>
      %add3A_541 = arith.constant 2 : i32
      %add3A_542 = arith.addi %mul3A_149, %add3A_541 : i32
      %swap3A_543 = arith.index_cast %add3A_542 : i32 to index
      %swap3A_544 = arith.constant 48 : index
      %swap3A_545 = tpu.vector_load %arg10[%swap3A_543, %swap3A_544] {strides = array<i32>} : memref<128x128xf32, #tpu.memory_space<vmem>>, vector<1x16xf32>,
      %swap3A_546 = vector.shape_cast %swap3A_545 : vector<1x16xf32> to vector<16xf32>
      %swap3A_547 = vector.shape_cast %mul3A_540 : vector<16xf32> to vector<1x16xf32>
      tpu.vector_store %arg10[%swap3A_543, %swap3A_544], %swap3A_547 {strides = array<i32>} : memref<128x128xf32, #tpu.memory_space<vmem>>, vector<1x16xf32>,
      %add3A_548 = arith.constant 2 : i32
      %add3A_549 = arith.addi %mul3A_149, %add3A_548 : i32
      %get3A_550 = arith.index_cast %add3A_549 : i32 to index
      %get3A_551 = arith.constant 64 : index
      %get3A_552 = tpu.vector_load %arg10[%get3A_550, %get3A_551] {strides = array<i32>} : memref<128x128xf32, #tpu.memory_space<vmem>>, vector<1x16xf32>,
      %get3A_553 = vector.shape_cast %get3A_552 : vector<1x16xf32> to vector<16xf32>
      %add3A_554 = arith.constant 2 : i32
      %add3A_555 = arith.addi %mul3A_149, %add3A_554 : i32
      %get3A_556 = arith.index_cast %add3A_555 : i32 to index
      %get3A_557 = arith.constant 64 : index
      %get3A_558 = tpu.vector_load %arg12[%get3A_556, %get3A_557] {strides = array<i32>} : memref<128x128xf32, #tpu.memory_space<vmem>>, vector<1x16xf32>,
      %get3A_559 = vector.shape_cast %get3A_558 : vector<1x16xf32> to vector<16xf32>
      %mul3A_560 = arith.mulf %get3A_553, %get3A_559 : vector<16xf32>
      %add3A_561 = arith.constant 2 : i32
      %add3A_562 = arith.addi %mul3A_149, %add3A_561 : i32
      %swap3A_563 = arith.index_cast %add3A_562 : i32 to index
      %swap3A_564 = arith.constant 64 : index
      %swap3A_565 = tpu.vector_load %arg10[%swap3A_563, %swap3A_564] {strides = array<i32>} : memref<128x128xf32, #tpu.memory_space<vmem>>, vector<1x16xf32>,
      %swap3A_566 = vector.shape_cast %swap3A_565 : vector<1x16xf32> to vector<16xf32>
      %swap3A_567 = vector.shape_cast %mul3A_560 : vector<16xf32> to vector<1x16xf32>
      tpu.vector_store %arg10[%swap3A_563, %swap3A_564], %swap3A_567 {strides = array<i32>} : memref<128x128xf32, #tpu.memory_space<vmem>>, vector<1x16xf32>,
      %add3A_568 = arith.constant 2 : i32
      %add3A_569 = arith.addi %mul3A_149, %add3A_568 : i32
      %get3A_570 = arith.index_cast %add3A_569 : i32 to index
      %get3A_571 = arith.constant 80 : index
      %get3A_572 = tpu.vector_load %arg10[%get3A_570, %get3A_571] {strides = array<i32>} : memref<128x128xf32, #tpu.memory_space<vmem>>, vector<1x16xf32>,
      %get3A_573 = vector.shape_cast %get3A_572 : vector<1x16xf32> to vector<16xf32>
      %add3A_574 = arith.constant 2 : i32
      %add3A_575 = arith.addi %mul3A_149, %add3A_574 : i32
      %get3A_576 = arith.index_cast %add3A_575 : i32 to index
      %get3A_577 = arith.constant 80 : index
      %get3A_578 = tpu.vector_load %arg12[%get3A_576, %get3A_577] {strides = array<i32>} : memref<128x128xf32, #tpu.memory_space<vmem>>, vector<1x16xf32>,
      %get3A_579 = vector.shape_cast %get3A_578 : vector<1x16xf32> to vector<16xf32>
      %mul3A_580 = arith.mulf %get3A_573, %get3A_579 : vector<16xf32>
      %add3A_581 = arith.constant 2 : i32
      %add3A_582 = arith.addi %mul3A_149, %add3A_581 : i32
      %swap3A_583 = arith.index_cast %add3A_582 : i32 to index
      %swap3A_584 = arith.constant 80 : index
      %swap3A_585 = tpu.vector_load %arg10[%swap3A_583, %swap3A_584] {strides = array<i32>} : memref<128x128xf32, #tpu.memory_space<vmem>>, vector<1x16xf32>,
      %swap3A_586 = vector.shape_cast %swap3A_585 : vector<1x16xf32> to vector<16xf32>
      %swap3A_587 = vector.shape_cast %mul3A_580 : vector<16xf32> to vector<1x16xf32>
      tpu.vector_store %arg10[%swap3A_583, %swap3A_584], %swap3A_587 {strides = array<i32>} : memref<128x128xf32, #tpu.memory_space<vmem>>, vector<1x16xf32>,
      %add3A_588 = arith.constant 2 : i32
      %add3A_589 = arith.addi %mul3A_149, %add3A_588 : i32
      %get3A_590 = arith.index_cast %add3A_589 : i32 to index
      %get3A_591 = arith.constant 96 : index
      %get3A_592 = tpu.vector_load %arg10[%get3A_590, %get3A_591] {strides = array<i32>} : memref<128x128xf32, #tpu.memory_space<vmem>>, vector<1x16xf32>,
      %get3A_593 = vector.shape_cast %get3A_592 : vector<1x16xf32> to vector<16xf32>
      %add3A_594 = arith.constant 2 : i32
      %add3A_595 = arith.addi %mul3A_149, %add3A_594 : i32
      %get3A_596 = arith.index_cast %add3A_595 : i32 to index
      %get3A_597 = arith.constant 96 : index
      %get3A_598 = tpu.vector_load %arg12[%get3A_596, %get3A_597] {strides = array<i32>} : memref<128x128xf32, #tpu.memory_space<vmem>>, vector<1x16xf32>,
      %get3A_599 = vector.shape_cast %get3A_598 : vector<1x16xf32> to vector<16xf32>
      %mul3A_600 = arith.mulf %get3A_593, %get3A_599 : vector<16xf32>
      %add3A_601 = arith.constant 2 : i32
      %add3A_602 = arith.addi %mul3A_149, %add3A_601 : i32
      %swap3A_603 = arith.index_cast %add3A_602 : i32 to index
      %swap3A_604 = arith.constant 96 : index
      %swap3A_605 = tpu.vector_load %arg10[%swap3A_603, %swap3A_604] {strides = array<i32>} : memref<128x128xf32, #tpu.memory_space<vmem>>, vector<1x16xf32>,
      %swap3A_606 = vector.shape_cast %swap3A_605 : vector<1x16xf32> to vector<16xf32>
      %swap3A_607 = vector.shape_cast %mul3A_600 : vector<16xf32> to vector<1x16xf32>
      tpu.vector_store %arg10[%swap3A_603, %swap3A_604], %swap3A_607 {strides = array<i32>} : memref<128x128xf32, #tpu.memory_space<vmem>>, vector<1x16xf32>,
      %add3A_608 = arith.constant 2 : i32
      %add3A_609 = arith.addi %mul3A_149, %add3A_608 : i32
      %get3A_610 = arith.index_cast %add3A_609 : i32 to index
      %get3A_611 = arith.constant 112 : index
      %get3A_612 = tpu.vector_load %arg10[%get3A_610, %get3A_611] {strides = array<i32>} : memref<128x128xf32, #tpu.memory_space<vmem>>, vector<1x16xf32>,
      %get3A_613 = vector.shape_cast %get3A_612 : vector<1x16xf32> to vector<16xf32>
      %add3A_614 = arith.constant 2 : i32
      %add3A_615 = arith.addi %mul3A_149, %add3A_614 : i32
      %get3A_616 = arith.index_cast %add3A_615 : i32 to index
      %get3A_617 = arith.constant 112 : index
      %get3A_618 = tpu.vector_load %arg12[%get3A_616, %get3A_617] {strides = array<i32>} : memref<128x128xf32, #tpu.memory_space<vmem>>, vector<1x16xf32>,
      %get3A_619 = vector.shape_cast %get3A_618 : vector<1x16xf32> to vector<16xf32>
      %mul3A_620 = arith.mulf %get3A_613, %get3A_619 : vector<16xf32>
      %add3A_621 = arith.constant 2 : i32
      %add3A_622 = arith.addi %mul3A_149, %add3A_621 : i32
      %swap3A_623 = arith.index_cast %add3A_622 : i32 to index
      %swap3A_624 = arith.constant 112 : index
      %swap3A_625 = tpu.vector_load %arg10[%swap3A_623, %swap3A_624] {strides = array<i32>} : memref<128x128xf32, #tpu.memory_space<vmem>>, vector<1x16xf32>,
      %swap3A_626 = vector.shape_cast %swap3A_625 : vector<1x16xf32> to vector<16xf32>
      %swap3A_627 = vector.shape_cast %mul3A_620 : vector<16xf32> to vector<1x16xf32>
      tpu.vector_store %arg10[%swap3A_623, %swap3A_624], %swap3A_627 {strides = array<i32>} : memref<128x128xf32, #tpu.memory_space<vmem>>, vector<1x16xf32>,
      %add3A_628 = arith.constant 3 : i32
      %add3A_629 = arith.addi %mul3A_149, %add3A_628 : i32
      %get3A_630 = arith.index_cast %add3A_629 : i32 to index
      %get3A_631 = arith.constant 0 : index
      %get3A_632 = tpu.vector_load %arg10[%get3A_630, %get3A_631] {strides = array<i32>} : memref<128x128xf32, #tpu.memory_space<vmem>>, vector<1x16xf32>,
      %get3A_633 = vector.shape_cast %get3A_632 : vector<1x16xf32> to vector<16xf32>
      %add3A_634 = arith.constant 3 : i32
      %add3A_635 = arith.addi %mul3A_149, %add3A_634 : i32
      %get3A_636 = arith.index_cast %add3A_635 : i32 to index
      %get3A_637 = arith.constant 0 : index
      %get3A_638 = tpu.vector_load %arg12[%get3A_636, %get3A_637] {strides = array<i32>} : memref<128x128xf32, #tpu.memory_space<vmem>>, vector<1x16xf32>,
      %get3A_639 = vector.shape_cast %get3A_638 : vector<1x16xf32> to vector<16xf32>
      %mul3A_640 = arith.mulf %get3A_633, %get3A_639 : vector<16xf32>
      %add3A_641 = arith.constant 3 : i32
      %add3A_642 = arith.addi %mul3A_149, %add3A_641 : i32
      %swap3A_643 = arith.index_cast %add3A_642 : i32 to index
      %swap3A_644 = arith.constant 0 : index
      %swap3A_645 = tpu.vector_load %arg10[%swap3A_643, %swap3A_644] {strides = array<i32>} : memref<128x128xf32, #tpu.memory_space<vmem>>, vector<1x16xf32>,
      %swap3A_646 = vector.shape_cast %swap3A_645 : vector<1x16xf32> to vector<16xf32>
      %swap3A_647 = vector.shape_cast %mul3A_640 : vector<16xf32> to vector<1x16xf32>
      tpu.vector_store %arg10[%swap3A_643, %swap3A_644], %swap3A_647 {strides = array<i32>} : memref<128x128xf32, #tpu.memory_space<vmem>>, vector<1x16xf32>,
      %add3A_648 = arith.constant 3 : i32
      %add3A_649 = arith.addi %mul3A_149, %add3A_648 : i32
      %get3A_650 = arith.index_cast %add3A_649 : i32 to index
      %get3A_651 = arith.constant 16 : index
      %get3A_652 = tpu.vector_load %arg10[%get3A_650, %get3A_651] {strides = array<i32>} : memref<128x128xf32, #tpu.memory_space<vmem>>, vector<1x16xf32>,
      %get3A_653 = vector.shape_cast %get3A_652 : vector<1x16xf32> to vector<16xf32>
      %add3A_654 = arith.constant 3 : i32
      %add3A_655 = arith.addi %mul3A_149, %add3A_654 : i32
      %get3A_656 = arith.index_cast %add3A_655 : i32 to index
      %get3A_657 = arith.constant 16 : index
      %get3A_658 = tpu.vector_load %arg12[%get3A_656, %get3A_657] {strides = array<i32>} : memref<128x128xf32, #tpu.memory_space<vmem>>, vector<1x16xf32>,
      %get3A_659 = vector.shape_cast %get3A_658 : vector<1x16xf32> to vector<16xf32>
      %mul3A_660 = arith.mulf %get3A_653, %get3A_659 : vector<16xf32>
      %add3A_661 = arith.constant 3 : i32
      %add3A_662 = arith.addi %mul3A_149, %add3A_661 : i32
      %swap3A_663 = arith.index_cast %add3A_662 : i32 to index
      %swap3A_664 = arith.constant 16 : index
      %swap3A_665 = tpu.vector_load %arg10[%swap3A_663, %swap3A_664] {strides = array<i32>} : memref<128x128xf32, #tpu.memory_space<vmem>>, vector<1x16xf32>,
      %swap3A_666 = vector.shape_cast %swap3A_665 : vector<1x16xf32> to vector<16xf32>
      %swap3A_667 = vector.shape_cast %mul3A_660 : vector<16xf32> to vector<1x16xf32>
      tpu.vector_store %arg10[%swap3A_663, %swap3A_664], %swap3A_667 {strides = array<i32>} : memref<128x128xf32, #tpu.memory_space<vmem>>, vector<1x16xf32>,
      %add3A_668 = arith.constant 3 : i32
      %add3A_669 = arith.addi %mul3A_149, %add3A_668 : i32
      %get3A_670 = arith.index_cast %add3A_669 : i32 to index
      %get3A_671 = arith.constant 32 : index
      %get3A_672 = tpu.vector_load %arg10[%get3A_670, %get3A_671] {strides = array<i32>} : memref<128x128xf32, #tpu.memory_space<vmem>>, vector<1x16xf32>,
      %get3A_673 = vector.shape_cast %get3A_672 : vector<1x16xf32> to vector<16xf32>
      %add3A_674 = arith.constant 3 : i32
      %add3A_675 = arith.addi %mul3A_149, %add3A_674 : i32
      %get3A_676 = arith.index_cast %add3A_675 : i32 to index
      %get3A_677 = arith.constant 32 : index
      %get3A_678 = tpu.vector_load %arg12[%get3A_676, %get3A_677] {strides = array<i32>} : memref<128x128xf32, #tpu.memory_space<vmem>>, vector<1x16xf32>,
      %get3A_679 = vector.shape_cast %get3A_678 : vector<1x16xf32> to vector<16xf32>
      %mul3A_680 = arith.mulf %get3A_673, %get3A_679 : vector<16xf32>
      %add3A_681 = arith.constant 3 : i32
      %add3A_682 = arith.addi %mul3A_149, %add3A_681 : i32
      %swap3A_683 = arith.index_cast %add3A_682 : i32 to index
      %swap3A_684 = arith.constant 32 : index
      %swap3A_685 = tpu.vector_load %arg10[%swap3A_683, %swap3A_684] {strides = array<i32>} : memref<128x128xf32, #tpu.memory_space<vmem>>, vector<1x16xf32>,
      %swap3A_686 = vector.shape_cast %swap3A_685 : vector<1x16xf32> to vector<16xf32>
      %swap3A_687 = vector.shape_cast %mul3A_680 : vector<16xf32> to vector<1x16xf32>
      tpu.vector_store %arg10[%swap3A_683, %swap3A_684], %swap3A_687 {strides = array<i32>} : memref<128x128xf32, #tpu.memory_space<vmem>>, vector<1x16xf32>,
      %add3A_688 = arith.constant 3 : i32
      %add3A_689 = arith.addi %mul3A_149, %add3A_688 : i32
      %get3A_690 = arith.index_cast %add3A_689 : i32 to index
      %get3A_691 = arith.constant 48 : index
      %get3A_692 = tpu.vector_load %arg10[%get3A_690, %get3A_691] {strides = array<i32>} : memref<128x128xf32, #tpu.memory_space<vmem>>, vector<1x16xf32>,
      %get3A_693 = vector.shape_cast %get3A_692 : vector<1x16xf32> to vector<16xf32>
      %add3A_694 = arith.constant 3 : i32
      %add3A_695 = arith.addi %mul3A_149, %add3A_694 : i32
      %get3A_696 = arith.index_cast %add3A_695 : i32 to index
      %get3A_697 = arith.constant 48 : index
      %get3A_698 = tpu.vector_load %arg12[%get3A_696, %get3A_697] {strides = array<i32>} : memref<128x128xf32, #tpu.memory_space<vmem>>, vector<1x16xf32>,
      %get3A_699 = vector.shape_cast %get3A_698 : vector<1x16xf32> to vector<16xf32>
      %mul3A_700 = arith.mulf %get3A_693, %get3A_699 : vector<16xf32>
      %add3A_701 = arith.constant 3 : i32
      %add3A_702 = arith.addi %mul3A_149, %add3A_701 : i32
      %swap3A_703 = arith.index_cast %add3A_702 : i32 to index
      %swap3A_704 = arith.constant 48 : index
      %swap3A_705 = tpu.vector_load %arg10[%swap3A_703, %swap3A_704] {strides = array<i32>} : memref<128x128xf32, #tpu.memory_space<vmem>>, vector<1x16xf32>,
      %swap3A_706 = vector.shape_cast %swap3A_705 : vector<1x16xf32> to vector<16xf32>
      %swap3A_707 = vector.shape_cast %mul3A_700 : vector<16xf32> to vector<1x16xf32>
      tpu.vector_store %arg10[%swap3A_703, %swap3A_704], %swap3A_707 {strides = array<i32>} : memref<128x128xf32, #tpu.memory_space<vmem>>, vector<1x16xf32>,
      %add3A_708 = arith.constant 3 : i32
      %add3A_709 = arith.addi %mul3A_149, %add3A_708 : i32
      %get3A_710 = arith.index_cast %add3A_709 : i32 to index
      %get3A_711 = arith.constant 64 : index
      %get3A_712 = tpu.vector_load %arg10[%get3A_710, %get3A_711] {strides = array<i32>} : memref<128x128xf32, #tpu.memory_space<vmem>>, vector<1x16xf32>,
      %get3A_713 = vector.shape_cast %get3A_712 : vector<1x16xf32> to vector<16xf32>
      %add3A_714 = arith.constant 3 : i32
      %add3A_715 = arith.addi %mul3A_149, %add3A_714 : i32
      %get3A_716 = arith.index_cast %add3A_715 : i32 to index
      %get3A_717 = arith.constant 64 : index
      %get3A_718 = tpu.vector_load %arg12[%get3A_716, %get3A_717] {strides = array<i32>} : memref<128x128xf32, #tpu.memory_space<vmem>>, vector<1x16xf32>,
      %get3A_719 = vector.shape_cast %get3A_718 : vector<1x16xf32> to vector<16xf32>
      %mul3A_720 = arith.mulf %get3A_713, %get3A_719 : vector<16xf32>
      %add3A_721 = arith.constant 3 : i32
      %add3A_722 = arith.addi %mul3A_149, %add3A_721 : i32
      %swap3A_723 = arith.index_cast %add3A_722 : i32 to index
      %swap3A_724 = arith.constant 64 : index
      %swap3A_725 = tpu.vector_load %arg10[%swap3A_723, %swap3A_724] {strides = array<i32>} : memref<128x128xf32, #tpu.memory_space<vmem>>, vector<1x16xf32>,
      %swap3A_726 = vector.shape_cast %swap3A_725 : vector<1x16xf32> to vector<16xf32>
      %swap3A_727 = vector.shape_cast %mul3A_720 : vector<16xf32> to vector<1x16xf32>
      tpu.vector_store %arg10[%swap3A_723, %swap3A_724], %swap3A_727 {strides = array<i32>} : memref<128x128xf32, #tpu.memory_space<vmem>>, vector<1x16xf32>,
      %add3A_728 = arith.constant 3 : i32
      %add3A_729 = arith.addi %mul3A_149, %add3A_728 : i32
      %get3A_730 = arith.index_cast %add3A_729 : i32 to index
      %get3A_731 = arith.constant 80 : index
      %get3A_732 = tpu.vector_load %arg10[%get3A_730, %get3A_731] {strides = array<i32>} : memref<128x128xf32, #tpu.memory_space<vmem>>, vector<1x16xf32>,
      %get3A_733 = vector.shape_cast %get3A_732 : vector<1x16xf32> to vector<16xf32>
      %add3A_734 = arith.constant 3 : i32
      %add3A_735 = arith.addi %mul3A_149, %add3A_734 : i32
      %get3A_736 = arith.index_cast %add3A_735 : i32 to index
      %get3A_737 = arith.constant 80 : index
      %get3A_738 = tpu.vector_load %arg12[%get3A_736, %get3A_737] {strides = array<i32>} : memref<128x128xf32, #tpu.memory_space<vmem>>, vector<1x16xf32>,
      %get3A_739 = vector.shape_cast %get3A_738 : vector<1x16xf32> to vector<16xf32>
      %mul3A_740 = arith.mulf %get3A_733, %get3A_739 : vector<16xf32>
      %add3A_741 = arith.constant 3 : i32
      %add3A_742 = arith.addi %mul3A_149, %add3A_741 : i32
      %swap3A_743 = arith.index_cast %add3A_742 : i32 to index
      %swap3A_744 = arith.constant 80 : index
      %swap3A_745 = tpu.vector_load %arg10[%swap3A_743, %swap3A_744] {strides = array<i32>} : memref<128x128xf32, #tpu.memory_space<vmem>>, vector<1x16xf32>,
      %swap3A_746 = vector.shape_cast %swap3A_745 : vector<1x16xf32> to vector<16xf32>
      %swap3A_747 = vector.shape_cast %mul3A_740 : vector<16xf32> to vector<1x16xf32>
      tpu.vector_store %arg10[%swap3A_743, %swap3A_744], %swap3A_747 {strides = array<i32>} : memref<128x128xf32, #tpu.memory_space<vmem>>, vector<1x16xf32>,
      %add3A_748 = arith.constant 3 : i32
      %add3A_749 = arith.addi %mul3A_149, %add3A_748 : i32
      %get3A_750 = arith.index_cast %add3A_749 : i32 to index
      %get3A_751 = arith.constant 96 : index
      %get3A_752 = tpu.vector_load %arg10[%get3A_750, %get3A_751] {strides = array<i32>} : memref<128x128xf32, #tpu.memory_space<vmem>>, vector<1x16xf32>,
      %get3A_753 = vector.shape_cast %get3A_752 : vector<1x16xf32> to vector<16xf32>
      %add3A_754 = arith.constant 3 : i32
      %add3A_755 = arith.addi %mul3A_149, %add3A_754 : i32
      %get3A_756 = arith.index_cast %add3A_755 : i32 to index
      %get3A_757 = arith.constant 96 : index
      %get3A_758 = tpu.vector_load %arg12[%get3A_756, %get3A_757] {strides = array<i32>} : memref<128x128xf32, #tpu.memory_space<vmem>>, vector<1x16xf32>,
      %get3A_759 = vector.shape_cast %get3A_758 : vector<1x16xf32> to vector<16xf32>
      %mul3A_760 = arith.mulf %get3A_753, %get3A_759 : vector<16xf32>
      %add3A_761 = arith.constant 3 : i32
      %add3A_762 = arith.addi %mul3A_149, %add3A_761 : i32
      %swap3A_763 = arith.index_cast %add3A_762 : i32 to index
      %swap3A_764 = arith.constant 96 : index
      %swap3A_765 = tpu.vector_load %arg10[%swap3A_763, %swap3A_764] {strides = array<i32>} : memref<128x128xf32, #tpu.memory_space<vmem>>, vector<1x16xf32>,
      %swap3A_766 = vector.shape_cast %swap3A_765 : vector<1x16xf32> to vector<16xf32>
      %swap3A_767 = vector.shape_cast %mul3A_760 : vector<16xf32> to vector<1x16xf32>
      tpu.vector_store %arg10[%swap3A_763, %swap3A_764], %swap3A_767 {strides = array<i32>} : memref<128x128xf32, #tpu.memory_space<vmem>>, vector<1x16xf32>,
      %add3A_768 = arith.constant 3 : i32
      %add3A_769 = arith.addi %mul3A_149, %add3A_768 : i32
      %get3A_770 = arith.index_cast %add3A_769 : i32 to index
      %get3A_771 = arith.constant 112 : index
      %get3A_772 = tpu.vector_load %arg10[%get3A_770, %get3A_771] {strides = array<i32>} : memref<128x128xf32, #tpu.memory_space<vmem>>, vector<1x16xf32>,
      %get3A_773 = vector.shape_cast %get3A_772 : vector<1x16xf32> to vector<16xf32>
      %add3A_774 = arith.constant 3 : i32
      %add3A_775 = arith.addi %mul3A_149, %add3A_774 : i32
      %get3A_776 = arith.index_cast %add3A_775 : i32 to index
      %get3A_777 = arith.constant 112 : index
      %get3A_778 = tpu.vector_load %arg12[%get3A_776, %get3A_777] {strides = array<i32>} : memref<128x128xf32, #tpu.memory_space<vmem>>, vector<1x16xf32>,
      %get3A_779 = vector.shape_cast %get3A_778 : vector<1x16xf32> to vector<16xf32>
      %mul3A_780 = arith.mulf %get3A_773, %get3A_779 : vector<16xf32>
      %add3A_781 = arith.constant 3 : i32
      %add3A_782 = arith.addi %mul3A_149, %add3A_781 : i32
      %swap3A_783 = arith.index_cast %add3A_782 : i32 to index
      %swap3A_784 = arith.constant 112 : index
      %swap3A_785 = tpu.vector_load %arg10[%swap3A_783, %swap3A_784] {strides = array<i32>} : memref<128x128xf32, #tpu.memory_space<vmem>>, vector<1x16xf32>,
      %swap3A_786 = vector.shape_cast %swap3A_785 : vector<1x16xf32> to vector<16xf32>
      %swap3A_787 = vector.shape_cast %mul3A_780 : vector<16xf32> to vector<1x16xf32>
      tpu.vector_store %arg10[%swap3A_783, %swap3A_784], %swap3A_787 {strides = array<i32>} : memref<128x128xf32, #tpu.memory_space<vmem>>, vector<1x16xf32>,
    }
    %scan3A_120 = arith.constant 32 : i32
    %dma_start3A_121 = arith.constant 1 : i32
    %dma_start3A_122 = arith.constant 0 : i32
    %dma_start3A_123 = tpu.memref_slice %arg8[%dma_start3A_121, %dma_start3A_122] : memref<2x128xi32, #tpu.memory_space<vmem>> -> memref<1x128xi32, #tpu.memory_space<vmem>>
    %dma_start3A_124 = tpu.memref_squeeze %dma_start3A_123 : memref<1x128xi32, #tpu.memory_space<vmem>> -> memref<128xi32, #tpu.memory_space<vmem>>
    %dma_start3A_125 = arith.constant 0 : i32
    %dma_start3A_126 = arith.constant 0 : i32
    %dma_start3A_127 = tpu.memref_slice %arg13[%dma_start3A_125, %dma_start3A_126] : memref<2048x128xf32, #tpu.memory_space<vmem_shared>> -> memref<2048x128xf32, #tpu.memory_space<vmem_shared>>
    tpu.enqueue_indirect_dma source(%arg10 : memref<128x128xf32, #tpu.memory_space<vmem>>) target(%dma_start3A_127 : memref<2048x128xf32, #tpu.memory_space<vmem_shared>>) offsets(%dma_start3A_124 : memref<128xi32, #tpu.memory_space<vmem>>) semaphore(%arg19 : memref<!tpu.dma_semaphore, #tpu.memory_space<semaphore_mem>>) {add = true}
    %dma_wait3A_128 = arith.constant 0 : i32
    %dma_wait3A_129 = arith.constant 0 : i32
    %dma_wait3A_130 = tpu.memref_slice %arg8[%dma_wait3A_128, %dma_wait3A_129] : memref<2x128xi32, #tpu.memory_space<vmem>> -> memref<1x128xi32, #tpu.memory_space<vmem>>
    %dma_wait3A_131 = tpu.memref_squeeze %dma_wait3A_130 : memref<1x128xi32, #tpu.memory_space<vmem>> -> memref<128xi32, #tpu.memory_space<vmem>>
    %dma_wait3A_132 = arith.constant 0 : i32
    %dma_wait3A_133 = arith.constant 0 : i32
    %dma_wait3A_134 = tpu.memref_slice %arg13[%dma_wait3A_132, %dma_wait3A_133] : memref<2048x128xf32, #tpu.memory_space<vmem_shared>> -> memref<2048x128xf32, #tpu.memory_space<vmem_shared>>
    tpu.wait_indirect_dma semaphore(%arg19 : memref<!tpu.dma_semaphore, #tpu.memory_space<semaphore_mem>>) src(%arg9 : memref<128x128xf32, #tpu.memory_space<vmem>>) dst(%dma_wait3A_134 : memref<2048x128xf32, #tpu.memory_space<vmem_shared>>)
    %dma_wait3A_135 = arith.constant 1 : i32
    %dma_wait3A_136 = arith.constant 0 : i32
    %dma_wait3A_137 = tpu.memref_slice %arg8[%dma_wait3A_135, %dma_wait3A_136] : memref<2x128xi32, #tpu.memory_space<vmem>> -> memref<1x128xi32, #tpu.memory_space<vmem>>
    %dma_wait3A_138 = tpu.memref_squeeze %dma_wait3A_137 : memref<1x128xi32, #tpu.memory_space<vmem>> -> memref<128xi32, #tpu.memory_space<vmem>>
    %dma_wait3A_139 = arith.constant 0 : i32
    %dma_wait3A_140 = arith.constant 0 : i32
    %dma_wait3A_141 = tpu.memref_slice %arg13[%dma_wait3A_139, %dma_wait3A_140] : memref<2048x128xf32, #tpu.memory_space<vmem_shared>> -> memref<2048x128xf32, #tpu.memory_space<vmem_shared>>
    tpu.wait_indirect_dma semaphore(%arg19 : memref<!tpu.dma_semaphore, #tpu.memory_space<semaphore_mem>>) src(%arg10 : memref<128x128xf32, #tpu.memory_space<vmem>>) dst(%dma_wait3A_141 : memref<2048x128xf32, #tpu.memory_space<vmem_shared>>)
    "tpu.trace_stop"() : () -> ()
    "tpu.trace_start"() <{level = 10 : i32, message = "barrier2"}> : () -> ()
    %barrier3A_142 = arith.constant 0 : index
    tpu.barrier barrier_id(%barrier3A_142)
    "tpu.trace_stop"() : () -> ()
    "tpu.trace_start"() <{level = 10 : i32, message = "writeback"}> : () -> ()
    %mul3A_143 = arith.constant 128 : i32
    %mul3A_144 = arith.muli %arg1, %mul3A_143 : i32
    %mul3A_145 = arith.constant 128 : i32
    %mul3A_146 = arith.muli %arg1, %mul3A_145 : i32
    "tpu.region"() ({
      %run_scoped3A = tpu.sem_alloc : memref<!tpu.dma_semaphore, #tpu.memory_space<semaphore_mem>>
      %dma_start3A_147 = arith.constant 0 : i32
      %dma_start3A_148 = tpu.memref_slice %arg6[%arg0, %mul3A_146, %dma_start3A_147] : memref<2x2048x128xf32, #tpu.memory_space<hbm>> -> memref<1x128x128xf32, #tpu.memory_space<hbm>>
      %dma_start3A_149 = tpu.memref_squeeze %dma_start3A_148 : memref<1x128x128xf32, #tpu.memory_space<hbm>> -> memref<128x128xf32, #tpu.memory_space<hbm>>
      %dma_start3A_150 = arith.constant 0 : i32
      %dma_start3A_151 = tpu.memref_slice %arg13[%mul3A_144, %dma_start3A_150] : memref<2048x128xf32, #tpu.memory_space<vmem_shared>> -> memref<128x128xf32, #tpu.memory_space<vmem_shared>>
      tpu.enqueue_dma source(%dma_start3A_151 : memref<128x128xf32, #tpu.memory_space<vmem_shared>>) target(%dma_start3A_149 : memref<128x128xf32, #tpu.memory_space<hbm>>) target_semaphore(%run_scoped3A : memref<!tpu.dma_semaphore, #tpu.memory_space<semaphore_mem>>)
      %dma_wait3A_152 = arith.constant 0 : i32
      %dma_wait3A_153 = tpu.memref_slice %arg6[%arg0, %mul3A_146, %dma_wait3A_152] : memref<2x2048x128xf32, #tpu.memory_space<hbm>> -> memref<1x128x128xf32, #tpu.memory_space<hbm>>
      %dma_wait3A_154 = tpu.memref_squeeze %dma_wait3A_153 : memref<1x128x128xf32, #tpu.memory_space<hbm>> -> memref<128x128xf32, #tpu.memory_space<hbm>>
      %dma_wait3A_155 = arith.constant 0 : i32
      %dma_wait3A_156 = tpu.memref_slice %arg13[%mul3A_144, %dma_wait3A_155] : memref<2048x128xf32, #tpu.memory_space<vmem_shared>> -> memref<128x128xf32, #tpu.memory_space<vmem_shared>>
      tpu.wait_dma2 semaphore(%run_scoped3A : memref<!tpu.dma_semaphore, #tpu.memory_space<semaphore_mem>>) src(%dma_wait3A_156 : memref<128x128xf32, #tpu.memory_space<vmem_shared>>) dst(%dma_wait3A_154 : memref<128x128xf32, #tpu.memory_space<hbm>>)
      tpu.yield
    }) : () -> ()
    "tpu.trace_stop"() : () -> ()
    return
  }
}

module attributes {stable_mosaic.version = 14 : i64} {
  func.func @_attn_body(%arg0: memref<2x2048x128xf32, #tpu.memory_space<vmem>>, %arg1: memref<128x128xf32, #tpu.memory_space<vmem>>, %arg2: memref<1x128xf32, #tpu.memory_space<vmem>>, %arg3: memref<128x128xf32, #tpu.memory_space<vmem>>, %arg4: memref<1x128xf32, #tpu.memory_space<vmem>>, %arg5: memref<128x128xf32, #tpu.memory_space<vmem>>, %arg6: memref<1x128xf32, #tpu.memory_space<vmem>>, %arg7: memref<128x128xf32, #tpu.memory_space<vmem>>, %arg8: memref<1x128xf32, #tpu.memory_space<vmem>>, %arg9: memref<128x128xf32, #tpu.memory_space<vmem>>, %arg10: memref<1x128xf32, #tpu.memory_space<vmem>>, %arg11: memref<512x128xf32, #tpu.memory_space<vmem>>) attributes {dimension_semantics = [], scalar_prefetch = 0 : i64, scratch_operands = 0 : i64, tpu.core_type = #tpu.core_type<tc>} {
    %get3A = arith.constant 0 : index
    %get3A_0 = arith.constant 0 : index
    %get3A_1 = arith.constant 0 : index
    %get3A_2 = vector.load %arg0[%get3A, %get3A_0, %get3A_1] : memref<2x2048x128xf32, #tpu.memory_space<vmem>>, vector<1x2048x128xf32>
    %get3A_3 = vector.shape_cast %get3A_2 : vector<1x2048x128xf32> to vector<2048x128xf32>
    %get3A_4 = arith.constant 1 : index
    %get3A_5 = arith.constant 0 : index
    %get3A_6 = arith.constant 0 : index
    %get3A_7 = vector.load %arg0[%get3A_4, %get3A_5, %get3A_6] : memref<2x2048x128xf32, #tpu.memory_space<vmem>>, vector<1x2048x128xf32>
    %get3A_8 = vector.shape_cast %get3A_7 : vector<1x2048x128xf32> to vector<2048x128xf32>
    %add3A = arith.addf %get3A_3, %get3A_8 : vector<2048x128xf32>
    %get3A_9 = arith.constant 0 : index
    %get3A_10 = arith.constant 0 : index
    %get3A_11 = vector.load %arg1[%get3A_9, %get3A_10] : memref<128x128xf32, #tpu.memory_space<vmem>>, vector<128x128xf32>
    %dot_general3A = arith.constant dense<0.000000e+00> : vector<2048x128xf32>
    %dot_general3A_12 = tpu.matmul %add3A, %get3A_11, %dot_general3A {dimension_numbers = #tpu.dot_dimension_numbers<[1], [1], [0], [0], [0, 0, 1, 0], [], []>, transpose_lhs_hint = false} : vector<2048x128xf32>, vector<128x128xf32>, vector<2048x128xf32> -> vector<2048x128xf32>
    %get3A_13 = arith.constant 0 : index
    %get3A_14 = arith.constant 0 : index
    %get3A_15 = vector.load %arg2[%get3A_13, %get3A_14] : memref<1x128xf32, #tpu.memory_space<vmem>>, vector<1x128xf32>
    %add3A_16 = vector.broadcast %get3A_15 : vector<1x128xf32> to vector<2048x128xf32>
    %add3A_17 = arith.addf %dot_general3A_12, %add3A_16 : vector<2048x128xf32>
    %get3A_18 = arith.constant 0 : index
    %get3A_19 = arith.constant 0 : index
    %get3A_20 = vector.load %arg3[%get3A_18, %get3A_19] : memref<128x128xf32, #tpu.memory_space<vmem>>, vector<128x128xf32>
    %dot_general3A_21 = arith.constant dense<0.000000e+00> : vector<2048x128xf32>
    %dot_general3A_22 = tpu.matmul %add3A, %get3A_20, %dot_general3A_21 {dimension_numbers = #tpu.dot_dimension_numbers<[1], [1], [0], [0], [0, 0, 1, 0], [], []>, transpose_lhs_hint = false} : vector<2048x128xf32>, vector<128x128xf32>, vector<2048x128xf32> -> vector<2048x128xf32>
    %get3A_23 = arith.constant 0 : index
    %get3A_24 = arith.constant 0 : index
    %get3A_25 = vector.load %arg4[%get3A_23, %get3A_24] : memref<1x128xf32, #tpu.memory_space<vmem>>, vector<1x128xf32>
    %add3A_26 = vector.broadcast %get3A_25 : vector<1x128xf32> to vector<2048x128xf32>
    %add3A_27 = arith.addf %dot_general3A_22, %add3A_26 : vector<2048x128xf32>
    %get3A_28 = arith.constant 0 : index
    %get3A_29 = arith.constant 0 : index
    %get3A_30 = vector.load %arg5[%get3A_28, %get3A_29] : memref<128x128xf32, #tpu.memory_space<vmem>>, vector<128x128xf32>
    %dot_general3A_31 = arith.constant dense<0.000000e+00> : vector<2048x128xf32>
    %dot_general3A_32 = tpu.matmul %add3A, %get3A_30, %dot_general3A_31 {dimension_numbers = #tpu.dot_dimension_numbers<[1], [1], [0], [0], [0, 0, 1, 0], [], []>, transpose_lhs_hint = false} : vector<2048x128xf32>, vector<128x128xf32>, vector<2048x128xf32> -> vector<2048x128xf32>
    %get3A_33 = arith.constant 0 : index
    %get3A_34 = arith.constant 0 : index
    %get3A_35 = vector.load %arg6[%get3A_33, %get3A_34] : memref<1x128xf32, #tpu.memory_space<vmem>>, vector<1x128xf32>
    %add3A_36 = vector.broadcast %get3A_35 : vector<1x128xf32> to vector<2048x128xf32>
    %add3A_37 = arith.addf %dot_general3A_32, %add3A_36 : vector<2048x128xf32>
    %iota3A = tpu.iota {dimensions = array<i32: 0>} : vector<128x128xi32>
    %jit3A = arith.constant 16 : i32
    %div3A = vector.broadcast %jit3A : i32 to vector<128x128xi32>
    %div3A_38 = arith.divsi %iota3A, %div3A : vector<128x128xi32>
    %sign3A = arith.constant 0 : i32
    %sign3A_39 = vector.broadcast %sign3A : i32 to vector<128x128xi32>
    %sign3A_40 = arith.cmpi sgt, %iota3A, %sign3A_39 : vector<128x128xi32>
    %sign3A_41 = arith.extui %sign3A_40 : vector<128x128xi1> to vector<128x128xi32>
    %sign3A_42 = arith.constant 0 : i32
    %sign3A_43 = vector.broadcast %sign3A_42 : i32 to vector<128x128xi32>
    %sign3A_44 = arith.cmpi slt, %iota3A, %sign3A_43 : vector<128x128xi32>
    %sign3A_45 = arith.extui %sign3A_44 : vector<128x128xi1> to vector<128x128xi32>
    %sign3A_46 = arith.subi %sign3A_41, %sign3A_45 : vector<128x128xi32>
    %sign3A_47 = arith.constant 0 : i32
    %sign3A_48 = arith.cmpi sgt, %jit3A, %sign3A_47 : i32
    %sign3A_49 = arith.extui %sign3A_48 : i1 to i32
    %sign3A_50 = arith.constant 0 : i32
    %sign3A_51 = arith.cmpi slt, %jit3A, %sign3A_50 : i32
    %sign3A_52 = arith.extui %sign3A_51 : i1 to i32
    %sign3A_53 = arith.subi %sign3A_49, %sign3A_52 : i32
    %ne3A = vector.broadcast %sign3A_53 : i32 to vector<128x128xi32>
    %ne3A_54 = arith.cmpi ne, %sign3A_46, %ne3A : vector<128x128xi32>
    %rem3A = vector.broadcast %jit3A : i32 to vector<128x128xi32>
    %rem3A_55 = arith.remsi %iota3A, %rem3A : vector<128x128xi32>
    %ne3A_56 = arith.constant 0 : i32
    %ne3A_57 = vector.broadcast %ne3A_56 : i32 to vector<128x128xi32>
    %ne3A_58 = arith.cmpi ne, %rem3A_55, %ne3A_57 : vector<128x128xi32>
    %and3A = arith.andi %ne3A_54, %ne3A_58 : vector<128x128xi1>
    %sub3A = arith.constant 1 : i32
    %sub3A_59 = vector.broadcast %sub3A : i32 to vector<128x128xi32>
    %sub3A_60 = arith.subi %div3A_38, %sub3A_59 : vector<128x128xi32>
    %select_n3A = arith.select %and3A, %sub3A_60, %div3A_38 : vector<128x128xi1>, vector<128x128xi32>
    %iota3A_61 = tpu.iota {dimensions = array<i32: 1>} : vector<128x128xi32>
    %jit3A_62 = arith.constant 16 : i32
    %div3A_63 = vector.broadcast %jit3A_62 : i32 to vector<128x128xi32>
    %div3A_64 = arith.divsi %iota3A_61, %div3A_63 : vector<128x128xi32>
    %sign3A_65 = arith.constant 0 : i32
    %sign3A_66 = vector.broadcast %sign3A_65 : i32 to vector<128x128xi32>
    %sign3A_67 = arith.cmpi sgt, %iota3A_61, %sign3A_66 : vector<128x128xi32>
    %sign3A_68 = arith.extui %sign3A_67 : vector<128x128xi1> to vector<128x128xi32>
    %sign3A_69 = arith.constant 0 : i32
    %sign3A_70 = vector.broadcast %sign3A_69 : i32 to vector<128x128xi32>
    %sign3A_71 = arith.cmpi slt, %iota3A_61, %sign3A_70 : vector<128x128xi32>
    %sign3A_72 = arith.extui %sign3A_71 : vector<128x128xi1> to vector<128x128xi32>
    %sign3A_73 = arith.subi %sign3A_68, %sign3A_72 : vector<128x128xi32>
    %sign3A_74 = arith.constant 0 : i32
    %sign3A_75 = arith.cmpi sgt, %jit3A_62, %sign3A_74 : i32
    %sign3A_76 = arith.extui %sign3A_75 : i1 to i32
    %sign3A_77 = arith.constant 0 : i32
    %sign3A_78 = arith.cmpi slt, %jit3A_62, %sign3A_77 : i32
    %sign3A_79 = arith.extui %sign3A_78 : i1 to i32
    %sign3A_80 = arith.subi %sign3A_76, %sign3A_79 : i32
    %ne3A_81 = vector.broadcast %sign3A_80 : i32 to vector<128x128xi32>
    %ne3A_82 = arith.cmpi ne, %sign3A_73, %ne3A_81 : vector<128x128xi32>
    %rem3A_83 = vector.broadcast %jit3A_62 : i32 to vector<128x128xi32>
    %rem3A_84 = arith.remsi %iota3A_61, %rem3A_83 : vector<128x128xi32>
    %ne3A_85 = arith.constant 0 : i32
    %ne3A_86 = vector.broadcast %ne3A_85 : i32 to vector<128x128xi32>
    %ne3A_87 = arith.cmpi ne, %rem3A_84, %ne3A_86 : vector<128x128xi32>
    %and3A_88 = arith.andi %ne3A_82, %ne3A_87 : vector<128x128xi1>
    %sub3A_89 = arith.constant 1 : i32
    %sub3A_90 = vector.broadcast %sub3A_89 : i32 to vector<128x128xi32>
    %sub3A_91 = arith.subi %div3A_64, %sub3A_90 : vector<128x128xi32>
    %select_n3A_92 = arith.select %and3A_88, %sub3A_91, %div3A_64 : vector<128x128xi1>, vector<128x128xi32>
    %eq3A = arith.cmpi eq, %select_n3A, %select_n3A_92 : vector<128x128xi32>
    %convert_element_type3A = arith.extui %eq3A : vector<128x128xi1> to vector<128x128xi32>
    %convert_element_type3A_93 = arith.sitofp %convert_element_type3A : vector<128x128xi32> to vector<128x128xf32>
    %broadcast_in_dim3A = arith.constant 0.000000e+00 : f32
    %broadcast_in_dim3A_94 = vector.broadcast %broadcast_in_dim3A : f32 to vector<512x128xf32>
    %slice3A = vector.extract_strided_slice %add3A_17 {offsets = [0, 0], sizes = [512, 128], strides = [1, 1]} : vector<2048x128xf32> to vector<512x128xf32>
    %broadcast_in_dim3A_95 = arith.constant 0.000000e+00 : f32
    %broadcast_in_dim3A_96 = vector.broadcast %broadcast_in_dim3A_95 : f32 to vector<512x128xf32>
    %slice3A_97 = vector.extract_strided_slice %add3A_27 {offsets = [0, 0], sizes = [512, 128], strides = [1, 1]} : vector<2048x128xf32> to vector<512x128xf32>
    %mul3A = arith.mulf %slice3A, %slice3A_97 : vector<512x128xf32>
    %dot_general3A_98 = arith.constant dense<0.000000e+00> : vector<512x128xf32>
    %dot_general3A_99 = tpu.matmul %mul3A, %convert_element_type3A_93, %dot_general3A_98 {dimension_numbers = #tpu.dot_dimension_numbers<[1], [0], [0], [1], [0, 0, 1, 1], [], []>, transpose_lhs_hint = false} : vector<512x128xf32>, vector<128x128xf32>, vector<512x128xf32> -> vector<512x128xf32>
    %logistic3A = arith.negf %dot_general3A_99 : vector<512x128xf32>
    %logistic3A_100 = math.exp %logistic3A : vector<512x128xf32>
    %logistic3A_101 = arith.constant 1.000000e+00 : f32
    %logistic3A_102 = vector.broadcast %logistic3A_101 : f32 to vector<512x128xf32>
    %logistic3A_103 = arith.addf %logistic3A_102, %logistic3A_100 : vector<512x128xf32>
    %logistic3A_104 = arith.divf %logistic3A_102, %logistic3A_103 : vector<512x128xf32>
    %mul3A_105 = arith.mulf %dot_general3A_99, %logistic3A_104 : vector<512x128xf32>
    %slice3A_106 = vector.extract_strided_slice %add3A_37 {offsets = [0, 0], sizes = [512, 128], strides = [1, 1]} : vector<2048x128xf32> to vector<512x128xf32>
    %mul3A_107 = arith.mulf %mul3A_105, %slice3A_106 : vector<512x128xf32>
    %add3A_108 = arith.addf %broadcast_in_dim3A_96, %mul3A_107 : vector<512x128xf32>
    %slice3A_109 = vector.extract_strided_slice %add3A_27 {offsets = [512, 0], sizes = [512, 128], strides = [1, 1]} : vector<2048x128xf32> to vector<512x128xf32>
    %mul3A_110 = arith.mulf %slice3A, %slice3A_109 : vector<512x128xf32>
    %dot_general3A_111 = arith.constant dense<0.000000e+00> : vector<512x128xf32>
    %dot_general3A_112 = tpu.matmul %mul3A_110, %convert_element_type3A_93, %dot_general3A_111 {dimension_numbers = #tpu.dot_dimension_numbers<[1], [0], [0], [1], [0, 0, 1, 1], [], []>, transpose_lhs_hint = false} : vector<512x128xf32>, vector<128x128xf32>, vector<512x128xf32> -> vector<512x128xf32>
    %logistic3A_113 = arith.negf %dot_general3A_112 : vector<512x128xf32>
    %logistic3A_114 = math.exp %logistic3A_113 : vector<512x128xf32>
    %logistic3A_115 = arith.constant 1.000000e+00 : f32
    %logistic3A_116 = vector.broadcast %logistic3A_115 : f32 to vector<512x128xf32>
    %logistic3A_117 = arith.addf %logistic3A_116, %logistic3A_114 : vector<512x128xf32>
    %logistic3A_118 = arith.divf %logistic3A_116, %logistic3A_117 : vector<512x128xf32>
    %mul3A_119 = arith.mulf %dot_general3A_112, %logistic3A_118 : vector<512x128xf32>
    %slice3A_120 = vector.extract_strided_slice %add3A_37 {offsets = [512, 0], sizes = [512, 128], strides = [1, 1]} : vector<2048x128xf32> to vector<512x128xf32>
    %mul3A_121 = arith.mulf %mul3A_119, %slice3A_120 : vector<512x128xf32>
    %add3A_122 = arith.addf %add3A_108, %mul3A_121 : vector<512x128xf32>
    %slice3A_123 = vector.extract_strided_slice %add3A_27 {offsets = [1024, 0], sizes = [512, 128], strides = [1, 1]} : vector<2048x128xf32> to vector<512x128xf32>
    %mul3A_124 = arith.mulf %slice3A, %slice3A_123 : vector<512x128xf32>
    %dot_general3A_125 = arith.constant dense<0.000000e+00> : vector<512x128xf32>
    %dot_general3A_126 = tpu.matmul %mul3A_124, %convert_element_type3A_93, %dot_general3A_125 {dimension_numbers = #tpu.dot_dimension_numbers<[1], [0], [0], [1], [0, 0, 1, 1], [], []>, transpose_lhs_hint = false} : vector<512x128xf32>, vector<128x128xf32>, vector<512x128xf32> -> vector<512x128xf32>
    %logistic3A_127 = arith.negf %dot_general3A_126 : vector<512x128xf32>
    %logistic3A_128 = math.exp %logistic3A_127 : vector<512x128xf32>
    %logistic3A_129 = arith.constant 1.000000e+00 : f32
    %logistic3A_130 = vector.broadcast %logistic3A_129 : f32 to vector<512x128xf32>
    %logistic3A_131 = arith.addf %logistic3A_130, %logistic3A_128 : vector<512x128xf32>
    %logistic3A_132 = arith.divf %logistic3A_130, %logistic3A_131 : vector<512x128xf32>
    %mul3A_133 = arith.mulf %dot_general3A_126, %logistic3A_132 : vector<512x128xf32>
    %slice3A_134 = vector.extract_strided_slice %add3A_37 {offsets = [1024, 0], sizes = [512, 128], strides = [1, 1]} : vector<2048x128xf32> to vector<512x128xf32>
    %mul3A_135 = arith.mulf %mul3A_133, %slice3A_134 : vector<512x128xf32>
    %add3A_136 = arith.addf %add3A_122, %mul3A_135 : vector<512x128xf32>
    %slice3A_137 = vector.extract_strided_slice %add3A_27 {offsets = [1536, 0], sizes = [512, 128], strides = [1, 1]} : vector<2048x128xf32> to vector<512x128xf32>
    %mul3A_138 = arith.mulf %slice3A, %slice3A_137 : vector<512x128xf32>
    %dot_general3A_139 = arith.constant dense<0.000000e+00> : vector<512x128xf32>
    %dot_general3A_140 = tpu.matmul %mul3A_138, %convert_element_type3A_93, %dot_general3A_139 {dimension_numbers = #tpu.dot_dimension_numbers<[1], [0], [0], [1], [0, 0, 1, 1], [], []>, transpose_lhs_hint = false} : vector<512x128xf32>, vector<128x128xf32>, vector<512x128xf32> -> vector<512x128xf32>
    %logistic3A_141 = arith.negf %dot_general3A_140 : vector<512x128xf32>
    %logistic3A_142 = math.exp %logistic3A_141 : vector<512x128xf32>
    %logistic3A_143 = arith.constant 1.000000e+00 : f32
    %logistic3A_144 = vector.broadcast %logistic3A_143 : f32 to vector<512x128xf32>
    %logistic3A_145 = arith.addf %logistic3A_144, %logistic3A_142 : vector<512x128xf32>
    %logistic3A_146 = arith.divf %logistic3A_144, %logistic3A_145 : vector<512x128xf32>
    %mul3A_147 = arith.mulf %dot_general3A_140, %logistic3A_146 : vector<512x128xf32>
    %slice3A_148 = vector.extract_strided_slice %add3A_37 {offsets = [1536, 0], sizes = [512, 128], strides = [1, 1]} : vector<2048x128xf32> to vector<512x128xf32>
    %mul3A_149 = arith.mulf %mul3A_147, %slice3A_148 : vector<512x128xf32>
    %add3A_150 = arith.addf %add3A_136, %mul3A_149 : vector<512x128xf32>
    %get3A_151 = arith.constant 0 : index
    %get3A_152 = arith.constant 0 : index
    %get3A_153 = vector.load %arg7[%get3A_151, %get3A_152] : memref<128x128xf32, #tpu.memory_space<vmem>>, vector<128x128xf32>
    %dot_general3A_154 = arith.constant dense<0.000000e+00> : vector<512x128xf32>
    %dot_general3A_155 = tpu.matmul %add3A_150, %get3A_153, %dot_general3A_154 {dimension_numbers = #tpu.dot_dimension_numbers<[1], [1], [0], [0], [0, 0, 1, 0], [], []>, transpose_lhs_hint = false} : vector<512x128xf32>, vector<128x128xf32>, vector<512x128xf32> -> vector<512x128xf32>
    %add3A_156 = arith.addf %broadcast_in_dim3A_94, %dot_general3A_155 : vector<512x128xf32>
    %get3A_157 = arith.constant 0 : index
    %get3A_158 = arith.constant 0 : index
    %get3A_159 = vector.load %arg8[%get3A_157, %get3A_158] : memref<1x128xf32, #tpu.memory_space<vmem>>, vector<1x128xf32>
    %add3A_160 = vector.broadcast %get3A_159 : vector<1x128xf32> to vector<512x128xf32>
    %add3A_161 = arith.addf %add3A_156, %add3A_160 : vector<512x128xf32>
    %slice3A_162 = vector.extract_strided_slice %add3A_17 {offsets = [512, 0], sizes = [512, 128], strides = [1, 1]} : vector<2048x128xf32> to vector<512x128xf32>
    %broadcast_in_dim3A_163 = arith.constant 0.000000e+00 : f32
    %broadcast_in_dim3A_164 = vector.broadcast %broadcast_in_dim3A_163 : f32 to vector<512x128xf32>
    %slice3A_165 = vector.extract_strided_slice %add3A_27 {offsets = [0, 0], sizes = [512, 128], strides = [1, 1]} : vector<2048x128xf32> to vector<512x128xf32>
    %mul3A_166 = arith.mulf %slice3A_162, %slice3A_165 : vector<512x128xf32>
    %dot_general3A_167 = arith.constant dense<0.000000e+00> : vector<512x128xf32>
    %dot_general3A_168 = tpu.matmul %mul3A_166, %convert_element_type3A_93, %dot_general3A_167 {dimension_numbers = #tpu.dot_dimension_numbers<[1], [0], [0], [1], [0, 0, 1, 1], [], []>, transpose_lhs_hint = false} : vector<512x128xf32>, vector<128x128xf32>, vector<512x128xf32> -> vector<512x128xf32>
    %logistic3A_169 = arith.negf %dot_general3A_168 : vector<512x128xf32>
    %logistic3A_170 = math.exp %logistic3A_169 : vector<512x128xf32>
    %logistic3A_171 = arith.constant 1.000000e+00 : f32
    %logistic3A_172 = vector.broadcast %logistic3A_171 : f32 to vector<512x128xf32>
    %logistic3A_173 = arith.addf %logistic3A_172, %logistic3A_170 : vector<512x128xf32>
    %logistic3A_174 = arith.divf %logistic3A_172, %logistic3A_173 : vector<512x128xf32>
    %mul3A_175 = arith.mulf %dot_general3A_168, %logistic3A_174 : vector<512x128xf32>
    %slice3A_176 = vector.extract_strided_slice %add3A_37 {offsets = [0, 0], sizes = [512, 128], strides = [1, 1]} : vector<2048x128xf32> to vector<512x128xf32>
    %mul3A_177 = arith.mulf %mul3A_175, %slice3A_176 : vector<512x128xf32>
    %add3A_178 = arith.addf %broadcast_in_dim3A_164, %mul3A_177 : vector<512x128xf32>
    %slice3A_179 = vector.extract_strided_slice %add3A_27 {offsets = [512, 0], sizes = [512, 128], strides = [1, 1]} : vector<2048x128xf32> to vector<512x128xf32>
    %mul3A_180 = arith.mulf %slice3A_162, %slice3A_179 : vector<512x128xf32>
    %dot_general3A_181 = arith.constant dense<0.000000e+00> : vector<512x128xf32>
    %dot_general3A_182 = tpu.matmul %mul3A_180, %convert_element_type3A_93, %dot_general3A_181 {dimension_numbers = #tpu.dot_dimension_numbers<[1], [0], [0], [1], [0, 0, 1, 1], [], []>, transpose_lhs_hint = false} : vector<512x128xf32>, vector<128x128xf32>, vector<512x128xf32> -> vector<512x128xf32>
    %logistic3A_183 = arith.negf %dot_general3A_182 : vector<512x128xf32>
    %logistic3A_184 = math.exp %logistic3A_183 : vector<512x128xf32>
    %logistic3A_185 = arith.constant 1.000000e+00 : f32
    %logistic3A_186 = vector.broadcast %logistic3A_185 : f32 to vector<512x128xf32>
    %logistic3A_187 = arith.addf %logistic3A_186, %logistic3A_184 : vector<512x128xf32>
    %logistic3A_188 = arith.divf %logistic3A_186, %logistic3A_187 : vector<512x128xf32>
    %mul3A_189 = arith.mulf %dot_general3A_182, %logistic3A_188 : vector<512x128xf32>
    %slice3A_190 = vector.extract_strided_slice %add3A_37 {offsets = [512, 0], sizes = [512, 128], strides = [1, 1]} : vector<2048x128xf32> to vector<512x128xf32>
    %mul3A_191 = arith.mulf %mul3A_189, %slice3A_190 : vector<512x128xf32>
    %add3A_192 = arith.addf %add3A_178, %mul3A_191 : vector<512x128xf32>
    %slice3A_193 = vector.extract_strided_slice %add3A_27 {offsets = [1024, 0], sizes = [512, 128], strides = [1, 1]} : vector<2048x128xf32> to vector<512x128xf32>
    %mul3A_194 = arith.mulf %slice3A_162, %slice3A_193 : vector<512x128xf32>
    %dot_general3A_195 = arith.constant dense<0.000000e+00> : vector<512x128xf32>
    %dot_general3A_196 = tpu.matmul %mul3A_194, %convert_element_type3A_93, %dot_general3A_195 {dimension_numbers = #tpu.dot_dimension_numbers<[1], [0], [0], [1], [0, 0, 1, 1], [], []>, transpose_lhs_hint = false} : vector<512x128xf32>, vector<128x128xf32>, vector<512x128xf32> -> vector<512x128xf32>
    %logistic3A_197 = arith.negf %dot_general3A_196 : vector<512x128xf32>
    %logistic3A_198 = math.exp %logistic3A_197 : vector<512x128xf32>
    %logistic3A_199 = arith.constant 1.000000e+00 : f32
    %logistic3A_200 = vector.broadcast %logistic3A_199 : f32 to vector<512x128xf32>
    %logistic3A_201 = arith.addf %logistic3A_200, %logistic3A_198 : vector<512x128xf32>
    %logistic3A_202 = arith.divf %logistic3A_200, %logistic3A_201 : vector<512x128xf32>
    %mul3A_203 = arith.mulf %dot_general3A_196, %logistic3A_202 : vector<512x128xf32>
    %slice3A_204 = vector.extract_strided_slice %add3A_37 {offsets = [1024, 0], sizes = [512, 128], strides = [1, 1]} : vector<2048x128xf32> to vector<512x128xf32>
    %mul3A_205 = arith.mulf %mul3A_203, %slice3A_204 : vector<512x128xf32>
    %add3A_206 = arith.addf %add3A_192, %mul3A_205 : vector<512x128xf32>
    %slice3A_207 = vector.extract_strided_slice %add3A_27 {offsets = [1536, 0], sizes = [512, 128], strides = [1, 1]} : vector<2048x128xf32> to vector<512x128xf32>
    %mul3A_208 = arith.mulf %slice3A_162, %slice3A_207 : vector<512x128xf32>
    %dot_general3A_209 = arith.constant dense<0.000000e+00> : vector<512x128xf32>
    %dot_general3A_210 = tpu.matmul %mul3A_208, %convert_element_type3A_93, %dot_general3A_209 {dimension_numbers = #tpu.dot_dimension_numbers<[1], [0], [0], [1], [0, 0, 1, 1], [], []>, transpose_lhs_hint = false} : vector<512x128xf32>, vector<128x128xf32>, vector<512x128xf32> -> vector<512x128xf32>
    %logistic3A_211 = arith.negf %dot_general3A_210 : vector<512x128xf32>
    %logistic3A_212 = math.exp %logistic3A_211 : vector<512x128xf32>
    %logistic3A_213 = arith.constant 1.000000e+00 : f32
    %logistic3A_214 = vector.broadcast %logistic3A_213 : f32 to vector<512x128xf32>
    %logistic3A_215 = arith.addf %logistic3A_214, %logistic3A_212 : vector<512x128xf32>
    %logistic3A_216 = arith.divf %logistic3A_214, %logistic3A_215 : vector<512x128xf32>
    %mul3A_217 = arith.mulf %dot_general3A_210, %logistic3A_216 : vector<512x128xf32>
    %slice3A_218 = vector.extract_strided_slice %add3A_37 {offsets = [1536, 0], sizes = [512, 128], strides = [1, 1]} : vector<2048x128xf32> to vector<512x128xf32>
    %mul3A_219 = arith.mulf %mul3A_217, %slice3A_218 : vector<512x128xf32>
    %add3A_220 = arith.addf %add3A_206, %mul3A_219 : vector<512x128xf32>
    %get3A_221 = arith.constant 0 : index
    %get3A_222 = arith.constant 0 : index
    %get3A_223 = vector.load %arg7[%get3A_221, %get3A_222] : memref<128x128xf32, #tpu.memory_space<vmem>>, vector<128x128xf32>
    %dot_general3A_224 = arith.constant dense<0.000000e+00> : vector<512x128xf32>
    %dot_general3A_225 = tpu.matmul %add3A_220, %get3A_223, %dot_general3A_224 {dimension_numbers = #tpu.dot_dimension_numbers<[1], [1], [0], [0], [0, 0, 1, 0], [], []>, transpose_lhs_hint = false} : vector<512x128xf32>, vector<128x128xf32>, vector<512x128xf32> -> vector<512x128xf32>
    %add3A_226 = arith.addf %add3A_161, %dot_general3A_225 : vector<512x128xf32>
    %get3A_227 = arith.constant 0 : index
    %get3A_228 = arith.constant 0 : index
    %get3A_229 = vector.load %arg8[%get3A_227, %get3A_228] : memref<1x128xf32, #tpu.memory_space<vmem>>, vector<1x128xf32>
    %add3A_230 = vector.broadcast %get3A_229 : vector<1x128xf32> to vector<512x128xf32>
    %add3A_231 = arith.addf %add3A_226, %add3A_230 : vector<512x128xf32>
    %slice3A_232 = vector.extract_strided_slice %add3A_17 {offsets = [1024, 0], sizes = [512, 128], strides = [1, 1]} : vector<2048x128xf32> to vector<512x128xf32>
    %broadcast_in_dim3A_233 = arith.constant 0.000000e+00 : f32
    %broadcast_in_dim3A_234 = vector.broadcast %broadcast_in_dim3A_233 : f32 to vector<512x128xf32>
    %slice3A_235 = vector.extract_strided_slice %add3A_27 {offsets = [0, 0], sizes = [512, 128], strides = [1, 1]} : vector<2048x128xf32> to vector<512x128xf32>
    %mul3A_236 = arith.mulf %slice3A_232, %slice3A_235 : vector<512x128xf32>
    %dot_general3A_237 = arith.constant dense<0.000000e+00> : vector<512x128xf32>
    %dot_general3A_238 = tpu.matmul %mul3A_236, %convert_element_type3A_93, %dot_general3A_237 {dimension_numbers = #tpu.dot_dimension_numbers<[1], [0], [0], [1], [0, 0, 1, 1], [], []>, transpose_lhs_hint = false} : vector<512x128xf32>, vector<128x128xf32>, vector<512x128xf32> -> vector<512x128xf32>
    %logistic3A_239 = arith.negf %dot_general3A_238 : vector<512x128xf32>
    %logistic3A_240 = math.exp %logistic3A_239 : vector<512x128xf32>
    %logistic3A_241 = arith.constant 1.000000e+00 : f32
    %logistic3A_242 = vector.broadcast %logistic3A_241 : f32 to vector<512x128xf32>
    %logistic3A_243 = arith.addf %logistic3A_242, %logistic3A_240 : vector<512x128xf32>
    %logistic3A_244 = arith.divf %logistic3A_242, %logistic3A_243 : vector<512x128xf32>
    %mul3A_245 = arith.mulf %dot_general3A_238, %logistic3A_244 : vector<512x128xf32>
    %slice3A_246 = vector.extract_strided_slice %add3A_37 {offsets = [0, 0], sizes = [512, 128], strides = [1, 1]} : vector<2048x128xf32> to vector<512x128xf32>
    %mul3A_247 = arith.mulf %mul3A_245, %slice3A_246 : vector<512x128xf32>
    %add3A_248 = arith.addf %broadcast_in_dim3A_234, %mul3A_247 : vector<512x128xf32>
    %slice3A_249 = vector.extract_strided_slice %add3A_27 {offsets = [512, 0], sizes = [512, 128], strides = [1, 1]} : vector<2048x128xf32> to vector<512x128xf32>
    %mul3A_250 = arith.mulf %slice3A_232, %slice3A_249 : vector<512x128xf32>
    %dot_general3A_251 = arith.constant dense<0.000000e+00> : vector<512x128xf32>
    %dot_general3A_252 = tpu.matmul %mul3A_250, %convert_element_type3A_93, %dot_general3A_251 {dimension_numbers = #tpu.dot_dimension_numbers<[1], [0], [0], [1], [0, 0, 1, 1], [], []>, transpose_lhs_hint = false} : vector<512x128xf32>, vector<128x128xf32>, vector<512x128xf32> -> vector<512x128xf32>
    %logistic3A_253 = arith.negf %dot_general3A_252 : vector<512x128xf32>
    %logistic3A_254 = math.exp %logistic3A_253 : vector<512x128xf32>
    %logistic3A_255 = arith.constant 1.000000e+00 : f32
    %logistic3A_256 = vector.broadcast %logistic3A_255 : f32 to vector<512x128xf32>
    %logistic3A_257 = arith.addf %logistic3A_256, %logistic3A_254 : vector<512x128xf32>
    %logistic3A_258 = arith.divf %logistic3A_256, %logistic3A_257 : vector<512x128xf32>
    %mul3A_259 = arith.mulf %dot_general3A_252, %logistic3A_258 : vector<512x128xf32>
    %slice3A_260 = vector.extract_strided_slice %add3A_37 {offsets = [512, 0], sizes = [512, 128], strides = [1, 1]} : vector<2048x128xf32> to vector<512x128xf32>
    %mul3A_261 = arith.mulf %mul3A_259, %slice3A_260 : vector<512x128xf32>
    %add3A_262 = arith.addf %add3A_248, %mul3A_261 : vector<512x128xf32>
    %slice3A_263 = vector.extract_strided_slice %add3A_27 {offsets = [1024, 0], sizes = [512, 128], strides = [1, 1]} : vector<2048x128xf32> to vector<512x128xf32>
    %mul3A_264 = arith.mulf %slice3A_232, %slice3A_263 : vector<512x128xf32>
    %dot_general3A_265 = arith.constant dense<0.000000e+00> : vector<512x128xf32>
    %dot_general3A_266 = tpu.matmul %mul3A_264, %convert_element_type3A_93, %dot_general3A_265 {dimension_numbers = #tpu.dot_dimension_numbers<[1], [0], [0], [1], [0, 0, 1, 1], [], []>, transpose_lhs_hint = false} : vector<512x128xf32>, vector<128x128xf32>, vector<512x128xf32> -> vector<512x128xf32>
    %logistic3A_267 = arith.negf %dot_general3A_266 : vector<512x128xf32>
    %logistic3A_268 = math.exp %logistic3A_267 : vector<512x128xf32>
    %logistic3A_269 = arith.constant 1.000000e+00 : f32
    %logistic3A_270 = vector.broadcast %logistic3A_269 : f32 to vector<512x128xf32>
    %logistic3A_271 = arith.addf %logistic3A_270, %logistic3A_268 : vector<512x128xf32>
    %logistic3A_272 = arith.divf %logistic3A_270, %logistic3A_271 : vector<512x128xf32>
    %mul3A_273 = arith.mulf %dot_general3A_266, %logistic3A_272 : vector<512x128xf32>
    %slice3A_274 = vector.extract_strided_slice %add3A_37 {offsets = [1024, 0], sizes = [512, 128], strides = [1, 1]} : vector<2048x128xf32> to vector<512x128xf32>
    %mul3A_275 = arith.mulf %mul3A_273, %slice3A_274 : vector<512x128xf32>
    %add3A_276 = arith.addf %add3A_262, %mul3A_275 : vector<512x128xf32>
    %slice3A_277 = vector.extract_strided_slice %add3A_27 {offsets = [1536, 0], sizes = [512, 128], strides = [1, 1]} : vector<2048x128xf32> to vector<512x128xf32>
    %mul3A_278 = arith.mulf %slice3A_232, %slice3A_277 : vector<512x128xf32>
    %dot_general3A_279 = arith.constant dense<0.000000e+00> : vector<512x128xf32>
    %dot_general3A_280 = tpu.matmul %mul3A_278, %convert_element_type3A_93, %dot_general3A_279 {dimension_numbers = #tpu.dot_dimension_numbers<[1], [0], [0], [1], [0, 0, 1, 1], [], []>, transpose_lhs_hint = false} : vector<512x128xf32>, vector<128x128xf32>, vector<512x128xf32> -> vector<512x128xf32>
    %logistic3A_281 = arith.negf %dot_general3A_280 : vector<512x128xf32>
    %logistic3A_282 = math.exp %logistic3A_281 : vector<512x128xf32>
    %logistic3A_283 = arith.constant 1.000000e+00 : f32
    %logistic3A_284 = vector.broadcast %logistic3A_283 : f32 to vector<512x128xf32>
    %logistic3A_285 = arith.addf %logistic3A_284, %logistic3A_282 : vector<512x128xf32>
    %logistic3A_286 = arith.divf %logistic3A_284, %logistic3A_285 : vector<512x128xf32>
    %mul3A_287 = arith.mulf %dot_general3A_280, %logistic3A_286 : vector<512x128xf32>
    %slice3A_288 = vector.extract_strided_slice %add3A_37 {offsets = [1536, 0], sizes = [512, 128], strides = [1, 1]} : vector<2048x128xf32> to vector<512x128xf32>
    %mul3A_289 = arith.mulf %mul3A_287, %slice3A_288 : vector<512x128xf32>
    %add3A_290 = arith.addf %add3A_276, %mul3A_289 : vector<512x128xf32>
    %get3A_291 = arith.constant 0 : index
    %get3A_292 = arith.constant 0 : index
    %get3A_293 = vector.load %arg7[%get3A_291, %get3A_292] : memref<128x128xf32, #tpu.memory_space<vmem>>, vector<128x128xf32>
    %dot_general3A_294 = arith.constant dense<0.000000e+00> : vector<512x128xf32>
    %dot_general3A_295 = tpu.matmul %add3A_290, %get3A_293, %dot_general3A_294 {dimension_numbers = #tpu.dot_dimension_numbers<[1], [1], [0], [0], [0, 0, 1, 0], [], []>, transpose_lhs_hint = false} : vector<512x128xf32>, vector<128x128xf32>, vector<512x128xf32> -> vector<512x128xf32>
    %add3A_296 = arith.addf %add3A_231, %dot_general3A_295 : vector<512x128xf32>
    %get3A_297 = arith.constant 0 : index
    %get3A_298 = arith.constant 0 : index
    %get3A_299 = vector.load %arg8[%get3A_297, %get3A_298] : memref<1x128xf32, #tpu.memory_space<vmem>>, vector<1x128xf32>
    %add3A_300 = vector.broadcast %get3A_299 : vector<1x128xf32> to vector<512x128xf32>
    %add3A_301 = arith.addf %add3A_296, %add3A_300 : vector<512x128xf32>
    %slice3A_302 = vector.extract_strided_slice %add3A_17 {offsets = [1536, 0], sizes = [512, 128], strides = [1, 1]} : vector<2048x128xf32> to vector<512x128xf32>
    %broadcast_in_dim3A_303 = arith.constant 0.000000e+00 : f32
    %broadcast_in_dim3A_304 = vector.broadcast %broadcast_in_dim3A_303 : f32 to vector<512x128xf32>
    %slice3A_305 = vector.extract_strided_slice %add3A_27 {offsets = [0, 0], sizes = [512, 128], strides = [1, 1]} : vector<2048x128xf32> to vector<512x128xf32>
    %mul3A_306 = arith.mulf %slice3A_302, %slice3A_305 : vector<512x128xf32>
    %dot_general3A_307 = arith.constant dense<0.000000e+00> : vector<512x128xf32>
    %dot_general3A_308 = tpu.matmul %mul3A_306, %convert_element_type3A_93, %dot_general3A_307 {dimension_numbers = #tpu.dot_dimension_numbers<[1], [0], [0], [1], [0, 0, 1, 1], [], []>, transpose_lhs_hint = false} : vector<512x128xf32>, vector<128x128xf32>, vector<512x128xf32> -> vector<512x128xf32>
    %logistic3A_309 = arith.negf %dot_general3A_308 : vector<512x128xf32>
    %logistic3A_310 = math.exp %logistic3A_309 : vector<512x128xf32>
    %logistic3A_311 = arith.constant 1.000000e+00 : f32
    %logistic3A_312 = vector.broadcast %logistic3A_311 : f32 to vector<512x128xf32>
    %logistic3A_313 = arith.addf %logistic3A_312, %logistic3A_310 : vector<512x128xf32>
    %logistic3A_314 = arith.divf %logistic3A_312, %logistic3A_313 : vector<512x128xf32>
    %mul3A_315 = arith.mulf %dot_general3A_308, %logistic3A_314 : vector<512x128xf32>
    %slice3A_316 = vector.extract_strided_slice %add3A_37 {offsets = [0, 0], sizes = [512, 128], strides = [1, 1]} : vector<2048x128xf32> to vector<512x128xf32>
    %mul3A_317 = arith.mulf %mul3A_315, %slice3A_316 : vector<512x128xf32>
    %add3A_318 = arith.addf %broadcast_in_dim3A_304, %mul3A_317 : vector<512x128xf32>
    %slice3A_319 = vector.extract_strided_slice %add3A_27 {offsets = [512, 0], sizes = [512, 128], strides = [1, 1]} : vector<2048x128xf32> to vector<512x128xf32>
    %mul3A_320 = arith.mulf %slice3A_302, %slice3A_319 : vector<512x128xf32>
    %dot_general3A_321 = arith.constant dense<0.000000e+00> : vector<512x128xf32>
    %dot_general3A_322 = tpu.matmul %mul3A_320, %convert_element_type3A_93, %dot_general3A_321 {dimension_numbers = #tpu.dot_dimension_numbers<[1], [0], [0], [1], [0, 0, 1, 1], [], []>, transpose_lhs_hint = false} : vector<512x128xf32>, vector<128x128xf32>, vector<512x128xf32> -> vector<512x128xf32>
    %logistic3A_323 = arith.negf %dot_general3A_322 : vector<512x128xf32>
    %logistic3A_324 = math.exp %logistic3A_323 : vector<512x128xf32>
    %logistic3A_325 = arith.constant 1.000000e+00 : f32
    %logistic3A_326 = vector.broadcast %logistic3A_325 : f32 to vector<512x128xf32>
    %logistic3A_327 = arith.addf %logistic3A_326, %logistic3A_324 : vector<512x128xf32>
    %logistic3A_328 = arith.divf %logistic3A_326, %logistic3A_327 : vector<512x128xf32>
    %mul3A_329 = arith.mulf %dot_general3A_322, %logistic3A_328 : vector<512x128xf32>
    %slice3A_330 = vector.extract_strided_slice %add3A_37 {offsets = [512, 0], sizes = [512, 128], strides = [1, 1]} : vector<2048x128xf32> to vector<512x128xf32>
    %mul3A_331 = arith.mulf %mul3A_329, %slice3A_330 : vector<512x128xf32>
    %add3A_332 = arith.addf %add3A_318, %mul3A_331 : vector<512x128xf32>
    %slice3A_333 = vector.extract_strided_slice %add3A_27 {offsets = [1024, 0], sizes = [512, 128], strides = [1, 1]} : vector<2048x128xf32> to vector<512x128xf32>
    %mul3A_334 = arith.mulf %slice3A_302, %slice3A_333 : vector<512x128xf32>
    %dot_general3A_335 = arith.constant dense<0.000000e+00> : vector<512x128xf32>
    %dot_general3A_336 = tpu.matmul %mul3A_334, %convert_element_type3A_93, %dot_general3A_335 {dimension_numbers = #tpu.dot_dimension_numbers<[1], [0], [0], [1], [0, 0, 1, 1], [], []>, transpose_lhs_hint = false} : vector<512x128xf32>, vector<128x128xf32>, vector<512x128xf32> -> vector<512x128xf32>
    %logistic3A_337 = arith.negf %dot_general3A_336 : vector<512x128xf32>
    %logistic3A_338 = math.exp %logistic3A_337 : vector<512x128xf32>
    %logistic3A_339 = arith.constant 1.000000e+00 : f32
    %logistic3A_340 = vector.broadcast %logistic3A_339 : f32 to vector<512x128xf32>
    %logistic3A_341 = arith.addf %logistic3A_340, %logistic3A_338 : vector<512x128xf32>
    %logistic3A_342 = arith.divf %logistic3A_340, %logistic3A_341 : vector<512x128xf32>
    %mul3A_343 = arith.mulf %dot_general3A_336, %logistic3A_342 : vector<512x128xf32>
    %slice3A_344 = vector.extract_strided_slice %add3A_37 {offsets = [1024, 0], sizes = [512, 128], strides = [1, 1]} : vector<2048x128xf32> to vector<512x128xf32>
    %mul3A_345 = arith.mulf %mul3A_343, %slice3A_344 : vector<512x128xf32>
    %add3A_346 = arith.addf %add3A_332, %mul3A_345 : vector<512x128xf32>
    %slice3A_347 = vector.extract_strided_slice %add3A_27 {offsets = [1536, 0], sizes = [512, 128], strides = [1, 1]} : vector<2048x128xf32> to vector<512x128xf32>
    %mul3A_348 = arith.mulf %slice3A_302, %slice3A_347 : vector<512x128xf32>
    %dot_general3A_349 = arith.constant dense<0.000000e+00> : vector<512x128xf32>
    %dot_general3A_350 = tpu.matmul %mul3A_348, %convert_element_type3A_93, %dot_general3A_349 {dimension_numbers = #tpu.dot_dimension_numbers<[1], [0], [0], [1], [0, 0, 1, 1], [], []>, transpose_lhs_hint = false} : vector<512x128xf32>, vector<128x128xf32>, vector<512x128xf32> -> vector<512x128xf32>
    %logistic3A_351 = arith.negf %dot_general3A_350 : vector<512x128xf32>
    %logistic3A_352 = math.exp %logistic3A_351 : vector<512x128xf32>
    %logistic3A_353 = arith.constant 1.000000e+00 : f32
    %logistic3A_354 = vector.broadcast %logistic3A_353 : f32 to vector<512x128xf32>
    %logistic3A_355 = arith.addf %logistic3A_354, %logistic3A_352 : vector<512x128xf32>
    %logistic3A_356 = arith.divf %logistic3A_354, %logistic3A_355 : vector<512x128xf32>
    %mul3A_357 = arith.mulf %dot_general3A_350, %logistic3A_356 : vector<512x128xf32>
    %slice3A_358 = vector.extract_strided_slice %add3A_37 {offsets = [1536, 0], sizes = [512, 128], strides = [1, 1]} : vector<2048x128xf32> to vector<512x128xf32>
    %mul3A_359 = arith.mulf %mul3A_357, %slice3A_358 : vector<512x128xf32>
    %add3A_360 = arith.addf %add3A_346, %mul3A_359 : vector<512x128xf32>
    %get3A_361 = arith.constant 0 : index
    %get3A_362 = arith.constant 0 : index
    %get3A_363 = vector.load %arg7[%get3A_361, %get3A_362] : memref<128x128xf32, #tpu.memory_space<vmem>>, vector<128x128xf32>
    %dot_general3A_364 = arith.constant dense<0.000000e+00> : vector<512x128xf32>
    %dot_general3A_365 = tpu.matmul %add3A_360, %get3A_363, %dot_general3A_364 {dimension_numbers = #tpu.dot_dimension_numbers<[1], [1], [0], [0], [0, 0, 1, 0], [], []>, transpose_lhs_hint = false} : vector<512x128xf32>, vector<128x128xf32>, vector<512x128xf32> -> vector<512x128xf32>
    %add3A_366 = arith.addf %add3A_301, %dot_general3A_365 : vector<512x128xf32>
    %get3A_367 = arith.constant 0 : index
    %get3A_368 = arith.constant 0 : index
    %get3A_369 = vector.load %arg8[%get3A_367, %get3A_368] : memref<1x128xf32, #tpu.memory_space<vmem>>, vector<1x128xf32>
    %add3A_370 = vector.broadcast %get3A_369 : vector<1x128xf32> to vector<512x128xf32>
    %add3A_371 = arith.addf %add3A_366, %add3A_370 : vector<512x128xf32>
    %get3A_372 = arith.constant 0 : index
    %get3A_373 = arith.constant 0 : index
    %get3A_374 = vector.load %arg9[%get3A_372, %get3A_373] : memref<128x128xf32, #tpu.memory_space<vmem>>, vector<128x128xf32>
    %dot_general3A_375 = arith.constant dense<0.000000e+00> : vector<512x128xf32>
    %dot_general3A_376 = tpu.matmul %add3A_371, %get3A_374, %dot_general3A_375 {dimension_numbers = #tpu.dot_dimension_numbers<[1], [1], [0], [0], [0, 0, 1, 0], [], []>, transpose_lhs_hint = false} : vector<512x128xf32>, vector<128x128xf32>, vector<512x128xf32> -> vector<512x128xf32>
    %get3A_377 = arith.constant 0 : index
    %get3A_378 = arith.constant 0 : index
    %get3A_379 = vector.load %arg10[%get3A_377, %get3A_378] : memref<1x128xf32, #tpu.memory_space<vmem>>, vector<1x128xf32>
    %add3A_380 = vector.broadcast %get3A_379 : vector<1x128xf32> to vector<512x128xf32>
    %add3A_381 = arith.addf %dot_general3A_376, %add3A_380 : vector<512x128xf32>
    %logistic3A_382 = arith.negf %add3A_381 : vector<512x128xf32>
    %logistic3A_383 = math.exp %logistic3A_382 : vector<512x128xf32>
    %logistic3A_384 = arith.constant 1.000000e+00 : f32
    %logistic3A_385 = vector.broadcast %logistic3A_384 : f32 to vector<512x128xf32>
    %logistic3A_386 = arith.addf %logistic3A_385, %logistic3A_383 : vector<512x128xf32>
    %logistic3A_387 = arith.divf %logistic3A_385, %logistic3A_386 : vector<512x128xf32>
    %mul3A_388 = arith.mulf %add3A_381, %logistic3A_387 : vector<512x128xf32>
    %swap3A = arith.constant 0 : index
    %swap3A_389 = arith.constant 0 : index
    %swap3A_390 = vector.load %arg11[%swap3A, %swap3A_389] : memref<512x128xf32, #tpu.memory_space<vmem>>, vector<512x128xf32>
    tpu.vector_store %arg11[%swap3A, %swap3A_389], %mul3A_388 {strides = array<i32>} : memref<512x128xf32, #tpu.memory_space<vmem>>, vector<512x128xf32>,
    return
  }
}

module attributes {stable_mosaic.version = 14 : i64} {
  func.func @_filter_body(%arg0: i32, %arg1: memref<4096x64xf32, #tpu.memory_space<vmem>>, %arg2: memref<4096xf32, #tpu.memory_space<vmem>>, %arg3: memref<4096xi32, #tpu.memory_space<vmem>>, %arg4: memref<4096xi32, #tpu.memory_space<vmem>>, %arg5: memref<512xf32, #tpu.memory_space<vmem>>, %arg6: memref<512x128xf32, #tpu.memory_space<vmem>>, %arg7: memref<128x64xf32, #tpu.memory_space<vmem>>, %arg8: memref<1x128xf32, #tpu.memory_space<vmem>>, %arg9: memref<128x128xf32, #tpu.memory_space<vmem>>, %arg10: memref<1x128xf32, #tpu.memory_space<vmem>>, %arg11: memref<128x128xf32, #tpu.memory_space<vmem>>, %arg12: memref<4096x128xf32, #tpu.memory_space<vmem>>, %arg13: memref<32x128xi32, #tpu.memory_space<vmem>>, %arg14: memref<512x128xf32, #tpu.memory_space<vmem>>) attributes {dimension_semantics = [#tpu.dimension_semantics<arbitrary>], iteration_bounds = array<i64: 2>, scalar_prefetch = 0 : i64, scratch_operands = 0 : i64, tpu.core_type = #tpu.core_type<tc>, window_params = [{transform_indices = @transform_0, window_bounds = array<i64: 4096, 64>}, {transform_indices = @transform_1, window_bounds = array<i64: 4096>}, {transform_indices = @transform_2, window_bounds = array<i64: 4096>}, {transform_indices = @transform_3, window_bounds = array<i64: 4096>}, {pipeline_mode = #tpu.pipeline_mode<synchronous>, transform_indices = @transform_4, window_bounds = array<i64: 512>}, {pipeline_mode = #tpu.pipeline_mode<synchronous>, transform_indices = @transform_5, window_bounds = array<i64: 512, 128>}, {pipeline_mode = #tpu.pipeline_mode<synchronous>, transform_indices = @transform_6, window_bounds = array<i64: 128, 64>}, {pipeline_mode = #tpu.pipeline_mode<synchronous>, transform_indices = @transform_7, window_bounds = array<i64: 1, 128>}, {pipeline_mode = #tpu.pipeline_mode<synchronous>, transform_indices = @transform_8, window_bounds = array<i64: 128, 128>}, {pipeline_mode = #tpu.pipeline_mode<synchronous>, transform_indices = @transform_9, window_bounds = array<i64: 1, 128>}, {pipeline_mode = #tpu.pipeline_mode<synchronous>, transform_indices = @transform_10, window_bounds = array<i64: 128, 128>}, {transform_indices = @transform_11, window_bounds = array<i64: 4096, 128>}, {transform_indices = @transform_12, window_bounds = array<i64: 32, 128>}, {pipeline_mode = #tpu.pipeline_mode<synchronous>, transform_indices = @transform_13, window_bounds = array<i64: 512, 128>}]} {
    %get3A = arith.constant 0 : index
    %get3A_0 = arith.constant 0 : index
    %get3A_1 = vector.load %arg1[%get3A, %get3A_0] : memref<4096x64xf32, #tpu.memory_space<vmem>>, vector<4096x64xf32>
    %get3A_2 = arith.constant 0 : index
    %get3A_3 = arith.constant 0 : index
    %get3A_4 = vector.load %arg7[%get3A_2, %get3A_3] : memref<128x64xf32, #tpu.memory_space<vmem>>, vector<128x64xf32>
    %dot_general3A = arith.constant dense<0.000000e+00> : vector<4096x128xf32>
    %dot_general3A_5 = tpu.matmul %get3A_1, %get3A_4, %dot_general3A {dimension_numbers = #tpu.dot_dimension_numbers<[1], [1], [0], [0], [0, 0, 1, 0], [], []>, transpose_lhs_hint = false} : vector<4096x64xf32>, vector<128x64xf32>, vector<4096x128xf32> -> vector<4096x128xf32>
    %get3A_6 = arith.constant 0 : index
    %get3A_7 = arith.constant 0 : index
    %get3A_8 = vector.load %arg8[%get3A_6, %get3A_7] : memref<1x128xf32, #tpu.memory_space<vmem>>, vector<1x128xf32>
    %add3A = vector.broadcast %get3A_8 : vector<1x128xf32> to vector<4096x128xf32>
    %add3A_9 = arith.addf %dot_general3A_5, %add3A : vector<4096x128xf32>
    %logistic3A = arith.negf %add3A_9 : vector<4096x128xf32>
    %logistic3A_10 = math.exp %logistic3A : vector<4096x128xf32>
    %logistic3A_11 = arith.constant 1.000000e+00 : f32
    %logistic3A_12 = vector.broadcast %logistic3A_11 : f32 to vector<4096x128xf32>
    %logistic3A_13 = arith.addf %logistic3A_12, %logistic3A_10 : vector<4096x128xf32>
    %logistic3A_14 = arith.divf %logistic3A_12, %logistic3A_13 : vector<4096x128xf32>
    %mul3A = arith.mulf %add3A_9, %logistic3A_14 : vector<4096x128xf32>
    %get3A_15 = arith.constant 0 : index
    %get3A_16 = arith.constant 0 : index
    %get3A_17 = vector.load %arg9[%get3A_15, %get3A_16] : memref<128x128xf32, #tpu.memory_space<vmem>>, vector<128x128xf32>
    %dot_general3A_18 = arith.constant dense<0.000000e+00> : vector<4096x128xf32>
    %dot_general3A_19 = tpu.matmul %mul3A, %get3A_17, %dot_general3A_18 {dimension_numbers = #tpu.dot_dimension_numbers<[1], [1], [0], [0], [0, 0, 1, 0], [], []>, transpose_lhs_hint = false} : vector<4096x128xf32>, vector<128x128xf32>, vector<4096x128xf32> -> vector<4096x128xf32>
    %get3A_20 = arith.constant 0 : index
    %get3A_21 = arith.constant 0 : index
    %get3A_22 = vector.load %arg10[%get3A_20, %get3A_21] : memref<1x128xf32, #tpu.memory_space<vmem>>, vector<1x128xf32>
    %add3A_23 = vector.broadcast %get3A_22 : vector<1x128xf32> to vector<4096x128xf32>
    %add3A_24 = arith.addf %dot_general3A_19, %add3A_23 : vector<4096x128xf32>
    %get3A_25 = arith.constant 0 : index
    %get3A_26 = vector.load %arg2[%get3A_25] : memref<4096xf32, #tpu.memory_space<vmem>>, vector<4096xf32>
    %mul3A_27 = arith.constant 0.628318548 : f32
    %mul3A_28 = vector.broadcast %mul3A_27 : f32 to vector<4096xf32>
    %mul3A_29 = arith.mulf %get3A_26, %mul3A_28 : vector<4096xf32>
    %cos3A = math.cos %mul3A_29 : vector<4096xf32>
    %add3A_30 = arith.constant 1.000000e+00 : f32
    %add3A_31 = vector.broadcast %add3A_30 : f32 to vector<4096xf32>
    %add3A_32 = arith.addf %cos3A, %add3A_31 : vector<4096xf32>
    %mul3A_33 = arith.constant 5.000000e-01 : f32
    %mul3A_34 = vector.broadcast %mul3A_33 : f32 to vector<4096xf32>
    %mul3A_35 = arith.mulf %mul3A_34, %add3A_32 : vector<4096xf32>
    %lt3A = arith.constant 5.000000e+00 : f32
    %lt3A_36 = vector.broadcast %lt3A : f32 to vector<4096xf32>
    %lt3A_37 = arith.cmpf olt, %get3A_26, %lt3A_36 : vector<4096xf32>
    %convert_element_type3A = arith.extui %lt3A_37 : vector<4096xi1> to vector<4096xi32>
    %convert_element_type3A_38 = arith.sitofp %convert_element_type3A : vector<4096xi32> to vector<4096xf32>
    %mul3A_39 = arith.mulf %mul3A_35, %convert_element_type3A_38 : vector<4096xf32>
    %broadcast_in_dim3A = vector.shape_cast %mul3A_39 : vector<4096xf32> to vector<4096x1xf32>
    %mul3A_40 = vector.broadcast %broadcast_in_dim3A : vector<4096x1xf32> to vector<4096x128xf32>
    %mul3A_41 = arith.mulf %add3A_24, %mul3A_40 : vector<4096x128xf32>
    %swap3A = arith.constant 0 : index
    %swap3A_42 = arith.constant 0 : index
    %swap3A_43 = vector.load %arg12[%swap3A, %swap3A_42] : memref<4096x128xf32, #tpu.memory_space<vmem>>, vector<4096x128xf32>
    tpu.vector_store %arg12[%swap3A, %swap3A_42], %mul3A_41 {strides = array<i32>} : memref<4096x128xf32, #tpu.memory_space<vmem>>, vector<4096x128xf32>,
    %get3A_44 = arith.constant 0 : index
    %get3A_45 = vector.load %arg3[%get3A_44] : memref<4096xi32, #tpu.memory_space<vmem>>, vector<4096xi32>
    %broadcast_in_dim3A_46 = vector.shape_cast %get3A_45 : vector<4096xi32> to vector<4096x1xi32>
    %iota3A = tpu.iota {dimensions = array<i32: 1>} : vector<4096x512xi32>
    %eq3A = vector.broadcast %broadcast_in_dim3A_46 : vector<4096x1xi32> to vector<4096x512xi32>
    %eq3A_47 = arith.cmpi eq, %eq3A, %iota3A : vector<4096x512xi32>
    %convert_element_type3A_48 = arith.extui %eq3A_47 : vector<4096x512xi1> to vector<4096x512xi32>
    %convert_element_type3A_49 = arith.sitofp %convert_element_type3A_48 : vector<4096x512xi32> to vector<4096x512xf32>
    %convert_element_type3A_50 = arith.truncf %convert_element_type3A_49 : vector<4096x512xf32> to vector<4096x512xbf16>
    %get3A_51 = arith.constant 0 : index
    %get3A_52 = vector.load %arg5[%get3A_51] : memref<512xf32, #tpu.memory_space<vmem>>, vector<512xf32>
    %broadcast_in_dim3A_53 = vector.shape_cast %get3A_52 : vector<512xf32> to vector<512x1xf32>
    %convert_element_type3A_54 = arith.truncf %broadcast_in_dim3A_53 : vector<512x1xf32> to vector<512x1xbf16>
    %dot_general3A_55 = arith.constant dense<0.000000e+00> : vector<4096x1xf32>
    %dot_general3A_56 = tpu.matmul %convert_element_type3A_50, %convert_element_type3A_54, %dot_general3A_55 {dimension_numbers = #tpu.dot_dimension_numbers<[1], [0], [0], [1], [0, 0, 1, 1], [], []>, transpose_lhs_hint = false} : vector<4096x512xbf16>, vector<512x1xbf16>, vector<4096x1xf32> -> vector<4096x1xf32>
    %squeeze3A = vector.shape_cast %dot_general3A_56 : vector<4096x1xf32> to vector<4096xf32>
    %convert_element_type3A_57 = arith.fptosi %squeeze3A : vector<4096xf32> to vector<4096xi32>
    %mul3A_58 = arith.constant 512 : i32
    %mul3A_59 = vector.broadcast %mul3A_58 : i32 to vector<4096xi32>
    %mul3A_60 = arith.muli %convert_element_type3A_57, %mul3A_59 : vector<4096xi32>
    %get3A_61 = arith.constant 0 : index
    %get3A_62 = vector.load %arg4[%get3A_61] : memref<4096xi32, #tpu.memory_space<vmem>>, vector<4096xi32>
    %add3A_63 = arith.addi %mul3A_60, %get3A_62 : vector<4096xi32>
    %reshape3A = vector.shape_cast %add3A_63 : vector<4096xi32> to vector<32x128xi32>
    %swap3A_64 = arith.constant 0 : index
    %swap3A_65 = arith.constant 0 : index
    %swap3A_66 = vector.load %arg13[%swap3A_64, %swap3A_65] : memref<32x128xi32, #tpu.memory_space<vmem>>, vector<32x128xi32>
    tpu.vector_store %arg13[%swap3A_64, %swap3A_65], %reshape3A {strides = array<i32>} : memref<32x128xi32, #tpu.memory_space<vmem>>, vector<32x128xi32>,
    %eq3A_67 = arith.constant 0 : i32
    %eq3A_68 = arith.cmpi eq, %arg0, %eq3A_67 : i32
    %convert_element_type3A_69 = arith.extui %eq3A_68 : i1 to i32
    %cond3A = arith.constant 0 : i32
    %cond3A_70 = arith.cmpi ne, %convert_element_type3A_69, %cond3A : i32
    scf.if %cond3A_70 {
      %get3A_71 = arith.constant 0 : index
      %get3A_72 = arith.constant 0 : index
      %get3A_73 = vector.load %arg6[%get3A_71, %get3A_72] : memref<512x128xf32, #tpu.memory_space<vmem>>, vector<512x128xf32>
      %get3A_74 = arith.constant 0 : index
      %get3A_75 = arith.constant 0 : index
      %get3A_76 = vector.load %arg11[%get3A_74, %get3A_75] : memref<128x128xf32, #tpu.memory_space<vmem>>, vector<128x128xf32>
      %dot_general3A_77 = arith.constant dense<0.000000e+00> : vector<512x128xf32>
      %dot_general3A_78 = tpu.matmul %get3A_73, %get3A_76, %dot_general3A_77 {dimension_numbers = #tpu.dot_dimension_numbers<[1], [1], [0], [0], [0, 0, 1, 0], [], []>, transpose_lhs_hint = false} : vector<512x128xf32>, vector<128x128xf32>, vector<512x128xf32> -> vector<512x128xf32>
      %swap3A_79 = arith.constant 0 : index
      %swap3A_80 = arith.constant 0 : index
      %swap3A_81 = vector.load %arg14[%swap3A_79, %swap3A_80] : memref<512x128xf32, #tpu.memory_space<vmem>>, vector<512x128xf32>
      tpu.vector_store %arg14[%swap3A_79, %swap3A_80], %dot_general3A_78 {strides = array<i32>} : memref<512x128xf32, #tpu.memory_space<vmem>>, vector<512x128xf32>,
    } else {
    }
    return
  }
  func.func @transform_0(%arg0: i32) -> (i32, i32) {
    %c0_i32 = arith.constant 0 : i32
    %c0_i32_0 = arith.constant 0 : i32
    return %arg0, %c0_i32 : i32, i32
  }
  func.func @transform_1(%arg0: i32) -> i32 {
    %c0_i32 = arith.constant 0 : i32
    return %arg0 : i32
  }
  func.func @transform_2(%arg0: i32) -> i32 {
    %c0_i32 = arith.constant 0 : i32
    return %arg0 : i32
  }
  func.func @transform_3(%arg0: i32) -> i32 {
    %c0_i32 = arith.constant 0 : i32
    return %arg0 : i32
  }
  func.func @transform_4(%arg0: i32) -> i32 {
    %c0_i32 = arith.constant 0 : i32
    %c0_i32_0 = arith.constant 0 : i32
    return %c0_i32 : i32
  }
  func.func @transform_5(%arg0: i32) -> (i32, i32) {
    %c0_i32 = arith.constant 0 : i32
    %c0_i32_0 = arith.constant 0 : i32
    %c0_i32_1 = arith.constant 0 : i32
    return %c0_i32, %c0_i32_0 : i32, i32
  }
  func.func @transform_6(%arg0: i32) -> (i32, i32) {
    %c0_i32 = arith.constant 0 : i32
    %c0_i32_0 = arith.constant 0 : i32
    %c0_i32_1 = arith.constant 0 : i32
    return %c0_i32, %c0_i32_0 : i32, i32
  }
  func.func @transform_7(%arg0: i32) -> (i32, i32) {
    %c0_i32 = arith.constant 0 : i32
    %c0_i32_0 = arith.constant 0 : i32
    %c0_i32_1 = arith.constant 0 : i32
    return %c0_i32, %c0_i32_0 : i32, i32
  }
  func.func @transform_8(%arg0: i32) -> (i32, i32) {
    %c0_i32 = arith.constant 0 : i32
    %c0_i32_0 = arith.constant 0 : i32
    %c0_i32_1 = arith.constant 0 : i32
    return %c0_i32, %c0_i32_0 : i32, i32
  }
  func.func @transform_9(%arg0: i32) -> (i32, i32) {
    %c0_i32 = arith.constant 0 : i32
    %c0_i32_0 = arith.constant 0 : i32
    %c0_i32_1 = arith.constant 0 : i32
    return %c0_i32, %c0_i32_0 : i32, i32
  }
  func.func @transform_10(%arg0: i32) -> (i32, i32) {
    %c0_i32 = arith.constant 0 : i32
    %c0_i32_0 = arith.constant 0 : i32
    %c0_i32_1 = arith.constant 0 : i32
    return %c0_i32, %c0_i32_0 : i32, i32
  }
  func.func @transform_11(%arg0: i32) -> (i32, i32) {
    %c0_i32 = arith.constant 0 : i32
    %c0_i32_0 = arith.constant 0 : i32
    return %arg0, %c0_i32 : i32, i32
  }
  func.func @transform_12(%arg0: i32) -> (i32, i32) {
    %c0_i32 = arith.constant 0 : i32
    %c0_i32_0 = arith.constant 0 : i32
    return %arg0, %c0_i32 : i32, i32
  }
  func.func @transform_13(%arg0: i32) -> (i32, i32) {
    %c0_i32 = arith.constant 0 : i32
    %c0_i32_0 = arith.constant 0 : i32
    %c0_i32_1 = arith.constant 0 : i32
    return %c0_i32, %c0_i32_0 : i32, i32
  }
}

</mosaic_0001>

<sc_bundles>
// kernel: kernel.5.cloned.1.call-start
scs
__scs_entry_jumppad:
0x0: {  	(pc) =	sbr.rel $0x88, $3  }
0x1: {  	(tag) =	ssettag $0x0;
	lr =	simm.s32 $0x1  }
0x2: {  	[smem:$0x3F8D] =	sst lr;
	_ =	strace $0xD0000000  }
0x3: {  	_ = 	snop  }
0x4: {  	_ = 	snop  }
0x5: {  	_ = 	snop  }
0x6: {  	_ = 	snop  }
0x7: {  	_ = 	snop  }
__scs_overlays_trampoline_lowered:
0x8: {  	[smem:$0x3F9C] =	sst s0  }
0x9: {  	[smem:$0x3F9D] =	sst s1  }
0xa: {  	[smem:$0x3F9E] =	sst s2  }
0xb: {  	[smem:$0x3F9F] =	sst s3  }
0xc: {  	[smem:$0x3FA0] =	sst s4  }
0xd: {  	[smem:$0x3FA1] =	sst s5  }
0xe: {  	[smem:$0x3FA2] =	sst s6  }
0xf: {  	[smem:$0x3FA3] =	sst s7  }
0x10: {  	[smem:$0x3FA4] =	sst s8  }
0x11: {  	[smem:$0x3FA5] =	sst s9;
	s0 =	simm.s32 @!p0 $0x0  }
0x12: {  	s1 =	sld [smem:$0x3F8B];
	s0 =	simm.s32 @p0 $0x1  }
0x13: {  	[smem:$0x3FA6] =	sst s0;
	s0 =	simm.s32 @!p1 $0x0  }
0x14: {  	s2 =	sld [smem:$0x3F8A];
	s0 =	simm.s32 @p1 $0x1  }
0x15: {  	[smem:$0x3FA7] =	sst s0;
	s0 =	simm.s32 @!p2 $0x0  }
0x16: {  	s3 =	sld [smem:$0x3FDB];
	s0 =	simm.s32 @p2 $0x1  }
0x17: {  	s4 =	simm.s32 $0x1BF5;
	[smem:$0x3FA9] =	sst s0  }
0x18: {  	s0 =	sld [smem:$0x3F8C];
	_ =	swait.ge [sflag:s4], $0x0  }
0x19: {  	s7 =	sld [smem:$0x3F8D]  }
0x1a: {  	s8 =	sadd.s32 $0xFFFFE003, lr  }
0x1b: {  	s9 =	sadd.s32 $0xFFFFFEF7, lr;
	s5 =	simm.s32 $0xFFFFFFFF;
	p2 =	slt.u32 s8, $0xFFFFF086  }
0x1c: {  	p1 =	slt.u32 s9, $0xF7A;
	s5 =	simm.s32 @!p2 $0x0  }
0x1d: {  	s5 =	simm.s32 @p1 $0x1;
	p0 =	seq.s32 s7, s2  }
0x1e: {  	s7 =	smul.u32 @!p0 $0xF7A, s2;
	p2 =	seq.s32 @!p0 s5, $0x0  }
0x1f: {  	s9 =	smul.u32 $0xF7A, s1;
	s8 =	simm.s32 @!p0 $0x1BF5;
	p2 =	por !p2, p0  }
0x20: {  	[sflag:s8] =	ssyncset.s32 @!p0 $0xFFFFF086;
	s6 =	sadd.s32 @!p0 s3, s7;
	s7 =	simm.s32 @!p0 $0x108  }
0x21: {  	s3 =	sadd.s32 s3, s9;
	s6 =	sadd.s32 @!p0 $0x88, s6;
	s7 =	simm.s32 @p2 $0x1082  }
0x22: {  	[simem:s7], [sflag:s8] =	dma.local @!p0 [hbm:s6], $0xF7A  }
0x23: {  	s9 =	sor.u32 $0xD0000000, s2;
	s6 =	simm.s32 $0x108;
	_ =	swait.ge @!p0 [sflag:s8], $0x0  }
0x24: {  	s3 =	sadd.s32 $0x88, s3;
	s6 =	simm.s32 @!p1 $0x1082;
	[sflag:s4] =	ssyncset.s32 $0xFFFFF086  }
0x25: {  	[simem:s6], [sflag:s4] =	dma.local [hbm:s3], $0xF7A  }
0x26: {  	[smem:$0x3F8D] =	sst s1;
	(tag) =	ssettag s2;
	_ =	strace s9  }
0x27: {  	s1 =	sld [smem:$0x3F9D]  }
0x28: {  	s2 =	sld [smem:$0x3F9E]  }
0x29: {  	s4 =	sld [smem:$0x3FA0]  }
0x2a: {  	p0 =	seq.s32 s5, $0x0;
	s5 =	sld [smem:$0x3FA1]  }
0x2b: {  	s6 =	sld [smem:$0x3FA2]  }
0x2c: {  	s7 =	sld [smem:$0x3FA3]  }
0x2d: {  	s3 =	simm.s32 $0x108;
	s8 =	sld [smem:$0x3FA4]  }
0x2e: {  	s3 =	simm.s32 @!p0 $0x1082;
	s9 =	sld [smem:$0x3FA5]  }
0x2f: {  	lr =	sadd.s32 s0, s3;
	s0 =	sld [smem:$0x3F9C]  }
0x30: {  	s3 =	sld [smem:$0x3F9F]  }
0x31: {  	[smem:$0x3FA8] =	sst s10  }
0x32: {  	s10 =	sld [smem:$0x3FA6];
	_ =	sdelay $0x3  }
0x33: {  	p0 =	seq.s32 s10, $0x1;
	s10 =	sld [smem:$0x3FA8];
	_ =	sdelay $0x3  }
0x34: {  	[smem:$0x3FA8] =	sst s10  }
0x35: {  	s10 =	sld [smem:$0x3FA7];
	_ =	sdelay $0x3  }
0x36: {  	p1 =	seq.s32 s10, $0x1;
	s10 =	sld [smem:$0x3FA8];
	_ =	sdelay $0x3  }
0x37: {  	[smem:$0x3FA8] =	sst s10  }
0x38: {  	s10 =	sld [smem:$0x3FA9]  }
0x39: {  	_ = 	snop;
	(pc) =	sbr.ind lr, $3  }
0x3a: {  	_ = 	snop  }
0x3b: {  	_ = 	snop  }
0x3c: {  	p2 =	seq.s32 s10, $0x1;
	s10 =	sld [smem:$0x3FA8]  }
0x3d: {  	_ =	shalt  }
0x3e: {  	_ =	shalt  }
0x3f: {  	_ =	shalt  }
0x40: {  	_ =	shalt  }
0x41: {  	_ =	shalt  }
0x42: {  	_ =	shalt  }
0x43: {  	_ =	shalt  }
0x44: {  	_ =	shalt  }
0x45: {  	_ =	shalt  }
0x46: {  	_ =	shalt  }
0x47: {  	_ =	shalt  }
0x48: {  	_ =	shalt  }
0x49: {  	_ =	shalt  }
0x4a: {  	_ =	shalt  }
0x4b: {  	_ =	shalt  }
0x4c: {  	_ =	shalt  }
0x4d: {  	_ =	shalt  }
0x4e: {  	_ =	shalt  }
0x4f: {  	_ =	shalt  }
0x50: {  	_ =	shalt  }
0x51: {  	_ =	shalt  }
0x52: {  	_ =	shalt  }
0x53: {  	_ =	shalt  }
0x54: {  	_ =	shalt  }
0x55: {  	_ =	shalt  }
0x56: {  	_ =	shalt  }
0x57: {  	_ =	shalt  }
0x58: {  	_ =	shalt  }
0x59: {  	_ =	shalt  }
0x5a: {  	_ =	shalt  }
0x5b: {  	_ =	shalt  }
0x5c: {  	_ =	shalt  }
0x5d: {  	_ =	shalt  }
0x5e: {  	_ =	shalt  }
0x5f: {  	_ =	shalt  }
0x60: {  	_ =	shalt  }
0x61: {  	_ =	shalt  }
0x62: {  	_ =	shalt  }
0x63: {  	_ =	shalt  }
0x64: {  	_ =	shalt  }
0x65: {  	_ =	shalt  }
0x66: {  	_ =	shalt  }
0x67: {  	_ =	shalt  }
0x68: {  	_ =	shalt  }
0x69: {  	_ =	shalt  }
0x6a: {  	_ =	shalt  }
0x6b: {  	_ =	shalt  }
0x6c: {  	_ =	shalt  }
0x6d: {  	_ =	shalt  }
0x6e: {  	_ =	shalt  }
0x6f: {  	_ =	shalt  }
0x70: {  	_ =	shalt  }
0x71: {  	_ =	shalt  }
0x72: {  	_ =	shalt  }
0x73: {  	_ =	shalt  }
0x74: {  	_ =	shalt  }
0x75: {  	_ =	shalt  }
0x76: {  	_ =	shalt  }
0x77: {  	_ =	shalt  }
0x78: {  	_ =	shalt  }
0x79: {  	_ =	shalt  }
0x7a: {  	_ =	shalt  }
0x7b: {  	_ =	shalt  }
0x7c: {  	_ =	shalt  }
0x7d: {  	_ =	shalt  }
0x7e: {  	_ =	shalt  }
0x7f: {  	_ =	shalt  }
0x80: {  	_ =	shalt  }
0x81: {  	_ =	shalt  }
0x82: {  	_ =	shalt  }
0x83: {  	_ =	shalt  }
0x84: {  	_ =	shalt  }
0x85: {  	_ =	shalt  }
0x86: {  	_ =	shalt  }
0x87: {  	_ =	shalt  }
.Lfunc_end0:
.L_simem_size_0:
called_computation_lowered:
.L_overlay_start_0:
0x88: {  	s2 =	sld [smem:$0x3FD9]  }
0x89: {  	s3 =	sld [smem:$0x3FFE];
	_ =	sdelay $0x1  }
0x8a: {  	s1 =	srdreg.scid  }
0x8b: {  	s0 =	sand.u32 $0x1, s1  }
0x8c: {  	s17 =	sshll.u32 s0, $0xA;
	s2 =	sadd.s32 s3, s2  }
0x8d: {  	s2 =	sadd.s32 s2, s17  }
0x8e: {  	[smem:$0x3FB4] =	sst s2  }
0x8f: {  	_ = 	snop  }
0x90: {  	s2 =	sld [smem:$0x3FD0];
	(tm) =	ssettm $0x1  }
0x91: {  	s18 =	sld [smem:$0x3FFB];
	_ =	sdelay $0x3  }
0x92: {  	_ =	strace s18  }
0x93: {  	s3 =	sld [smem:$0x3FFC];
	_ =	sdelay $0x3  }
0x94: {  	_ =	strace s3  }
0x95: {  	s3 =	sld [smem:$0x3FFD];
	_ =	sdelay $0x3  }
0x96: {  	_ =	strace s3  }
0x97: {  	_ =	strace $0x8FFFFFFF  }
0x98: {  	s19 =	sld [smem:$0x3FDB];
	_ =	sdelay $0x1  }
0x99: {  	s4 =	simm.s32 $_scs_section_size  }
0x9a: {  	s5 =	simm.s32 $_size__tile_overlayer_lowered;
	s6 =	simm.s32 $_tile_overlayer_lowered  }
0x9b: {  	s22 =	simm.s32 $0x1BFF;
	s21 =	sshll.u32 s6, $0x1;
	s3 =	sadd.s32 s4, s19  }
0x9c: {  	s7 =	simm.s32 $0x0;
	s20 =	sshll.u32 s5, $0x1;
	s5 =	sadd.s32 s21, s3  }
0x9d: {  	[timem:s7], [sflag:s22] =	dma.local [hbm:s5], s20  }
0x9e: {  	_ =	swait.ge [sflag:s22], s20  }
0x9f: {  	s4 =	ssub.s32 $0x0, s20;
	[sflag:s22] =	ssyncset.done $0x0  }
0xa0: {  	[sflag:s22] =	ssyncadd.s32 s4;
	_ =	sdelay $0x1  }
0xa1: {  	s23 =	simm.s32 $0x1B8B  }
0xa2: {  	_ =	swait.ge [sflag:s23], $0x1  }
0xa3: {  	[sflag:s23] =	ssyncset.done $0x0  }
0xa4: {  	s25 =	simm.s32 $0x1B8E;
	s24 =	sld [smem:$0x3FFE];
	[sflag:s23] =	ssyncadd.s32 $0xFFFFFFFF  }
0xa5: {  	s26 =	simm.s32 $execute0_lowered;
	[smem:$0x3FD2] =	sst s25  }
0xa6: {  	s5 =	sshll.u32 s26, $0x1;
	_ =	strace $0x80000046;
	[dreg:$0x1] =	wrdreg $0xFFFFFFFF  }
0xa7: {  	s28 =	simm.s32 $_size_execute0_lowered;
	s3 =	sadd.s32 s3, s5;
	[dreg:$0x0] =	wrdreg $0x0  }
0xa8: {  	s5 =	sshll.u32 s28, $0x1;
	[dreg:$0x2] =	wrdreg s3  }
0xa9: {  	[dreg:$0x3] =	wrdreg s5  }
0xaa: {  	[dreg:$0x4] =	wrdreg $0xC0  }
0xab: {  	_ =	task [dreg:s7], $0x5FFFF  }
0xac: {  	[dreg:$0x1] =	wrdreg $0xFFFFFFFF  }
0xad: {  	[dreg:$0x0] =	wrdreg $0x60  }
0xae: {  	[dreg:$0x2] =	wrdreg s2  }
0xaf: {  	[dreg:$0x3] =	wrdreg s24  }
0xb0: {  	[dreg:$0x4] =	wrdreg $0x102000  }
0xb1: {  	[dreg:$0x5] =	wrdreg $0x9  }
0xb2: {  	_ =	task.clear_ibuf [dreg:s7], $0x6FFFF;
	_ =	strace $0x90000046  }
0xb3: {  	s29 =	simm.s32 $0x9;
	_ =	strace $0x8000004E  }
0xb4: {  	_ =	swait.ge [sflag:s29], $0x1  }
0xb5: {  	[sflag:s29] =	ssyncadd.s32 $0xFFFFFFFF  }
0xb6: {  	_ =	strace $0x9000004E  }
0xb7: {  	_ =	sfence  }
0xb8: {  	s30 =	sld [smem:$0x0];
	_ =	sdelay $0x2  }
0xb9: {  	s31 =	sshll.u32 s1, $0xD;
	s1 =	sshrl.u32 s1, $0x2  }
0xba: {  	s3 =	sand.u32 $0x4000, s31;
	s1 =	sadd.s32 s1, s30  }
0xbb: {  	s0 =	sor.u32 s3, s0;
	s1 =	sshll.u32 s1, $0x11  }
0xbc: {  	s0 =	sor.u32 s1, s0  }
0xbd: {  	s0 =	sadd.s32 $0x8F2B, s0  }
0xbe: {  	[sflag:s0] =	ssyncadd.remote.s32 $0x1  }
0xbf: {  	_ =	sfence.sel $0xFFFF  }
0xc0: {  	[dreg:$0x0] =	wrdreg $0xFFFFFFFF;
	(pc) =	sbr.abs _section_cstart, $3  }
0xc1: {  	[dreg:$0x1] =	wrdreg $0xFFFFFFFF  }
0xc2: {  	_ =	task.clear_ibuf [dreg:s7], $0x2FFFF;
	_ =	strace $0x9FFFFFFF  }
0xc3: {  	(tm) =	ssettm $0x7FFFFFFF  }
tec
execute0_lowered:
.L_overlay_start_1:
0x0: {  	(tag) =	ssettag $0x1  }
0x1: {  	s1 =	rddreg [dreg:$0x0]  }
0x2: {  	s5 =	rddreg [dreg:$0x1]  }
0x3: {  	s3 =	rddreg [dreg:$0x2]  }
0x4: {  	s0 =	rddreg [dreg:$0x3]  }
0x5: {  	s6 =	srdreg.scid;
	s2 =	stileid.u32;
	s4 =	simm.s32 $0x0  }
0x6: {  	s15 =	simm.s32 $0x80;
	s16 =	simm.s32 $0x100;
	s17 =	simm.s32 $0x200  }
0x7: {  	s18 =	simm.s32 $0x7;
	s19 =	simm.s32 $0x1;
	s20 =	simm.s32 $0x4200  }
0x8: {  	s21 =	simm.s32 $0x2;
	s22 =	simm.s32 $0x4;
	s28 =	simm.s32 $0x0  }
0x9: {  	s9 =	sand.u32 $0x1, s6;
	s23 =	sshll.u32 s2, $0x1;
	[smem:$0x7FF] =	sst s4  }
0xa: {  	s8 =	sadd.s32 $0x3600, s5;
	s10 =	sadd.s32 $0x3200, s5;
	s12 =	sshll.u32 s2, $0xB  }
0xb: {  	s31 =	sshll.u32 s2, $0xE;
	s6 =	sor.u32 s9, s23;
	_ =	strace $0x80000047  }
0xc: {  	s13 =	ssub.s32 $0x2, s9;
	s12 =	sadd.s32 s12, s5;
	s30 =	sshll.u32 s9, $0xF  }
0xd: {  	s23 =	simm.s32 $0x3;
	s7 =	sshll.u32 s6, $0x5;
	s14 =	sshll.u32 s6, $0x8  }
0xe: {  	s24 =	sshrl.u32 s13, $0x1;
	s25 =	sshll.u32 s6, $0xC;
	s12 =	sadd.s32 s30, s12  }
0xf: {  	s11 =	sadd.s32 s7, s5;
	s14 =	sor.u32 $0x80, s14;
	s13 =	ssub.s32 s13, s24  }
0x10: {  	s5 =	sadd.s32 s8, s25;
	s7 =	sadd.s32 s10, s7;
	s24 =	simm.s32 $0x5  }
0x11: {  	s25 =	simm.s32 $0x180;
	s26 =	sshll.u32 s14, $0x4;
	s29 =	sshrl.u32 s14, $0x3  }
0x12: {  	s9 =	sadd.s32 $0x23600, s11;
	s11 =	sadd.s32 $0x23A00, s12;
	s12 =	smax.u32 s13, $0x1  }
0x13: {  	s13 =	simm.s32 $0x8200;
	s14 =	simm.s32 $0xC200;
	s6 =	sadd.s32 s8, s26  }
0x14: {  	v0 =	vimm.f32 $0.0e+00;
	s8 =	sadd.s32 s10, s29;
	s10 =	sadd.s32 s31, s3;
	s26 =	simm.s32 $0x6  }
.LBB2_1:
0x15: {  	[tilespmem:s13], [sflag:$0x4] =	stream.linear.gather [hbm4b:s5+s4], $0x4000, $0x38;
	[tilespmem:$0x14200] =	vst v63  }
0x16: {  	_ = 	snop  }
0x17: {  	[tilespmem:s14], [sflag:$0x5] =	stream.linear.gather [hbm4b:s6+s4], $0x4000, $0x38;
	[tilespmem:$0x14200] =	vst v63  }
0x18: {  	_ = 	snop  }
0x19: {  	[tilespmem:s4], [sflag:$0x1] =	stream.linear.gather [hbm4b:s7+s4], $0x80, $0x38;
	[tilespmem:$0x14200] =	vst v63  }
0x1a: {  	_ = 	snop  }
0x1b: {  	[tilespmem:s15], [sflag:$0x1] =	stream.linear.gather [hbm4b:s8+s4], $0x80, $0x38;
	[tilespmem:$0x14200] =	vst v63  }
0x1c: {  	_ = 	snop  }
0x1d: {  	[tilespmem:s16], [sflag:$0x1] =	stream.linear.gather [hbm4b:s9+s4], $0x100, $0x38;
	[tilespmem:$0x14200] =	vst v63  }
0x1e: {  	s29 =	simm.s32 $0x0;
	s30 =	simm.s32 $0x800;
	_ =	strace $0x80000048  }
.LBB2_2:
0x1f: {  	p0 =	sne.s32 s30, $0xF800;
	[tilespmem:s29+$0x3F0] =	vst v0  }
0x20: {  	[tilespmem:s29+$0x200] =	vst v0  }
0x21: {  	[tilespmem:s29+$0x210] =	vst v0  }
0x22: {  	[tilespmem:s29+$0x220] =	vst v0  }
0x23: {  	[tilespmem:s29+$0x230] =	vst v0  }
0x24: {  	[tilespmem:s29+$0x240] =	vst v0  }
0x25: {  	[tilespmem:s29+$0x250] =	vst v0  }
0x26: {  	[tilespmem:s29+$0x260] =	vst v0  }
0x27: {  	[tilespmem:s29+$0x270] =	vst v0  }
0x28: {  	[tilespmem:s29+$0x280] =	vst v0  }
0x29: {  	[tilespmem:s29+$0x290] =	vst v0  }
0x2a: {  	[tilespmem:s29+$0x2A0] =	vst v0  }
0x2b: {  	[tilespmem:s29+$0x2B0] =	vst v0  }
0x2c: {  	[tilespmem:s29+$0x2C0] =	vst v0  }
0x2d: {  	[tilespmem:s29+$0x2D0] =	vst v0  }
0x2e: {  	[tilespmem:s29+$0x2E0] =	vst v0  }
0x2f: {  	[tilespmem:s29+$0x2F0] =	vst v0  }
0x30: {  	[tilespmem:s29+$0x300] =	vst v0  }
0x31: {  	[tilespmem:s29+$0x310] =	vst v0  }
0x32: {  	[tilespmem:s29+$0x320] =	vst v0  }
0x33: {  	[tilespmem:s29+$0x330] =	vst v0  }
0x34: {  	[tilespmem:s29+$0x340] =	vst v0  }
0x35: {  	[tilespmem:s29+$0x350] =	vst v0  }
0x36: {  	[tilespmem:s29+$0x360] =	vst v0  }
0x37: {  	[tilespmem:s29+$0x370] =	vst v0  }
0x38: {  	[tilespmem:s29+$0x380] =	vst v0  }
0x39: {  	[tilespmem:s29+$0x390] =	vst v0  }
.Ltmp0:
0x3a: {  	[tilespmem:s29+$0x3A0] =	vst v0;
	(pc) =	sbr.rel @p0 .LBB2_2-.Ltmp0, $4  }
0x3b: {  	[tilespmem:s29+$0x3B0] =	vst v0  }
0x3c: {  	[tilespmem:s29+$0x3C0] =	vst v0  }
0x3d: {  	[tilespmem:s29+$0x3D0] =	vst v0  }
0x3e: {  	[tilespmem:s29+$0x3E0] =	vst v0;
	s29 =	sshra.s32 s30, $0x2;
	s30 =	sadd.s32 $0x800, s30  }
0x3f: {  	[tilespmem:s29+$0x3F0] =	vst v0  }
0x40: {  	[tilespmem:s29+$0x200] =	vst v0  }
0x41: {  	[tilespmem:s29+$0x210] =	vst v0  }
0x42: {  	[tilespmem:s29+$0x220] =	vst v0  }
0x43: {  	[tilespmem:s29+$0x230] =	vst v0  }
0x44: {  	[tilespmem:s29+$0x240] =	vst v0  }
0x45: {  	[tilespmem:s29+$0x250] =	vst v0  }
0x46: {  	[tilespmem:s29+$0x260] =	vst v0  }
0x47: {  	[tilespmem:s29+$0x270] =	vst v0  }
0x48: {  	[tilespmem:s29+$0x280] =	vst v0  }
0x49: {  	[tilespmem:s29+$0x290] =	vst v0  }
0x4a: {  	[tilespmem:s29+$0x2A0] =	vst v0  }
0x4b: {  	[tilespmem:s29+$0x2B0] =	vst v0  }
0x4c: {  	[tilespmem:s29+$0x2C0] =	vst v0  }
0x4d: {  	[tilespmem:s29+$0x2D0] =	vst v0  }
0x4e: {  	[tilespmem:s29+$0x2E0] =	vst v0  }
0x4f: {  	[tilespmem:s29+$0x2F0] =	vst v0  }
0x50: {  	[tilespmem:s29+$0x300] =	vst v0  }
0x51: {  	[tilespmem:s29+$0x310] =	vst v0  }
0x52: {  	[tilespmem:s29+$0x320] =	vst v0  }
0x53: {  	[tilespmem:s29+$0x330] =	vst v0  }
0x54: {  	[tilespmem:s29+$0x340] =	vst v0  }
0x55: {  	[tilespmem:s29+$0x350] =	vst v0  }
0x56: {  	[tilespmem:s29+$0x360] =	vst v0  }
0x57: {  	[tilespmem:s29+$0x370] =	vst v0  }
0x58: {  	[tilespmem:s29+$0x380] =	vst v0  }
0x59: {  	[tilespmem:s29+$0x390] =	vst v0  }
0x5a: {  	[tilespmem:s29+$0x3A0] =	vst v0  }
0x5b: {  	[tilespmem:s29+$0x3B0] =	vst v0  }
0x5c: {  	[tilespmem:s29+$0x3C0] =	vst v0  }
0x5d: {  	[tilespmem:s29+$0x3D0] =	vst v0  }
0x5e: {  	[tilespmem:s29+$0x3E0] =	vst v0  }
0x5f: {  	[spmem:s10] =	stream.linear.scatter [tilespmem:s17], [sflag:$0x7], $0x4000, $0x200038;
	[tilespmem:$0x14200] =	vst v63  }
0x60: {  	_ =	swait.ge [sflag:s18], $0x4000  }
0x61: {  	[sflag:s18] =	ssyncset.done $0x0  }
0x62: {  	[sflag:s18] =	ssyncadd.s32 $0xFFFFC000  }
0x63: {  	_ =	strace $0x90000048  }
0x64: {  	_ =	strace $0x80000049  }
0x65: {  	_ =	swait.ge [sflag:s19], $0x80  }
0x66: {  	[sflag:s19] =	ssyncset.done $0x0  }
0x67: {  	[sflag:s19] =	ssyncadd.s32 $0xFFFFFF80  }
0x68: {  	_ =	swait.ge [sflag:s19], $0x80  }
0x69: {  	[sflag:s19] =	ssyncset.done $0x0  }
0x6a: {  	[sflag:s19] =	ssyncadd.s32 $0xFFFFFF80  }
0x6b: {  	_ =	swait.ge [sflag:s19], $0x100  }
0x6c: {  	[sflag:s19] =	ssyncset.done $0x0  }
0x6d: {  	[sflag:s19] =	ssyncadd.s32 $0xFFFFFF00  }
0x6e: {  	s29 =	simm.s32 $0x0;
	_ =	strace $0x90000049  }
0x6f: {  	[tilespmem:s17], [sflag:$0x2] =	stream.indirect.gather [hbm4b:s1+s15], $0x80, s29, s15, $0xb8;
	[tilespmem:$0x14200] =	vst v63  }
0x70: {  	_ = 	snop  }
0x71: {  	[tilespmem:s20], [sflag:$0x3] =	stream.indirect.gather [hbm4b:s1+s15], $0x80, s15, s15, $0xb8;
	[tilespmem:$0x14200] =	vst v63  }
0x72: {  	_ =	strace $0x8000004A  }
0x73: {  	[bflag:$0x0] =	sbarrier.arrive $0xFFFF  }
0x74: {  	_ =	strace $0x9000004A  }
0x75: {  	_ =	strace $0x8000004B  }
0x76: {  	_ =	swait.ge [sflag:s21], $0x4000  }
0x77: {  	[sflag:s21] =	ssyncset.done $0x0  }
0x78: {  	[sflag:s21] =	ssyncadd.s32 $0xFFFFC000  }
0x79: {  	_ =	swait.ge [sflag:s22], $0x4000  }
0x7a: {  	[sflag:s22] =	ssyncset.done $0x0  }
0x7b: {  	s29 =	simm.s32 $0x0;
	[sflag:s22] =	ssyncadd.s32 $0xFFFFC000  }
0x7c: {  	v7 =	vld [tilespmem:s29+$0x8200]  }
0x7d: {  	v8 =	vld [tilespmem:s29+$0x8210]  }
0x7e: {  	v9 =	vld [tilespmem:s29+$0x8220]  }
0x7f: {  	v10 =	vld [tilespmem:s29+$0x8230]  }
0x80: {  	v11 =	vld [tilespmem:s29+$0x8240]  }
0x81: {  	v12 =	vld [tilespmem:s29+$0x8250]  }
0x82: {  	v13 =	vld [tilespmem:s29+$0x8260]  }
0x83: {  	v14 =	vld [tilespmem:s29+$0x8270]  }
0x84: {  	v15 =	vld [tilespmem:s29+$0x8280]  }
0x85: {  	v16 =	vld [tilespmem:s29+$0x8290]  }
0x86: {  	v17 =	vld [tilespmem:s29+$0x82A0]  }
0x87: {  	v18 =	vld [tilespmem:s29+$0x82B0]  }
0x88: {  	v19 =	vld [tilespmem:s29+$0x82C0]  }
0x89: {  	v20 =	vld [tilespmem:s29+$0x82D0]  }
0x8a: {  	v21 =	vld [tilespmem:s29+$0x82E0]  }
0x8b: {  	v22 =	vld [tilespmem:s29+$0x82F0]  }
0x8c: {  	v23 =	vld [tilespmem:s29+$0x8300]  }
0x8d: {  	v24 =	vld [tilespmem:s29+$0x8310]  }
0x8e: {  	v25 =	vld [tilespmem:s29+$0x8320]  }
0x8f: {  	v26 =	vld [tilespmem:s29+$0x8330]  }
0x90: {  	v27 =	vld [tilespmem:s29+$0x8340]  }
0x91: {  	v28 =	vld [tilespmem:s29+$0x8350]  }
0x92: {  	v29 =	vld [tilespmem:s29+$0x8360]  }
0x93: {  	v30 =	vld [tilespmem:s29+$0x8370]  }
0x94: {  	v31 =	vld [tilespmem:s29+$0x8380]  }
0x95: {  	v32 =	vld [tilespmem:s29+$0x8390]  }
0x96: {  	v6 =	vld [tilespmem:s29+$0x83A0]  }
0x97: {  	v5 =	vld [tilespmem:s29+$0x83B0]  }
0x98: {  	v4 =	vld [tilespmem:s29+$0x83C0]  }
0x99: {  	v3 =	vld [tilespmem:s29+$0x83D0]  }
0x9a: {  	v2 =	vld [tilespmem:s29+$0x83E0]  }
0x9b: {  	v33 =	vld [tilespmem:s29+$0x200]  }
0x9c: {  	v34 =	vld [tilespmem:s29+$0x210]  }
0x9d: {  	v35 =	vld [tilespmem:s29+$0x220]  }
0x9e: {  	v36 =	vld [tilespmem:s29+$0x230]  }
0x9f: {  	v37 =	vld [tilespmem:s29+$0x240]  }
0xa0: {  	v63 =	vld [tilespmem:s29+$0x250];
	v7 =	vmul.f32 v7, v33  }
0xa1: {  	v38 =	vld [tilespmem:s29+$0x260];
	v8 =	vmul.f32 v8, v34  }
0xa2: {  	v9 =	vmul.f32 v9, v35;
	[tilespmem:s29+$0x200] =	vst v7;
	v7 =	vld [tilespmem:s29+$0x270]  }
0xa3: {  	v10 =	vmul.f32 v10, v36;
	[tilespmem:s29+$0x210] =	vst v8;
	v8 =	vld [tilespmem:s29+$0x280]  }
0xa4: {  	v11 =	vmul.f32 v11, v37;
	[tilespmem:s29+$0x220] =	vst v9;
	v9 =	vld [tilespmem:s29+$0x290]  }
0xa5: {  	v12 =	vmul.f32 v12, v63;
	[tilespmem:s29+$0x230] =	vst v10;
	v10 =	vld [tilespmem:s29+$0x2A0]  }
0xa6: {  	v13 =	vmul.f32 v13, v38;
	[tilespmem:s29+$0x240] =	vst v11;
	v11 =	vld [tilespmem:s29+$0x2B0]  }
0xa7: {  	[tilespmem:s29+$0x250] =	vst v12;
	v12 =	vld [tilespmem:s29+$0x2C0];
	v7 =	vmul.f32 v14, v7  }
0xa8: {  	[tilespmem:s29+$0x260] =	vst v13;
	v13 =	vld [tilespmem:s29+$0x2D0];
	v8 =	vmul.f32 v15, v8  }
0xa9: {  	v9 =	vmul.f32 v16, v9;
	[tilespmem:s29+$0x270] =	vst v7;
	v7 =	vld [tilespmem:s29+$0x2E0]  }
0xaa: {  	v10 =	vmul.f32 v17, v10;
	[tilespmem:s29+$0x280] =	vst v8;
	v8 =	vld [tilespmem:s29+$0x2F0]  }
0xab: {  	v11 =	vmul.f32 v18, v11;
	[tilespmem:s29+$0x290] =	vst v9;
	v9 =	vld [tilespmem:s29+$0x300]  }
0xac: {  	v12 =	vmul.f32 v19, v12;
	[tilespmem:s29+$0x2A0] =	vst v10;
	v10 =	vld [tilespmem:s29+$0x310]  }
0xad: {  	v13 =	vmul.f32 v20, v13;
	[tilespmem:s29+$0x2B0] =	vst v11;
	v11 =	vld [tilespmem:s29+$0x320]  }
0xae: {  	[tilespmem:s29+$0x2C0] =	vst v12;
	v12 =	vld [tilespmem:s29+$0x330];
	v7 =	vmul.f32 v21, v7  }
0xaf: {  	[tilespmem:s29+$0x2D0] =	vst v13;
	v13 =	vld [tilespmem:s29+$0x340]  }
0xb0: {  	v8 =	vmul.f32 v22, v8;
	[tilespmem:s29+$0x2E0] =	vst v7;
	v7 =	vld [tilespmem:s29+$0x350]  }
0xb1: {  	v1 =	vld [tilespmem:s29+$0x83F0];
	v9 =	vmul.f32 v23, v9  }
0xb2: {  	[tilespmem:s29+$0x2F0] =	vst v8;
	v8 =	vmul.f32 v24, v10;
	v10 =	vld [tilespmem:s29+$0x370]  }
0xb3: {  	v14 =	vld [tilespmem:s29+$0x360];
	[tilespmem:s29+$0x300] =	vst v9;
	v9 =	vmul.f32 v25, v11  }
0xb4: {  	v11 =	vld [tilespmem:s29+$0x380];
	[tilespmem:s29+$0x310] =	vst v8;
	v8 =	vmul.f32 v26, v12  }
0xb5: {  	[tilespmem:s29+$0x320] =	vst v9;
	v12 =	vld [tilespmem:s29+$0x390];
	v9 =	vmul.f32 v27, v13;
	v13 =	vmul.f32 v28, v7  }
0xb6: {  	[tilespmem:s29+$0x330] =	vst v8;
	v8 =	vld [tilespmem:s29+$0x3A0]  }
0xb7: {  	v7 =	vld [tilespmem:s29+$0x3B0];
	[tilespmem:s29+$0x350] =	vst v13;
	v13 =	vmul.f32 v30, v10  }
0xb8: {  	v14 =	vmul.f32 v29, v14;
	[tilespmem:s29+$0x340] =	vst v9;
	v9 =	vld [tilespmem:s29+$0x3C0]  }
0xb9: {  	v10 =	vld [tilespmem:s29+$0x3D0];
	[tilespmem:s29+$0x370] =	vst v13;
	v13 =	vmul.f32 v31, v11  }
0xba: {  	s30 =	simm.s32 $0x800;
	[tilespmem:s29+$0x360] =	vst v14;
	v12 =	vmul.f32 v32, v12;
	v11 =	vld [tilespmem:s29+$0x3E0]  }
.LBB2_4:
0xbb: {  	s31 =	sshra.s32 s30, $0x2;
	p0 =	sne.s32 s30, $0xF800;
	[tilespmem:s29+$0x380] =	vst v13;
	v6 =	vmul.f32 v6, v8;
	v8 =	vld [tilespmem:s29+$0x3F0]  }
0xbc: {  	v13 =	vld [tilespmem:s31+$0x8200];
	[tilespmem:s29+$0x390] =	vst v12;
	v5 =	vmul.f32 v5, v7  }
0xbd: {  	v7 =	vld [tilespmem:s31+$0x8210];
	[tilespmem:s29+$0x3A0] =	vst v6;
	v4 =	vmul.f32 v4, v9  }
0xbe: {  	v9 =	vld [tilespmem:s31+$0x8220];
	[tilespmem:s29+$0x3B0] =	vst v5;
	v3 =	vmul.f32 v3, v10  }
0xbf: {  	v10 =	vld [tilespmem:s31+$0x8230];
	[tilespmem:s29+$0x3C0] =	vst v4;
	v2 =	vmul.f32 v2, v11  }
0xc0: {  	v11 =	vld [tilespmem:s31+$0x8240];
	[tilespmem:s29+$0x3D0] =	vst v3;
	v1 =	vmul.f32 v1, v8  }
0xc1: {  	v8 =	vld [tilespmem:s31+$0x8250];
	[tilespmem:s29+$0x3E0] =	vst v2  }
0xc2: {  	v12 =	vld [tilespmem:s31+$0x8260];
	[tilespmem:s29+$0x3F0] =	vst v1;
	s29 =	smov.u32 s31  }
0xc3: {  	v14 =	vld [tilespmem:s29+$0x8270]  }
0xc4: {  	v15 =	vld [tilespmem:s29+$0x8280]  }
0xc5: {  	v16 =	vld [tilespmem:s29+$0x8290]  }
0xc6: {  	v17 =	vld [tilespmem:s29+$0x82A0]  }
0xc7: {  	v18 =	vld [tilespmem:s29+$0x82B0]  }
0xc8: {  	v19 =	vld [tilespmem:s29+$0x82C0]  }
0xc9: {  	v20 =	vld [tilespmem:s29+$0x82D0]  }
0xca: {  	v21 =	vld [tilespmem:s29+$0x82E0]  }
0xcb: {  	v22 =	vld [tilespmem:s29+$0x82F0]  }
0xcc: {  	v23 =	vld [tilespmem:s29+$0x8300]  }
0xcd: {  	v24 =	vld [tilespmem:s29+$0x8310]  }
0xce: {  	v25 =	vld [tilespmem:s29+$0x8320]  }
0xcf: {  	v26 =	vld [tilespmem:s29+$0x8330]  }
0xd0: {  	v27 =	vld [tilespmem:s29+$0x8340]  }
0xd1: {  	v28 =	vld [tilespmem:s29+$0x8350]  }
0xd2: {  	v29 =	vld [tilespmem:s29+$0x8360]  }
0xd3: {  	v30 =	vld [tilespmem:s29+$0x8370]  }
0xd4: {  	v31 =	vld [tilespmem:s29+$0x8380]  }
0xd5: {  	v32 =	vld [tilespmem:s29+$0x8390]  }
0xd6: {  	v6 =	vld [tilespmem:s29+$0x83A0]  }
0xd7: {  	v5 =	vld [tilespmem:s29+$0x83B0]  }
0xd8: {  	v4 =	vld [tilespmem:s29+$0x83C0]  }
0xd9: {  	v3 =	vld [tilespmem:s29+$0x83D0]  }
0xda: {  	v2 =	vld [tilespmem:s29+$0x83E0]  }
0xdb: {  	v1 =	vld [tilespmem:s29+$0x83F0]  }
0xdc: {  	v33 =	vld [tilespmem:s29+$0x200]  }
0xdd: {  	v34 =	vld [tilespmem:s29+$0x210]  }
0xde: {  	v35 =	vld [tilespmem:s29+$0x220]  }
0xdf: {  	v36 =	vld [tilespmem:s29+$0x230]  }
0xe0: {  	v37 =	vld [tilespmem:s29+$0x240]  }
0xe1: {  	v13 =	vmul.f32 v13, v33;
	v33 =	vld [tilespmem:s29+$0x250]  }
0xe2: {  	v7 =	vmul.f32 v7, v34;
	v34 =	vld [tilespmem:s29+$0x260]  }
0xe3: {  	[tilespmem:s29+$0x200] =	vst v13;
	v9 =	vmul.f32 v9, v35;
	v13 =	vld [tilespmem:s29+$0x270]  }
0xe4: {  	[tilespmem:s29+$0x210] =	vst v7;
	v7 =	vmul.f32 v10, v36;
	v10 =	vld [tilespmem:s29+$0x280]  }
0xe5: {  	[tilespmem:s29+$0x220] =	vst v9;
	v9 =	vmul.f32 v11, v37;
	v11 =	vld [tilespmem:s29+$0x290]  }
0xe6: {  	[tilespmem:s29+$0x230] =	vst v7;
	v7 =	vmul.f32 v8, v33;
	v8 =	vld [tilespmem:s29+$0x2A0]  }
0xe7: {  	[tilespmem:s29+$0x240] =	vst v9;
	v9 =	vmul.f32 v12, v34;
	v12 =	vld [tilespmem:s29+$0x2B0]  }
0xe8: {  	[tilespmem:s29+$0x250] =	vst v7;
	v7 =	vmul.f32 v14, v13;
	v13 =	vld [tilespmem:s29+$0x2C0]  }
0xe9: {  	[tilespmem:s29+$0x260] =	vst v9;
	v9 =	vmul.f32 v15, v10;
	v10 =	vld [tilespmem:s29+$0x2D0]  }
0xea: {  	[tilespmem:s29+$0x270] =	vst v7;
	v7 =	vmul.f32 v16, v11;
	v11 =	vld [tilespmem:s29+$0x2E0]  }
0xeb: {  	[tilespmem:s29+$0x280] =	vst v9;
	v8 =	vmul.f32 v17, v8;
	v9 =	vld [tilespmem:s29+$0x2F0]  }
0xec: {  	[tilespmem:s29+$0x290] =	vst v7;
	v7 =	vmul.f32 v18, v12;
	v12 =	vld [tilespmem:s29+$0x300]  }
0xed: {  	[tilespmem:s29+$0x2A0] =	vst v8;
	v8 =	vmul.f32 v19, v13;
	v13 =	vld [tilespmem:s29+$0x310]  }
0xee: {  	[tilespmem:s29+$0x2B0] =	vst v7;
	v7 =	vmul.f32 v20, v10;
	v10 =	vld [tilespmem:s29+$0x320]  }
0xef: {  	[tilespmem:s29+$0x2C0] =	vst v8;
	v8 =	vmul.f32 v21, v11;
	v11 =	vld [tilespmem:s29+$0x330]  }
0xf0: {  	[tilespmem:s29+$0x2D0] =	vst v7;
	v7 =	vmul.f32 v22, v9;
	v9 =	vld [tilespmem:s29+$0x340]  }
0xf1: {  	[tilespmem:s29+$0x2E0] =	vst v8;
	v8 =	vmul.f32 v23, v12;
	v12 =	vld [tilespmem:s29+$0x350]  }
0xf2: {  	[tilespmem:s29+$0x2F0] =	vst v7;
	v7 =	vmul.f32 v24, v13;
	v13 =	vld [tilespmem:s29+$0x360]  }
0xf3: {  	[tilespmem:s29+$0x300] =	vst v8;
	v8 =	vmul.f32 v25, v10;
	v10 =	vld [tilespmem:s29+$0x370]  }
0xf4: {  	[tilespmem:s29+$0x310] =	vst v7;
	v7 =	vmul.f32 v26, v11;
	v11 =	vld [tilespmem:s29+$0x380]  }
0xf5: {  	[tilespmem:s29+$0x320] =	vst v8;
	v9 =	vmul.f32 v27, v9;
	v14 =	vld [tilespmem:s29+$0x390]  }
.Ltmp1:
0xf6: {  	[tilespmem:s29+$0x330] =	vst v7;
	v12 =	vmul.f32 v28, v12;
	v8 =	vld [tilespmem:s29+$0x3A0];
	(pc) =	sbr.rel @p0 .LBB2_4-.Ltmp1, $4  }
0xf7: {  	[tilespmem:s29+$0x340] =	vst v9;
	v13 =	vmul.f32 v29, v13;
	v7 =	vld [tilespmem:s29+$0x3B0]  }
0xf8: {  	[tilespmem:s29+$0x350] =	vst v12;
	v12 =	vmul.f32 v30, v10;
	v9 =	vld [tilespmem:s29+$0x3C0]  }
0xf9: {  	[tilespmem:s29+$0x360] =	vst v13;
	v13 =	vmul.f32 v31, v11;
	v10 =	vld [tilespmem:s29+$0x3D0]  }
0xfa: {  	s30 =	sadd.s32 $0x800, s30;
	[tilespmem:s29+$0x370] =	vst v12;
	v12 =	vmul.f32 v32, v14;
	v11 =	vld [tilespmem:s29+$0x3E0]  }
0xfb: {  	[tilespmem:s29+$0x380] =	vst v13;
	v6 =	vmul.f32 v6, v8;
	v8 =	vld [tilespmem:s29+$0x3F0]  }
0xfc: {  	[tilespmem:s29+$0x390] =	vst v12;
	v5 =	vmul.f32 v5, v7  }
0xfd: {  	[tilespmem:s29+$0x3A0] =	vst v6;
	v4 =	vmul.f32 v4, v9  }
0xfe: {  	[tilespmem:s29+$0x3B0] =	vst v5;
	v3 =	vmul.f32 v3, v10  }
0xff: {  	[tilespmem:s29+$0x3C0] =	vst v4;
	v2 =	vmul.f32 v2, v11  }
0x100: {  	[tilespmem:s29+$0x3D0] =	vst v3;
	v1 =	vmul.f32 v1, v8  }
0x101: {  	[tilespmem:s29+$0x3E0] =	vst v2  }
0x102: {  	[tilespmem:s29+$0x3F0] =	vst v1  }
0x103: {  	[spmem:s3] =	stream.indirect.scatter.add.f32 [tilespmem:s17], [sflag:$0x6], $0x80, s16, s15, $0x2000b8;
	[tilespmem:$0x14200] =	vst v63  }
0x104: {  	_ =	swait.ge [sflag:s23], $0x4000  }
0x105: {  	[sflag:s23] =	ssyncset.done $0x0  }
0x106: {  	[sflag:s23] =	ssyncadd.s32 $0xFFFFC000  }
0x107: {  	_ =	swait.ge [sflag:s24], $0x4000  }
0x108: {  	[sflag:s24] =	ssyncset.done $0x0  }
0x109: {  	s29 =	simm.s32 $0x0;
	[sflag:s24] =	ssyncadd.s32 $0xFFFFC000  }
0x10a: {  	v7 =	vld [tilespmem:s29+$0xC200]  }
0x10b: {  	v8 =	vld [tilespmem:s29+$0xC210]  }
0x10c: {  	v9 =	vld [tilespmem:s29+$0xC220]  }
0x10d: {  	v10 =	vld [tilespmem:s29+$0xC230]  }
0x10e: {  	v11 =	vld [tilespmem:s29+$0xC240]  }
0x10f: {  	v12 =	vld [tilespmem:s29+$0xC250]  }
0x110: {  	v13 =	vld [tilespmem:s29+$0xC260]  }
0x111: {  	v14 =	vld [tilespmem:s29+$0xC270]  }
0x112: {  	v15 =	vld [tilespmem:s29+$0xC280]  }
0x113: {  	v16 =	vld [tilespmem:s29+$0xC290]  }
0x114: {  	v17 =	vld [tilespmem:s29+$0xC2A0]  }
0x115: {  	v18 =	vld [tilespmem:s29+$0xC2B0]  }
0x116: {  	v19 =	vld [tilespmem:s29+$0xC2C0]  }
0x117: {  	v20 =	vld [tilespmem:s29+$0xC2D0]  }
0x118: {  	v21 =	vld [tilespmem:s29+$0xC2E0]  }
0x119: {  	v22 =	vld [tilespmem:s29+$0xC2F0]  }
0x11a: {  	v23 =	vld [tilespmem:s29+$0xC300]  }
0x11b: {  	v24 =	vld [tilespmem:s29+$0xC310]  }
0x11c: {  	v25 =	vld [tilespmem:s29+$0xC320]  }
0x11d: {  	v26 =	vld [tilespmem:s29+$0xC330]  }
0x11e: {  	v27 =	vld [tilespmem:s29+$0xC340]  }
0x11f: {  	v28 =	vld [tilespmem:s29+$0xC350]  }
0x120: {  	v29 =	vld [tilespmem:s29+$0xC360]  }
0x121: {  	v30 =	vld [tilespmem:s29+$0xC370]  }
0x122: {  	v31 =	vld [tilespmem:s29+$0xC380]  }
0x123: {  	v32 =	vld [tilespmem:s29+$0xC390]  }
0x124: {  	v6 =	vld [tilespmem:s29+$0xC3A0]  }
0x125: {  	v5 =	vld [tilespmem:s29+$0xC3B0]  }
0x126: {  	v4 =	vld [tilespmem:s29+$0xC3C0]  }
0x127: {  	v3 =	vld [tilespmem:s29+$0xC3D0]  }
0x128: {  	v2 =	vld [tilespmem:s29+$0xC3E0]  }
0x129: {  	v33 =	vld [tilespmem:s29+$0x4200]  }
0x12a: {  	v34 =	vld [tilespmem:s29+$0x4210]  }
0x12b: {  	v35 =	vld [tilespmem:s29+$0x4220]  }
0x12c: {  	v36 =	vld [tilespmem:s29+$0x4230]  }
0x12d: {  	v37 =	vld [tilespmem:s29+$0x4240]  }
0x12e: {  	v63 =	vld [tilespmem:s29+$0x4250];
	v7 =	vmul.f32 v7, v33  }
0x12f: {  	v38 =	vld [tilespmem:s29+$0x4260];
	v8 =	vmul.f32 v8, v34  }
0x130: {  	v9 =	vmul.f32 v9, v35;
	[tilespmem:s29+$0x4200] =	vst v7;
	v7 =	vld [tilespmem:s29+$0x4270]  }
0x131: {  	v10 =	vmul.f32 v10, v36;
	[tilespmem:s29+$0x4210] =	vst v8;
	v8 =	vld [tilespmem:s29+$0x4280]  }
0x132: {  	v11 =	vmul.f32 v11, v37;
	[tilespmem:s29+$0x4220] =	vst v9;
	v9 =	vld [tilespmem:s29+$0x4290]  }
0x133: {  	v12 =	vmul.f32 v12, v63;
	[tilespmem:s29+$0x4230] =	vst v10;
	v10 =	vld [tilespmem:s29+$0x42A0]  }
0x134: {  	v13 =	vmul.f32 v13, v38;
	[tilespmem:s29+$0x4240] =	vst v11;
	v11 =	vld [tilespmem:s29+$0x42B0]  }
0x135: {  	[tilespmem:s29+$0x4250] =	vst v12;
	v12 =	vld [tilespmem:s29+$0x42C0];
	v7 =	vmul.f32 v14, v7  }
0x136: {  	[tilespmem:s29+$0x4260] =	vst v13;
	v13 =	vld [tilespmem:s29+$0x42D0];
	v8 =	vmul.f32 v15, v8  }
0x137: {  	v9 =	vmul.f32 v16, v9;
	[tilespmem:s29+$0x4270] =	vst v7;
	v7 =	vld [tilespmem:s29+$0x42E0]  }
0x138: {  	v10 =	vmul.f32 v17, v10;
	[tilespmem:s29+$0x4280] =	vst v8;
	v8 =	vld [tilespmem:s29+$0x42F0]  }
0x139: {  	v11 =	vmul.f32 v18, v11;
	[tilespmem:s29+$0x4290] =	vst v9;
	v9 =	vld [tilespmem:s29+$0x4300]  }
0x13a: {  	v12 =	vmul.f32 v19, v12;
	[tilespmem:s29+$0x42A0] =	vst v10;
	v10 =	vld [tilespmem:s29+$0x4310]  }
0x13b: {  	v13 =	vmul.f32 v20, v13;
	[tilespmem:s29+$0x42B0] =	vst v11;
	v11 =	vld [tilespmem:s29+$0x4320]  }
0x13c: {  	[tilespmem:s29+$0x42C0] =	vst v12;
	v12 =	vld [tilespmem:s29+$0x4330];
	v7 =	vmul.f32 v21, v7  }
0x13d: {  	[tilespmem:s29+$0x42D0] =	vst v13;
	v13 =	vld [tilespmem:s29+$0x4340]  }
0x13e: {  	v8 =	vmul.f32 v22, v8;
	[tilespmem:s29+$0x42E0] =	vst v7;
	v7 =	vld [tilespmem:s29+$0x4350]  }
0x13f: {  	v1 =	vld [tilespmem:s29+$0xC3F0];
	v9 =	vmul.f32 v23, v9  }
0x140: {  	[tilespmem:s29+$0x42F0] =	vst v8;
	v8 =	vmul.f32 v24, v10;
	v10 =	vld [tilespmem:s29+$0x4370]  }
0x141: {  	v14 =	vld [tilespmem:s29+$0x4360];
	[tilespmem:s29+$0x4300] =	vst v9;
	v9 =	vmul.f32 v25, v11  }
0x142: {  	v11 =	vld [tilespmem:s29+$0x4380];
	[tilespmem:s29+$0x4310] =	vst v8;
	v8 =	vmul.f32 v26, v12  }
0x143: {  	[tilespmem:s29+$0x4320] =	vst v9;
	v12 =	vld [tilespmem:s29+$0x4390];
	v9 =	vmul.f32 v27, v13;
	v13 =	vmul.f32 v28, v7  }
0x144: {  	[tilespmem:s29+$0x4330] =	vst v8;
	v8 =	vld [tilespmem:s29+$0x43A0]  }
0x145: {  	v7 =	vld [tilespmem:s29+$0x43B0];
	[tilespmem:s29+$0x4350] =	vst v13;
	v13 =	vmul.f32 v30, v10  }
0x146: {  	v14 =	vmul.f32 v29, v14;
	[tilespmem:s29+$0x4340] =	vst v9;
	v9 =	vld [tilespmem:s29+$0x43C0]  }
0x147: {  	v10 =	vld [tilespmem:s29+$0x43D0];
	[tilespmem:s29+$0x4370] =	vst v13;
	v13 =	vmul.f32 v31, v11  }
0x148: {  	s30 =	simm.s32 $0x800;
	[tilespmem:s29+$0x4360] =	vst v14;
	v12 =	vmul.f32 v32, v12;
	v11 =	vld [tilespmem:s29+$0x43E0]  }
.LBB2_6:
0x149: {  	s31 =	sshra.s32 s30, $0x2;
	p0 =	sne.s32 s30, $0xF800;
	[tilespmem:s29+$0x4380] =	vst v13;
	v6 =	vmul.f32 v6, v8;
	v8 =	vld [tilespmem:s29+$0x43F0]  }
0x14a: {  	v13 =	vld [tilespmem:s31+$0xC200];
	[tilespmem:s29+$0x4390] =	vst v12;
	v5 =	vmul.f32 v5, v7  }
0x14b: {  	v7 =	vld [tilespmem:s31+$0xC210];
	[tilespmem:s29+$0x43A0] =	vst v6;
	v4 =	vmul.f32 v4, v9  }
0x14c: {  	v9 =	vld [tilespmem:s31+$0xC220];
	[tilespmem:s29+$0x43B0] =	vst v5;
	v3 =	vmul.f32 v3, v10  }
0x14d: {  	v10 =	vld [tilespmem:s31+$0xC230];
	[tilespmem:s29+$0x43C0] =	vst v4;
	v2 =	vmul.f32 v2, v11  }
0x14e: {  	v11 =	vld [tilespmem:s31+$0xC240];
	[tilespmem:s29+$0x43D0] =	vst v3;
	v1 =	vmul.f32 v1, v8  }
0x14f: {  	v8 =	vld [tilespmem:s31+$0xC250];
	[tilespmem:s29+$0x43E0] =	vst v2  }
0x150: {  	v12 =	vld [tilespmem:s31+$0xC260];
	[tilespmem:s29+$0x43F0] =	vst v1;
	s29 =	smov.u32 s31  }
0x151: {  	v14 =	vld [tilespmem:s29+$0xC270]  }
0x152: {  	v15 =	vld [tilespmem:s29+$0xC280]  }
0x153: {  	v16 =	vld [tilespmem:s29+$0xC290]  }
0x154: {  	v17 =	vld [tilespmem:s29+$0xC2A0]  }
0x155: {  	v18 =	vld [tilespmem:s29+$0xC2B0]  }
0x156: {  	v19 =	vld [tilespmem:s29+$0xC2C0]  }
0x157: {  	v20 =	vld [tilespmem:s29+$0xC2D0]  }
0x158: {  	v21 =	vld [tilespmem:s29+$0xC2E0]  }
0x159: {  	v22 =	vld [tilespmem:s29+$0xC2F0]  }
0x15a: {  	v23 =	vld [tilespmem:s29+$0xC300]  }
0x15b: {  	v24 =	vld [tilespmem:s29+$0xC310]  }
0x15c: {  	v25 =	vld [tilespmem:s29+$0xC320]  }
0x15d: {  	v26 =	vld [tilespmem:s29+$0xC330]  }
0x15e: {  	v27 =	vld [tilespmem:s29+$0xC340]  }
0x15f: {  	v28 =	vld [tilespmem:s29+$0xC350]  }
0x160: {  	v29 =	vld [tilespmem:s29+$0xC360]  }
0x161: {  	v30 =	vld [tilespmem:s29+$0xC370]  }
0x162: {  	v31 =	vld [tilespmem:s29+$0xC380]  }
0x163: {  	v32 =	vld [tilespmem:s29+$0xC390]  }
0x164: {  	v6 =	vld [tilespmem:s29+$0xC3A0]  }
0x165: {  	v5 =	vld [tilespmem:s29+$0xC3B0]  }
0x166: {  	v4 =	vld [tilespmem:s29+$0xC3C0]  }
0x167: {  	v3 =	vld [tilespmem:s29+$0xC3D0]  }
0x168: {  	v2 =	vld [tilespmem:s29+$0xC3E0]  }
0x169: {  	v1 =	vld [tilespmem:s29+$0xC3F0]  }
0x16a: {  	v33 =	vld [tilespmem:s29+$0x4200]  }
0x16b: {  	v34 =	vld [tilespmem:s29+$0x4210]  }
0x16c: {  	v35 =	vld [tilespmem:s29+$0x4220]  }
0x16d: {  	v36 =	vld [tilespmem:s29+$0x4230]  }
0x16e: {  	v37 =	vld [tilespmem:s29+$0x4240]  }
0x16f: {  	v13 =	vmul.f32 v13, v33;
	v33 =	vld [tilespmem:s29+$0x4250]  }
0x170: {  	v7 =	vmul.f32 v7, v34;
	v34 =	vld [tilespmem:s29+$0x4260]  }
0x171: {  	[tilespmem:s29+$0x4200] =	vst v13;
	v9 =	vmul.f32 v9, v35;
	v13 =	vld [tilespmem:s29+$0x4270]  }
0x172: {  	[tilespmem:s29+$0x4210] =	vst v7;
	v7 =	vmul.f32 v10, v36;
	v10 =	vld [tilespmem:s29+$0x4280]  }
0x173: {  	[tilespmem:s29+$0x4220] =	vst v9;
	v9 =	vmul.f32 v11, v37;
	v11 =	vld [tilespmem:s29+$0x4290]  }
0x174: {  	[tilespmem:s29+$0x4230] =	vst v7;
	v7 =	vmul.f32 v8, v33;
	v8 =	vld [tilespmem:s29+$0x42A0]  }
0x175: {  	[tilespmem:s29+$0x4240] =	vst v9;
	v9 =	vmul.f32 v12, v34;
	v12 =	vld [tilespmem:s29+$0x42B0]  }
0x176: {  	[tilespmem:s29+$0x4250] =	vst v7;
	v7 =	vmul.f32 v14, v13;
	v13 =	vld [tilespmem:s29+$0x42C0]  }
0x177: {  	[tilespmem:s29+$0x4260] =	vst v9;
	v9 =	vmul.f32 v15, v10;
	v10 =	vld [tilespmem:s29+$0x42D0]  }
0x178: {  	[tilespmem:s29+$0x4270] =	vst v7;
	v7 =	vmul.f32 v16, v11;
	v11 =	vld [tilespmem:s29+$0x42E0]  }
0x179: {  	[tilespmem:s29+$0x4280] =	vst v9;
	v8 =	vmul.f32 v17, v8;
	v9 =	vld [tilespmem:s29+$0x42F0]  }
0x17a: {  	[tilespmem:s29+$0x4290] =	vst v7;
	v7 =	vmul.f32 v18, v12;
	v12 =	vld [tilespmem:s29+$0x4300]  }
0x17b: {  	[tilespmem:s29+$0x42A0] =	vst v8;
	v8 =	vmul.f32 v19, v13;
	v13 =	vld [tilespmem:s29+$0x4310]  }
0x17c: {  	[tilespmem:s29+$0x42B0] =	vst v7;
	v7 =	vmul.f32 v20, v10;
	v10 =	vld [tilespmem:s29+$0x4320]  }
0x17d: {  	[tilespmem:s29+$0x42C0] =	vst v8;
	v8 =	vmul.f32 v21, v11;
	v11 =	vld [tilespmem:s29+$0x4330]  }
0x17e: {  	[tilespmem:s29+$0x42D0] =	vst v7;
	v7 =	vmul.f32 v22, v9;
	v9 =	vld [tilespmem:s29+$0x4340]  }
0x17f: {  	[tilespmem:s29+$0x42E0] =	vst v8;
	v8 =	vmul.f32 v23, v12;
	v12 =	vld [tilespmem:s29+$0x4350]  }
0x180: {  	[tilespmem:s29+$0x42F0] =	vst v7;
	v7 =	vmul.f32 v24, v13;
	v13 =	vld [tilespmem:s29+$0x4360]  }
0x181: {  	[tilespmem:s29+$0x4300] =	vst v8;
	v8 =	vmul.f32 v25, v10;
	v10 =	vld [tilespmem:s29+$0x4370]  }
0x182: {  	[tilespmem:s29+$0x4310] =	vst v7;
	v7 =	vmul.f32 v26, v11;
	v11 =	vld [tilespmem:s29+$0x4380]  }
0x183: {  	[tilespmem:s29+$0x4320] =	vst v8;
	v9 =	vmul.f32 v27, v9;
	v14 =	vld [tilespmem:s29+$0x4390]  }
.Ltmp2:
0x184: {  	[tilespmem:s29+$0x4330] =	vst v7;
	v12 =	vmul.f32 v28, v12;
	v8 =	vld [tilespmem:s29+$0x43A0];
	(pc) =	sbr.rel @p0 .LBB2_6-.Ltmp2, $4  }
0x185: {  	[tilespmem:s29+$0x4340] =	vst v9;
	v13 =	vmul.f32 v29, v13;
	v7 =	vld [tilespmem:s29+$0x43B0]  }
0x186: {  	[tilespmem:s29+$0x4350] =	vst v12;
	v12 =	vmul.f32 v30, v10;
	v9 =	vld [tilespmem:s29+$0x43C0]  }
0x187: {  	[tilespmem:s29+$0x4360] =	vst v13;
	v13 =	vmul.f32 v31, v11;
	v10 =	vld [tilespmem:s29+$0x43D0]  }
0x188: {  	s30 =	sadd.s32 $0x800, s30;
	[tilespmem:s29+$0x4370] =	vst v12;
	v12 =	vmul.f32 v32, v14;
	v11 =	vld [tilespmem:s29+$0x43E0]  }
0x189: {  	[tilespmem:s29+$0x4380] =	vst v13;
	v6 =	vmul.f32 v6, v8;
	v63 =	vld [tilespmem:s29+$0x43F0]  }
0x18a: {  	[tilespmem:s29+$0x4390] =	vst v12;
	v5 =	vmul.f32 v5, v7  }
0x18b: {  	[tilespmem:s29+$0x43A0] =	vst v6;
	v4 =	vmul.f32 v4, v9  }
0x18c: {  	[tilespmem:s29+$0x43B0] =	vst v5;
	v3 =	vmul.f32 v3, v10  }
0x18d: {  	[tilespmem:s29+$0x43C0] =	vst v4;
	v2 =	vmul.f32 v2, v11  }
0x18e: {  	[tilespmem:s29+$0x43D0] =	vst v3;
	v1 =	vmul.f32 v1, v63  }
0x18f: {  	[tilespmem:s29+$0x43E0] =	vst v2  }
0x190: {  	[tilespmem:s29+$0x43F0] =	vst v1  }
0x191: {  	[spmem:s3] =	stream.indirect.scatter.add.f32 [tilespmem:s20], [sflag:$0x6], $0x80, s25, s15, $0x2000b8;
	[tilespmem:$0x14200] =	vst v63  }
0x192: {  	_ =	swait.ge [sflag:s26], $0x4000  }
0x193: {  	[sflag:s26] =	ssyncset.done $0x0  }
0x194: {  	[sflag:s26] =	ssyncadd.s32 $0xFFFFC000  }
0x195: {  	_ =	swait.ge [sflag:s26], $0x4000  }
0x196: {  	[sflag:s26] =	ssyncset.done $0x0  }
0x197: {  	[sflag:s26] =	ssyncadd.s32 $0xFFFFC000  }
0x198: {  	_ =	strace $0x9000004B  }
0x199: {  	_ =	strace $0x8000004C  }
0x19a: {  	s31 =	sshll.u32 s2, $0x6;
	[bflag:$0x0] =	sbarrier.arrive $0xFFFF  }
0x19b: {  	s30 =	sshrl.u32 s10, $0x3;
	s28 =	sadd.s32 $0x1, s28;
	_ =	strace $0x9000004C  }
0x19c: {  	p0 =	sne.s32 s28, s12;
	s29 =	sor.u32 $0x1C07, s31;
	_ =	strace $0x8000004D  }
0x19d: {  	[hbm:s11], [sflag:s29] =	dma.local [spmem:s30], $0x800  }
.Ltmp3:
0x19e: {  	_ = 	snop;
	(pc) =	sbr.rel @p0 .LBB2_1-.Ltmp3, $4  }
0x19f: {  	_ =	swait.ge [sflag:s18], $0x800  }
0x1a0: {  	[sflag:s18] =	ssyncset.done $0x0  }
0x1a1: {  	[sflag:s18] =	ssyncadd.s32 $0xFFFFF800  }
0x1a2: {  	_ =	strace $0x9000004D  }
0x1a3: {  	_ =	sfence.sel $0x180000  }
0x1a4: {  	[bflag:$0x0] =	sbarrier.arrive $0xFFFF  }
0x1a5: {  	p0 =	sne.s32 s2, $0x0;
	_ =	strace $0x90000047  }
0x1a6: {  	s0 =	sadd.s32 @!p0 $0x100000, s0;
	[bflag:$0x2] =	sbarrier.arrive $0xFFFF  }
0x1a7: {  	[sflag:s0] =	ssyncadd.tile.s32 @!p0 $0x1;
	_ =	shalt  }
.Lfunc_end2:
_tile_overlayer_lowered:
.L_overlay_start_2:
0x1a8: {  	(tag) =	ssettag $0x2  }
0x1a9: {  	s0 =	rddreg [dreg:$0x0];
	s2 =	stileid.u32  }
0x1aa: {  	s1 =	rddreg [dreg:$0x1];
	p0 =	sne.s32 s2, $0x0  }
0x1ab: {  	s3 =	rddreg [dreg:$0x2];
	[bflag:$0x3] =	sbarrier.arrive $0xFFFF;
	s2 =	simm.s32 @!p0 $0x1C07  }
0x1ac: {  	[timem:s3], [sflag:s2] =	dma.local @!p0 [hbm:s0], s1  }
0x1ad: {  	s0 =	simm.s32 @!p0 $0x7  }
0x1ae: {  	_ =	swait.ge @!p0 [sflag:s0], s1  }
0x1af: {  	s1 =	ssub.s32 @!p0 $0x0, s1;
	[sflag:s0] =	ssyncset.done @!p0 $0x0  }
0x1b0: {  	[sflag:s0] =	ssyncadd.s32 @!p0 s1  }
0x1b1: {  	[bflag:$0x3] =	sbarrier.arrive $0xFFFF  }
0x1b2: {  	_ =	shalt  }

</sc_bundles>
